<compile_context>
chip_gen: v7x
topology: tpu7x:2x2x1
jax: 0.10.2.dev20260603
libtpu: 0.0.44.dev20260713+nightly
codegen_flags: <defaults>
</compile_context>

<pallas_src>
import functools

import jax
import jax.numpy as jnp
from jax import lax
from jax.experimental import pallas as pl
from jax.experimental.pallas import tpu as pltpu
from jax.experimental.pallas import tpu_sc as plsc

E = 320000
NN = 10000
D = 128
DW = D // 2
NW = 32
NS = 16
EPW = E // NW
C = 16
NB = 5
NCH = EPW // C
NSUP = NCH // NB
L = 16
NG = C // L


def _build_sc():
    mesh = plsc.VectorSubcoreMesh(core_axis_name="c", subcore_axis_name="s")

    @functools.partial(
        pl.kernel,
        mesh=mesh,
        compiler_params=pltpu.CompilerParams(needs_layout_passes=False),
        out_type=jax.ShapeDtypeStruct((E,), jnp.float32),
        scratch_types=(
            [
                pltpu.VMEM((EPW,), jnp.int32),
                pltpu.VMEM((EPW,), jnp.int32),
                pltpu.VMEM((NB, C, D), jnp.float32),
                pltpu.VMEM((NB, C, D), jnp.float32),
                pltpu.VMEM((NB, C), jnp.float32),
                pltpu.VMEM_SHARED((NN, D), jnp.float32),
            ]
            + [pltpu.SemaphoreType.DMA] * (2 * NB)
        ),
    )
    def _sc(node_hbm, src_hbm, dst_hbm, out_hbm,
            sidx, didx, sbuf, dbuf, outv, shared, *sems):
        rsem = sems[:NB]
        ssem = sems[NB:]
        cid = lax.axis_index("c")
        sid = lax.axis_index("s")
        wid = sid * 2 + cid
        base = wid * EPW

        rows = 624
        foff = pl.multiple_of(sid * rows, 8)
        pltpu.sync_copy(node_hbm.at[pl.ds(foff, rows)],
                        shared.at[pl.ds(foff, rows)])

        @pl.when(sid == NS - 1)
        def _():
            pltpu.sync_copy(node_hbm.at[pl.ds(NS * rows, NN - NS * rows)],
                            shared.at[pl.ds(NS * rows, NN - NS * rows)])
        pltpu.sync_copy(src_hbm.at[pl.ds(base, EPW)], sidx)
        pltpu.sync_copy(dst_hbm.at[pl.ds(base, EPW)], didx)
        plsc.subcore_barrier()

        lane = lax.iota(jnp.int32, L)

        def issue(c, b):
            off = pl.multiple_of(c * C, 8)
            pltpu.async_copy(shared.at[sidx.at[pl.ds(off, C)]],
                             sbuf.at[b], rsem[b])
            pltpu.async_copy(shared.at[didx.at[pl.ds(off, C)]],
                             dbuf.at[b], rsem[b])

        def drain_rows(b):
            pltpu.make_async_copy(node_hbm.at[pl.ds(0, C)],
                                  sbuf.at[b], rsem[b]).wait()
            pltpu.make_async_copy(node_hbm.at[pl.ds(0, C)],
                                  dbuf.at[b], rsem[b]).wait()

        def drain_store(b):
            pltpu.make_async_copy(outv.at[b],
                                  out_hbm.at[pl.ds(0, C)], ssem[b]).wait()

        def compute(c, b):
            s_r = sbuf.at[b]
            d_r = dbuf.at[b]

            def grp_body(g, _):
                def edge_body(k, res):
                    e = g * L + k
                    acc0 = s_r[e, pl.ds(0, L)] * d_r[e, pl.ds(0, L)]
                    acc1 = s_r[e, pl.ds(L, L)] * d_r[e, pl.ds(L, L)]
                    for j in range(2, D // L, 2):
                        acc0 = acc0 + (s_r[e, pl.ds(j * L, L)]
                                       * d_r[e, pl.ds(j * L, L)])
                        acc1 = acc1 + (s_r[e, pl.ds((j + 1) * L, L)]
                                       * d_r[e, pl.ds((j + 1) * L, L)])
                    return jnp.where(lane == k, jnp.sum(acc0 + acc1), res)

                res = lax.fori_loop(0, L, edge_body,
                                    jnp.zeros((L,), jnp.float32), unroll=2)
                outv[b, pl.ds(pl.multiple_of(g * L, 8), L)] = res
                return 0

            lax.fori_loop(0, NG, grp_body, 0)

        for b in range(NB):
            issue(b, b)

        def step(g, _):
            for b in range(NB):
                c = g * NB + b
                drain_rows(b)

                @pl.when(c >= NB)
                def _():
                    drain_store(b)

                compute(c, b)
                off = pl.multiple_of(base + c * C, 8)
                pltpu.async_copy(outv.at[b], out_hbm.at[pl.ds(off, C)],
                                 ssem[b])

                @pl.when(c + NB < NCH)
                def _():
                    issue(c + NB, b)
            return 0

        lax.fori_loop(0, NSUP, step, 0)
        for b in range(NB):
            drain_store(b)

    return _sc


_sc_kernel = _build_sc()


def kernel(node_feature, edge_src, edge_dst):
    src = edge_src.astype(jnp.int32)
    dst = edge_dst.astype(jnp.int32)
    scores = _sc_kernel(node_feature, src, dst)
    return scores[:, None]

# --- scband reference (transcript-rebuilt; emitter-appended) ---
"""Pipeline reference for scband-dot-product-incident-26207890440258 (READ-ONLY COPY).

The authoritative reference and input builder live on the scoring server;
editing this copy changes nothing except your own understanding.
"""

import jax, jax.numpy as jnp
import numpy as np

N_NODES = 10000
N_EDGES = 320000
D_FEAT = 128

def setup_inputs(seed: int = 0) -> dict:
    key = jax.random.key(seed)
    k1, k2, k3 = jax.random.split(key, 3)
    node_feature = jax.random.normal(k1, (N_NODES, D_FEAT), dtype=jnp.float32)
    edge_src = jax.random.randint(k2, (N_EDGES,), 0, N_NODES, dtype=jnp.int64)
    edge_dst = jax.random.randint(k3, (N_EDGES,), 0, N_NODES, dtype=jnp.int64)
    return {"node_feature": node_feature, "edge_src": edge_src, "edge_dst": edge_dst}

def reference(node_feature, edge_src, edge_dst):
    # adjacency = stack([edge_src, edge_dst], axis=1) -> [E, 2]
    # node_feature_incident = gather(node_feature, adjacency) -> [E, 2, D]
    # edge_score = sum(prod(incident, axis=1), axis=1, keepdims=True) -> [E, 1]
    src_feat = jnp.take(node_feature, edge_src, axis=0)  # [E, D]
    dst_feat = jnp.take(node_feature, edge_dst, axis=0)  # [E, D]
    edge_score = jnp.sum(src_feat * dst_feat, axis=1, keepdims=True)  # [E, 1]
    # apply_sigmoid=False, data_field=None -> return edge_score tensor directly
    return edge_score

if __name__ == "__main__":
    import jax
    _d = setup_inputs()
    print(jax.jit(kernel)(*tuple(_d.values())))

</pallas_src>

<mosaic_0001>
#map = affine_map<(d0, d1) -> (0, 0)>
#map1 = affine_map<(d0, d1) -> (0)>
module attributes {stable_mosaic.version = 14 : i64} {
  func.func @_sc(%arg0: i32, %arg1: i32, %arg2: memref<10000x128xf32, #tpu.memory_space<hbm>>, %arg3: memref<320000xi32, #tpu.memory_space<hbm>>, %arg4: memref<320000xi32, #tpu.memory_space<hbm>>, %arg5: memref<320000xf32, #tpu.memory_space<hbm>>, %arg6: memref<10000xi32, #tpu.memory_space<vmem>>, %arg7: memref<10000xi32, #tpu.memory_space<vmem>>, %arg8: memref<5x16x128xf32, #tpu.memory_space<vmem>>, %arg9: memref<5x16x128xf32, #tpu.memory_space<vmem>>, %arg10: memref<5x16xf32, #tpu.memory_space<vmem>>, %arg11: memref<10000x128xf32, #tpu.memory_space<vmem_shared>>, %arg12: memref<!tpu.dma_semaphore, #tpu.memory_space<semaphore_mem>>, %arg13: memref<!tpu.dma_semaphore, #tpu.memory_space<semaphore_mem>>, %arg14: memref<!tpu.dma_semaphore, #tpu.memory_space<semaphore_mem>>, %arg15: memref<!tpu.dma_semaphore, #tpu.memory_space<semaphore_mem>>, %arg16: memref<!tpu.dma_semaphore, #tpu.memory_space<semaphore_mem>>, %arg17: memref<!tpu.dma_semaphore, #tpu.memory_space<semaphore_mem>>, %arg18: memref<!tpu.dma_semaphore, #tpu.memory_space<semaphore_mem>>, %arg19: memref<!tpu.dma_semaphore, #tpu.memory_space<semaphore_mem>>, %arg20: memref<!tpu.dma_semaphore, #tpu.memory_space<semaphore_mem>>, %arg21: memref<!tpu.dma_semaphore, #tpu.memory_space<semaphore_mem>>) attributes {dimension_semantics = [#tpu.dimension_semantics<core_parallel>, #tpu.dimension_semantics<subcore_parallel>], iteration_bounds = array<i64: 2, 16>, scalar_prefetch = 0 : i64, scratch_operands = 16 : i64, tpu.core_type = #tpu.core_type<sc_vector_subcore>, window_params = [{transform_indices = #map}, {transform_indices = #map1}, {transform_indices = #map1}, {transform_indices = #map1}]} {
    %mul3A = arith.constant 2 : i32
    %mul3A_0 = arith.muli %arg1, %mul3A : i32
    %add3A = arith.addi %mul3A_0, %arg0 : i32
    %mul3A_1 = arith.constant 10000 : i32
    %mul3A_2 = arith.muli %add3A, %mul3A_1 : i32
    %mul3A_3 = arith.constant 624 : i32
    %mul3A_4 = arith.muli %arg1, %mul3A_3 : i32
    %multiple_of3A = tpu.assume_multiple %mul3A_4, 8 : i32
    "tpu.region"() ({
      %run_scoped3A = tpu.sem_alloc : memref<!tpu.dma_semaphore, #tpu.memory_space<semaphore_mem>>
      %dma_start3A_166 = arith.constant 0 : i32
      %dma_start3A_167 = tpu.memref_slice %arg11[%multiple_of3A, %dma_start3A_166] : memref<10000x128xf32, #tpu.memory_space<vmem_shared>> -> memref<624x128xf32, #tpu.memory_space<vmem_shared>>
      %dma_start3A_168 = arith.constant 0 : i32
      %dma_start3A_169 = tpu.memref_slice %arg2[%multiple_of3A, %dma_start3A_168] : memref<10000x128xf32, #tpu.memory_space<hbm>> -> memref<624x128xf32, #tpu.memory_space<hbm>>
      tpu.enqueue_dma source(%dma_start3A_169 : memref<624x128xf32, #tpu.memory_space<hbm>>) target(%dma_start3A_167 : memref<624x128xf32, #tpu.memory_space<vmem_shared>>) target_semaphore(%run_scoped3A : memref<!tpu.dma_semaphore, #tpu.memory_space<semaphore_mem>>)
      %dma_wait3A_170 = arith.constant 0 : i32
      %dma_wait3A_171 = tpu.memref_slice %arg11[%multiple_of3A, %dma_wait3A_170] : memref<10000x128xf32, #tpu.memory_space<vmem_shared>> -> memref<624x128xf32, #tpu.memory_space<vmem_shared>>
      %dma_wait3A_172 = arith.constant 0 : i32
      %dma_wait3A_173 = tpu.memref_slice %arg2[%multiple_of3A, %dma_wait3A_172] : memref<10000x128xf32, #tpu.memory_space<hbm>> -> memref<624x128xf32, #tpu.memory_space<hbm>>
      tpu.wait_dma2 semaphore(%run_scoped3A : memref<!tpu.dma_semaphore, #tpu.memory_space<semaphore_mem>>) src(%dma_wait3A_173 : memref<624x128xf32, #tpu.memory_space<hbm>>) dst(%dma_wait3A_171 : memref<624x128xf32, #tpu.memory_space<vmem_shared>>)
      tpu.yield
    }) : () -> ()
    %eq3A = arith.constant 15 : i32
    %eq3A_5 = arith.cmpi eq, %arg1, %eq3A : i32
    %convert_element_type3A = arith.extui %eq3A_5 : i1 to i32
    %cond3A = arith.constant 0 : i32
    %cond3A_6 = arith.cmpi ne, %convert_element_type3A, %cond3A : i32
    scf.if %cond3A_6 {
      "tpu.region"() ({
        %run_scoped3A = tpu.sem_alloc : memref<!tpu.dma_semaphore, #tpu.memory_space<semaphore_mem>>
        %dma_start3A_166 = arith.constant 9984 : i32
        %dma_start3A_167 = arith.constant 0 : i32
        %dma_start3A_168 = tpu.memref_slice %arg11[%dma_start3A_166, %dma_start3A_167] : memref<10000x128xf32, #tpu.memory_space<vmem_shared>> -> memref<16x128xf32, #tpu.memory_space<vmem_shared>>
        %dma_start3A_169 = arith.constant 9984 : i32
        %dma_start3A_170 = arith.constant 0 : i32
        %dma_start3A_171 = tpu.memref_slice %arg2[%dma_start3A_169, %dma_start3A_170] : memref<10000x128xf32, #tpu.memory_space<hbm>> -> memref<16x128xf32, #tpu.memory_space<hbm>>
        tpu.enqueue_dma source(%dma_start3A_171 : memref<16x128xf32, #tpu.memory_space<hbm>>) target(%dma_start3A_168 : memref<16x128xf32, #tpu.memory_space<vmem_shared>>) target_semaphore(%run_scoped3A : memref<!tpu.dma_semaphore, #tpu.memory_space<semaphore_mem>>)
        %dma_wait3A_172 = arith.constant 9984 : i32
        %dma_wait3A_173 = arith.constant 0 : i32
        %dma_wait3A_174 = tpu.memref_slice %arg11[%dma_wait3A_172, %dma_wait3A_173] : memref<10000x128xf32, #tpu.memory_space<vmem_shared>> -> memref<16x128xf32, #tpu.memory_space<vmem_shared>>
        %dma_wait3A_175 = arith.constant 9984 : i32
        %dma_wait3A_176 = arith.constant 0 : i32
        %dma_wait3A_177 = tpu.memref_slice %arg2[%dma_wait3A_175, %dma_wait3A_176] : memref<10000x128xf32, #tpu.memory_space<hbm>> -> memref<16x128xf32, #tpu.memory_space<hbm>>
        tpu.wait_dma2 semaphore(%run_scoped3A : memref<!tpu.dma_semaphore, #tpu.memory_space<semaphore_mem>>) src(%dma_wait3A_177 : memref<16x128xf32, #tpu.memory_space<hbm>>) dst(%dma_wait3A_174 : memref<16x128xf32, #tpu.memory_space<vmem_shared>>)
        tpu.yield
      }) : () -> ()
    } else {
    }
    "tpu.region"() ({
      %run_scoped3A = tpu.sem_alloc : memref<!tpu.dma_semaphore, #tpu.memory_space<semaphore_mem>>
      %dma_start3A_166 = tpu.memref_slice %arg3[%mul3A_2] : memref<320000xi32, #tpu.memory_space<hbm>> -> memref<10000xi32, #tpu.memory_space<hbm>>
      %dma_start3A_167 = tpu.memref_slice %arg3[%mul3A_2] : memref<320000xi32, #tpu.memory_space<hbm>> -> memref<10000xi32, #tpu.memory_space<hbm>>
      tpu.enqueue_dma source(%dma_start3A_167 : memref<10000xi32, #tpu.memory_space<hbm>>) target(%arg6 : memref<10000xi32, #tpu.memory_space<vmem>>) target_semaphore(%run_scoped3A : memref<!tpu.dma_semaphore, #tpu.memory_space<semaphore_mem>>)
      %dma_wait3A_168 = tpu.memref_slice %arg3[%mul3A_2] : memref<320000xi32, #tpu.memory_space<hbm>> -> memref<10000xi32, #tpu.memory_space<hbm>>
      %dma_wait3A_169 = tpu.memref_slice %arg3[%mul3A_2] : memref<320000xi32, #tpu.memory_space<hbm>> -> memref<10000xi32, #tpu.memory_space<hbm>>
      tpu.wait_dma2 semaphore(%run_scoped3A : memref<!tpu.dma_semaphore, #tpu.memory_space<semaphore_mem>>) src(%dma_wait3A_169 : memref<10000xi32, #tpu.memory_space<hbm>>) dst(%arg6 : memref<10000xi32, #tpu.memory_space<vmem>>)
      tpu.yield
    }) : () -> ()
    "tpu.region"() ({
      %run_scoped3A = tpu.sem_alloc : memref<!tpu.dma_semaphore, #tpu.memory_space<semaphore_mem>>
      %dma_start3A_166 = tpu.memref_slice %arg4[%mul3A_2] : memref<320000xi32, #tpu.memory_space<hbm>> -> memref<10000xi32, #tpu.memory_space<hbm>>
      %dma_start3A_167 = tpu.memref_slice %arg4[%mul3A_2] : memref<320000xi32, #tpu.memory_space<hbm>> -> memref<10000xi32, #tpu.memory_space<hbm>>
      tpu.enqueue_dma source(%dma_start3A_167 : memref<10000xi32, #tpu.memory_space<hbm>>) target(%arg7 : memref<10000xi32, #tpu.memory_space<vmem>>) target_semaphore(%run_scoped3A : memref<!tpu.dma_semaphore, #tpu.memory_space<semaphore_mem>>)
      %dma_wait3A_168 = tpu.memref_slice %arg4[%mul3A_2] : memref<320000xi32, #tpu.memory_space<hbm>> -> memref<10000xi32, #tpu.memory_space<hbm>>
      %dma_wait3A_169 = tpu.memref_slice %arg4[%mul3A_2] : memref<320000xi32, #tpu.memory_space<hbm>> -> memref<10000xi32, #tpu.memory_space<hbm>>
      tpu.wait_dma2 semaphore(%run_scoped3A : memref<!tpu.dma_semaphore, #tpu.memory_space<semaphore_mem>>) src(%dma_wait3A_169 : memref<10000xi32, #tpu.memory_space<hbm>>) dst(%arg7 : memref<10000xi32, #tpu.memory_space<vmem>>)
      tpu.yield
    }) : () -> ()
    %barrier3A = arith.constant 0 : index
    tpu.barrier barrier_id(%barrier3A)
    %iota3A = tpu.iota {dimensions = array<i32: 0>} : vector<16xi32>
    %multiple_of3A_7 = arith.constant 0 : i32
    %multiple_of3A_8 = tpu.assume_multiple %multiple_of3A_7, 8 : i32
    %dma_start3A = arith.constant 0 : i32
    %dma_start3A_9 = arith.constant 0 : i32
    %dma_start3A_10 = arith.constant 0 : i32
    %dma_start3A_11 = tpu.memref_slice %arg8[%dma_start3A, %dma_start3A_9, %dma_start3A_10] : memref<5x16x128xf32, #tpu.memory_space<vmem>> -> memref<1x16x128xf32, #tpu.memory_space<vmem>>
    %dma_start3A_12 = tpu.memref_squeeze %dma_start3A_11 : memref<1x16x128xf32, #tpu.memory_space<vmem>> -> memref<16x128xf32, #tpu.memory_space<vmem>>
    %dma_start3A_13 = tpu.memref_slice %arg6[%multiple_of3A_8] : memref<10000xi32, #tpu.memory_space<vmem>> -> memref<16xi32, #tpu.memory_space<vmem>>
    %dma_start3A_14 = arith.constant 0 : i32
    %dma_start3A_15 = arith.constant 0 : i32
    %dma_start3A_16 = tpu.memref_slice %arg11[%dma_start3A_14, %dma_start3A_15] : memref<10000x128xf32, #tpu.memory_space<vmem_shared>> -> memref<10000x128xf32, #tpu.memory_space<vmem_shared>>
    tpu.enqueue_indirect_dma source(%dma_start3A_16 : memref<10000x128xf32, #tpu.memory_space<vmem_shared>>) target(%dma_start3A_12 : memref<16x128xf32, #tpu.memory_space<vmem>>) offsets(%dma_start3A_13 : memref<16xi32, #tpu.memory_space<vmem>>) semaphore(%arg12 : memref<!tpu.dma_semaphore, #tpu.memory_space<semaphore_mem>>)
    %dma_start3A_17 = arith.constant 0 : i32
    %dma_start3A_18 = arith.constant 0 : i32
    %dma_start3A_19 = arith.constant 0 : i32
    %dma_start3A_20 = tpu.memref_slice %arg9[%dma_start3A_17, %dma_start3A_18, %dma_start3A_19] : memref<5x16x128xf32, #tpu.memory_space<vmem>> -> memref<1x16x128xf32, #tpu.memory_space<vmem>>
    %dma_start3A_21 = tpu.memref_squeeze %dma_start3A_20 : memref<1x16x128xf32, #tpu.memory_space<vmem>> -> memref<16x128xf32, #tpu.memory_space<vmem>>
    %dma_start3A_22 = tpu.memref_slice %arg7[%multiple_of3A_8] : memref<10000xi32, #tpu.memory_space<vmem>> -> memref<16xi32, #tpu.memory_space<vmem>>
    %dma_start3A_23 = arith.constant 0 : i32
    %dma_start3A_24 = arith.constant 0 : i32
    %dma_start3A_25 = tpu.memref_slice %arg11[%dma_start3A_23, %dma_start3A_24] : memref<10000x128xf32, #tpu.memory_space<vmem_shared>> -> memref<10000x128xf32, #tpu.memory_space<vmem_shared>>
    tpu.enqueue_indirect_dma source(%dma_start3A_25 : memref<10000x128xf32, #tpu.memory_space<vmem_shared>>) target(%dma_start3A_21 : memref<16x128xf32, #tpu.memory_space<vmem>>) offsets(%dma_start3A_22 : memref<16xi32, #tpu.memory_space<vmem>>) semaphore(%arg12 : memref<!tpu.dma_semaphore, #tpu.memory_space<semaphore_mem>>)
    %multiple_of3A_26 = arith.constant 16 : i32
    %multiple_of3A_27 = tpu.assume_multiple %multiple_of3A_26, 8 : i32
    %dma_start3A_28 = arith.constant 1 : i32
    %dma_start3A_29 = arith.constant 0 : i32
    %dma_start3A_30 = arith.constant 0 : i32
    %dma_start3A_31 = tpu.memref_slice %arg8[%dma_start3A_28, %dma_start3A_29, %dma_start3A_30] : memref<5x16x128xf32, #tpu.memory_space<vmem>> -> memref<1x16x128xf32, #tpu.memory_space<vmem>>
    %dma_start3A_32 = tpu.memref_squeeze %dma_start3A_31 : memref<1x16x128xf32, #tpu.memory_space<vmem>> -> memref<16x128xf32, #tpu.memory_space<vmem>>
    %dma_start3A_33 = tpu.memref_slice %arg6[%multiple_of3A_27] : memref<10000xi32, #tpu.memory_space<vmem>> -> memref<16xi32, #tpu.memory_space<vmem>>
    %dma_start3A_34 = arith.constant 0 : i32
    %dma_start3A_35 = arith.constant 0 : i32
    %dma_start3A_36 = tpu.memref_slice %arg11[%dma_start3A_34, %dma_start3A_35] : memref<10000x128xf32, #tpu.memory_space<vmem_shared>> -> memref<10000x128xf32, #tpu.memory_space<vmem_shared>>
    tpu.enqueue_indirect_dma source(%dma_start3A_36 : memref<10000x128xf32, #tpu.memory_space<vmem_shared>>) target(%dma_start3A_32 : memref<16x128xf32, #tpu.memory_space<vmem>>) offsets(%dma_start3A_33 : memref<16xi32, #tpu.memory_space<vmem>>) semaphore(%arg13 : memref<!tpu.dma_semaphore, #tpu.memory_space<semaphore_mem>>)
    %dma_start3A_37 = arith.constant 1 : i32
    %dma_start3A_38 = arith.constant 0 : i32
    %dma_start3A_39 = arith.constant 0 : i32
    %dma_start3A_40 = tpu.memref_slice %arg9[%dma_start3A_37, %dma_start3A_38, %dma_start3A_39] : memref<5x16x128xf32, #tpu.memory_space<vmem>> -> memref<1x16x128xf32, #tpu.memory_space<vmem>>
    %dma_start3A_41 = tpu.memref_squeeze %dma_start3A_40 : memref<1x16x128xf32, #tpu.memory_space<vmem>> -> memref<16x128xf32, #tpu.memory_space<vmem>>
    %dma_start3A_42 = tpu.memref_slice %arg7[%multiple_of3A_27] : memref<10000xi32, #tpu.memory_space<vmem>> -> memref<16xi32, #tpu.memory_space<vmem>>
    %dma_start3A_43 = arith.constant 0 : i32
    %dma_start3A_44 = arith.constant 0 : i32
    %dma_start3A_45 = tpu.memref_slice %arg11[%dma_start3A_43, %dma_start3A_44] : memref<10000x128xf32, #tpu.memory_space<vmem_shared>> -> memref<10000x128xf32, #tpu.memory_space<vmem_shared>>
    tpu.enqueue_indirect_dma source(%dma_start3A_45 : memref<10000x128xf32, #tpu.memory_space<vmem_shared>>) target(%dma_start3A_41 : memref<16x128xf32, #tpu.memory_space<vmem>>) offsets(%dma_start3A_42 : memref<16xi32, #tpu.memory_space<vmem>>) semaphore(%arg13 : memref<!tpu.dma_semaphore, #tpu.memory_space<semaphore_mem>>)
    %multiple_of3A_46 = arith.constant 32 : i32
    %multiple_of3A_47 = tpu.assume_multiple %multiple_of3A_46, 8 : i32
    %dma_start3A_48 = arith.constant 2 : i32
    %dma_start3A_49 = arith.constant 0 : i32
    %dma_start3A_50 = arith.constant 0 : i32
    %dma_start3A_51 = tpu.memref_slice %arg8[%dma_start3A_48, %dma_start3A_49, %dma_start3A_50] : memref<5x16x128xf32, #tpu.memory_space<vmem>> -> memref<1x16x128xf32, #tpu.memory_space<vmem>>
    %dma_start3A_52 = tpu.memref_squeeze %dma_start3A_51 : memref<1x16x128xf32, #tpu.memory_space<vmem>> -> memref<16x128xf32, #tpu.memory_space<vmem>>
    %dma_start3A_53 = tpu.memref_slice %arg6[%multiple_of3A_47] : memref<10000xi32, #tpu.memory_space<vmem>> -> memref<16xi32, #tpu.memory_space<vmem>>
    %dma_start3A_54 = arith.constant 0 : i32
    %dma_start3A_55 = arith.constant 0 : i32
    %dma_start3A_56 = tpu.memref_slice %arg11[%dma_start3A_54, %dma_start3A_55] : memref<10000x128xf32, #tpu.memory_space<vmem_shared>> -> memref<10000x128xf32, #tpu.memory_space<vmem_shared>>
    tpu.enqueue_indirect_dma source(%dma_start3A_56 : memref<10000x128xf32, #tpu.memory_space<vmem_shared>>) target(%dma_start3A_52 : memref<16x128xf32, #tpu.memory_space<vmem>>) offsets(%dma_start3A_53 : memref<16xi32, #tpu.memory_space<vmem>>) semaphore(%arg14 : memref<!tpu.dma_semaphore, #tpu.memory_space<semaphore_mem>>)
    %dma_start3A_57 = arith.constant 2 : i32
    %dma_start3A_58 = arith.constant 0 : i32
    %dma_start3A_59 = arith.constant 0 : i32
    %dma_start3A_60 = tpu.memref_slice %arg9[%dma_start3A_57, %dma_start3A_58, %dma_start3A_59] : memref<5x16x128xf32, #tpu.memory_space<vmem>> -> memref<1x16x128xf32, #tpu.memory_space<vmem>>
    %dma_start3A_61 = tpu.memref_squeeze %dma_start3A_60 : memref<1x16x128xf32, #tpu.memory_space<vmem>> -> memref<16x128xf32, #tpu.memory_space<vmem>>
    %dma_start3A_62 = tpu.memref_slice %arg7[%multiple_of3A_47] : memref<10000xi32, #tpu.memory_space<vmem>> -> memref<16xi32, #tpu.memory_space<vmem>>
    %dma_start3A_63 = arith.constant 0 : i32
    %dma_start3A_64 = arith.constant 0 : i32
    %dma_start3A_65 = tpu.memref_slice %arg11[%dma_start3A_63, %dma_start3A_64] : memref<10000x128xf32, #tpu.memory_space<vmem_shared>> -> memref<10000x128xf32, #tpu.memory_space<vmem_shared>>
    tpu.enqueue_indirect_dma source(%dma_start3A_65 : memref<10000x128xf32, #tpu.memory_space<vmem_shared>>) target(%dma_start3A_61 : memref<16x128xf32, #tpu.memory_space<vmem>>) offsets(%dma_start3A_62 : memref<16xi32, #tpu.memory_space<vmem>>) semaphore(%arg14 : memref<!tpu.dma_semaphore, #tpu.memory_space<semaphore_mem>>)
    %multiple_of3A_66 = arith.constant 48 : i32
    %multiple_of3A_67 = tpu.assume_multiple %multiple_of3A_66, 8 : i32
    %dma_start3A_68 = arith.constant 3 : i32
    %dma_start3A_69 = arith.constant 0 : i32
    %dma_start3A_70 = arith.constant 0 : i32
    %dma_start3A_71 = tpu.memref_slice %arg8[%dma_start3A_68, %dma_start3A_69, %dma_start3A_70] : memref<5x16x128xf32, #tpu.memory_space<vmem>> -> memref<1x16x128xf32, #tpu.memory_space<vmem>>
    %dma_start3A_72 = tpu.memref_squeeze %dma_start3A_71 : memref<1x16x128xf32, #tpu.memory_space<vmem>> -> memref<16x128xf32, #tpu.memory_space<vmem>>
    %dma_start3A_73 = tpu.memref_slice %arg6[%multiple_of3A_67] : memref<10000xi32, #tpu.memory_space<vmem>> -> memref<16xi32, #tpu.memory_space<vmem>>
    %dma_start3A_74 = arith.constant 0 : i32
    %dma_start3A_75 = arith.constant 0 : i32
    %dma_start3A_76 = tpu.memref_slice %arg11[%dma_start3A_74, %dma_start3A_75] : memref<10000x128xf32, #tpu.memory_space<vmem_shared>> -> memref<10000x128xf32, #tpu.memory_space<vmem_shared>>
    tpu.enqueue_indirect_dma source(%dma_start3A_76 : memref<10000x128xf32, #tpu.memory_space<vmem_shared>>) target(%dma_start3A_72 : memref<16x128xf32, #tpu.memory_space<vmem>>) offsets(%dma_start3A_73 : memref<16xi32, #tpu.memory_space<vmem>>) semaphore(%arg15 : memref<!tpu.dma_semaphore, #tpu.memory_space<semaphore_mem>>)
    %dma_start3A_77 = arith.constant 3 : i32
    %dma_start3A_78 = arith.constant 0 : i32
    %dma_start3A_79 = arith.constant 0 : i32
    %dma_start3A_80 = tpu.memref_slice %arg9[%dma_start3A_77, %dma_start3A_78, %dma_start3A_79] : memref<5x16x128xf32, #tpu.memory_space<vmem>> -> memref<1x16x128xf32, #tpu.memory_space<vmem>>
    %dma_start3A_81 = tpu.memref_squeeze %dma_start3A_80 : memref<1x16x128xf32, #tpu.memory_space<vmem>> -> memref<16x128xf32, #tpu.memory_space<vmem>>
    %dma_start3A_82 = tpu.memref_slice %arg7[%multiple_of3A_67] : memref<10000xi32, #tpu.memory_space<vmem>> -> memref<16xi32, #tpu.memory_space<vmem>>
    %dma_start3A_83 = arith.constant 0 : i32
    %dma_start3A_84 = arith.constant 0 : i32
    %dma_start3A_85 = tpu.memref_slice %arg11[%dma_start3A_83, %dma_start3A_84] : memref<10000x128xf32, #tpu.memory_space<vmem_shared>> -> memref<10000x128xf32, #tpu.memory_space<vmem_shared>>
    tpu.enqueue_indirect_dma source(%dma_start3A_85 : memref<10000x128xf32, #tpu.memory_space<vmem_shared>>) target(%dma_start3A_81 : memref<16x128xf32, #tpu.memory_space<vmem>>) offsets(%dma_start3A_82 : memref<16xi32, #tpu.memory_space<vmem>>) semaphore(%arg15 : memref<!tpu.dma_semaphore, #tpu.memory_space<semaphore_mem>>)
    %multiple_of3A_86 = arith.constant 64 : i32
    %multiple_of3A_87 = tpu.assume_multiple %multiple_of3A_86, 8 : i32
    %dma_start3A_88 = arith.constant 4 : i32
    %dma_start3A_89 = arith.constant 0 : i32
    %dma_start3A_90 = arith.constant 0 : i32
    %dma_start3A_91 = tpu.memref_slice %arg8[%dma_start3A_88, %dma_start3A_89, %dma_start3A_90] : memref<5x16x128xf32, #tpu.memory_space<vmem>> -> memref<1x16x128xf32, #tpu.memory_space<vmem>>
    %dma_start3A_92 = tpu.memref_squeeze %dma_start3A_91 : memref<1x16x128xf32, #tpu.memory_space<vmem>> -> memref<16x128xf32, #tpu.memory_space<vmem>>
    %dma_start3A_93 = tpu.memref_slice %arg6[%multiple_of3A_87] : memref<10000xi32, #tpu.memory_space<vmem>> -> memref<16xi32, #tpu.memory_space<vmem>>
    %dma_start3A_94 = arith.constant 0 : i32
    %dma_start3A_95 = arith.constant 0 : i32
    %dma_start3A_96 = tpu.memref_slice %arg11[%dma_start3A_94, %dma_start3A_95] : memref<10000x128xf32, #tpu.memory_space<vmem_shared>> -> memref<10000x128xf32, #tpu.memory_space<vmem_shared>>
    tpu.enqueue_indirect_dma source(%dma_start3A_96 : memref<10000x128xf32, #tpu.memory_space<vmem_shared>>) target(%dma_start3A_92 : memref<16x128xf32, #tpu.memory_space<vmem>>) offsets(%dma_start3A_93 : memref<16xi32, #tpu.memory_space<vmem>>) semaphore(%arg16 : memref<!tpu.dma_semaphore, #tpu.memory_space<semaphore_mem>>)
    %dma_start3A_97 = arith.constant 4 : i32
    %dma_start3A_98 = arith.constant 0 : i32
    %dma_start3A_99 = arith.constant 0 : i32
    %dma_start3A_100 = tpu.memref_slice %arg9[%dma_start3A_97, %dma_start3A_98, %dma_start3A_99] : memref<5x16x128xf32, #tpu.memory_space<vmem>> -> memref<1x16x128xf32, #tpu.memory_space<vmem>>
    %dma_start3A_101 = tpu.memref_squeeze %dma_start3A_100 : memref<1x16x128xf32, #tpu.memory_space<vmem>> -> memref<16x128xf32, #tpu.memory_space<vmem>>
    %dma_start3A_102 = tpu.memref_slice %arg7[%multiple_of3A_87] : memref<10000xi32, #tpu.memory_space<vmem>> -> memref<16xi32, #tpu.memory_space<vmem>>
    %dma_start3A_103 = arith.constant 0 : i32
    %dma_start3A_104 = arith.constant 0 : i32
    %dma_start3A_105 = tpu.memref_slice %arg11[%dma_start3A_103, %dma_start3A_104] : memref<10000x128xf32, #tpu.memory_space<vmem_shared>> -> memref<10000x128xf32, #tpu.memory_space<vmem_shared>>
    tpu.enqueue_indirect_dma source(%dma_start3A_105 : memref<10000x128xf32, #tpu.memory_space<vmem_shared>>) target(%dma_start3A_101 : memref<16x128xf32, #tpu.memory_space<vmem>>) offsets(%dma_start3A_102 : memref<16xi32, #tpu.memory_space<vmem>>) semaphore(%arg16 : memref<!tpu.dma_semaphore, #tpu.memory_space<semaphore_mem>>)
    %scan3A = arith.constant 0 : i32
    %scan3A_106 = arith.constant 0 : i32
    %scan3A_107 = arith.constant 125 : i32
    %scan3A_108 = arith.addi %scan3A_106, %scan3A_107 : i32
    %scan3A_109 = arith.constant 1 : i32
    %scan3A_110 = scf.for %scan3A_166 = %scan3A_106 to %scan3A_108 step %scan3A_109 iter_args(%scan3A_167 = %scan3A) -> (i32)  : i32 {
      %mul3A_168 = arith.constant 5 : i32
      %mul3A_169 = arith.muli %scan3A_166, %mul3A_168 : i32
      %add3A_170 = arith.constant 0 : i32
      %add3A_171 = arith.addi %mul3A_169, %add3A_170 : i32
      %dma_wait3A_172 = arith.constant 0 : i32
      %dma_wait3A_173 = arith.constant 0 : i32
      %dma_wait3A_174 = arith.constant 0 : i32
      %dma_wait3A_175 = tpu.memref_slice %arg8[%dma_wait3A_172, %dma_wait3A_173, %dma_wait3A_174] : memref<5x16x128xf32, #tpu.memory_space<vmem>> -> memref<1x16x128xf32, #tpu.memory_space<vmem>>
      %dma_wait3A_176 = tpu.memref_squeeze %dma_wait3A_175 : memref<1x16x128xf32, #tpu.memory_space<vmem>> -> memref<16x128xf32, #tpu.memory_space<vmem>>
      %dma_wait3A_177 = arith.constant 0 : i32
      %dma_wait3A_178 = arith.constant 0 : i32
      %dma_wait3A_179 = tpu.memref_slice %arg2[%dma_wait3A_177, %dma_wait3A_178] : memref<10000x128xf32, #tpu.memory_space<hbm>> -> memref<16x128xf32, #tpu.memory_space<hbm>>
      %dma_wait3A_180 = arith.constant 0 : i32
      %dma_wait3A_181 = arith.constant 0 : i32
      %dma_wait3A_182 = tpu.memref_slice %arg8[%dma_wait3A_172, %dma_wait3A_180, %dma_wait3A_181] : memref<5x16x128xf32, #tpu.memory_space<vmem>> -> memref<1x16x128xf32, #tpu.memory_space<vmem>>
      %dma_wait3A_183 = tpu.memref_squeeze %dma_wait3A_182 : memref<1x16x128xf32, #tpu.memory_space<vmem>> -> memref<16x128xf32, #tpu.memory_space<vmem>>
      %dma_wait3A_184 = arith.constant 0 : i32
      %dma_wait3A_185 = arith.constant 0 : i32
      %dma_wait3A_186 = tpu.memref_slice %arg2[%dma_wait3A_184, %dma_wait3A_185] : memref<10000x128xf32, #tpu.memory_space<hbm>> -> memref<16x128xf32, #tpu.memory_space<hbm>>
      tpu.wait_dma2 semaphore(%arg12 : memref<!tpu.dma_semaphore, #tpu.memory_space<semaphore_mem>>) src(%dma_wait3A_186 : memref<16x128xf32, #tpu.memory_space<hbm>>) dst(%dma_wait3A_183 : memref<16x128xf32, #tpu.memory_space<vmem>>)
      %dma_wait3A_187 = arith.constant 0 : i32
      %dma_wait3A_188 = arith.constant 0 : i32
      %dma_wait3A_189 = arith.constant 0 : i32
      %dma_wait3A_190 = tpu.memref_slice %arg9[%dma_wait3A_187, %dma_wait3A_188, %dma_wait3A_189] : memref<5x16x128xf32, #tpu.memory_space<vmem>> -> memref<1x16x128xf32, #tpu.memory_space<vmem>>
      %dma_wait3A_191 = tpu.memref_squeeze %dma_wait3A_190 : memref<1x16x128xf32, #tpu.memory_space<vmem>> -> memref<16x128xf32, #tpu.memory_space<vmem>>
      %dma_wait3A_192 = arith.constant 0 : i32
      %dma_wait3A_193 = arith.constant 0 : i32
      %dma_wait3A_194 = tpu.memref_slice %arg2[%dma_wait3A_192, %dma_wait3A_193] : memref<10000x128xf32, #tpu.memory_space<hbm>> -> memref<16x128xf32, #tpu.memory_space<hbm>>
      %dma_wait3A_195 = arith.constant 0 : i32
      %dma_wait3A_196 = arith.constant 0 : i32
      %dma_wait3A_197 = tpu.memref_slice %arg9[%dma_wait3A_187, %dma_wait3A_195, %dma_wait3A_196] : memref<5x16x128xf32, #tpu.memory_space<vmem>> -> memref<1x16x128xf32, #tpu.memory_space<vmem>>
      %dma_wait3A_198 = tpu.memref_squeeze %dma_wait3A_197 : memref<1x16x128xf32, #tpu.memory_space<vmem>> -> memref<16x128xf32, #tpu.memory_space<vmem>>
      %dma_wait3A_199 = arith.constant 0 : i32
      %dma_wait3A_200 = arith.constant 0 : i32
      %dma_wait3A_201 = tpu.memref_slice %arg2[%dma_wait3A_199, %dma_wait3A_200] : memref<10000x128xf32, #tpu.memory_space<hbm>> -> memref<16x128xf32, #tpu.memory_space<hbm>>
      tpu.wait_dma2 semaphore(%arg12 : memref<!tpu.dma_semaphore, #tpu.memory_space<semaphore_mem>>) src(%dma_wait3A_201 : memref<16x128xf32, #tpu.memory_space<hbm>>) dst(%dma_wait3A_198 : memref<16x128xf32, #tpu.memory_space<vmem>>)
      %ge3A = arith.constant 5 : i32
      %ge3A_202 = arith.cmpi sge, %add3A_171, %ge3A : i32
      %convert_element_type3A_203 = arith.extui %ge3A_202 : i1 to i32
      %cond3A_204 = arith.constant 0 : i32
      %cond3A_205 = arith.cmpi ne, %convert_element_type3A_203, %cond3A_204 : i32
      scf.if %cond3A_205 {
        %dma_wait3A_565 = arith.constant 0 : i32
        %dma_wait3A_566 = arith.constant 0 : i32
        %dma_wait3A_567 = tpu.memref_slice %arg10[%dma_wait3A_565, %dma_wait3A_566] : memref<5x16xf32, #tpu.memory_space<vmem>> -> memref<1x16xf32, #tpu.memory_space<vmem>>
        %dma_wait3A_568 = tpu.memref_squeeze %dma_wait3A_567 : memref<1x16xf32, #tpu.memory_space<vmem>> -> memref<16xf32, #tpu.memory_space<vmem>>
        %dma_wait3A_569 = arith.constant 0 : i32
        %dma_wait3A_570 = tpu.memref_slice %arg5[%dma_wait3A_569] : memref<320000xf32, #tpu.memory_space<hbm>> -> memref<16xf32, #tpu.memory_space<hbm>>
        %dma_wait3A_571 = arith.constant 0 : i32
        %dma_wait3A_572 = tpu.memref_slice %arg5[%dma_wait3A_571] : memref<320000xf32, #tpu.memory_space<hbm>> -> memref<16xf32, #tpu.memory_space<hbm>>
        %dma_wait3A_573 = arith.constant 0 : i32
        %dma_wait3A_574 = tpu.memref_slice %arg10[%dma_wait3A_565, %dma_wait3A_573] : memref<5x16xf32, #tpu.memory_space<vmem>> -> memref<1x16xf32, #tpu.memory_space<vmem>>
        %dma_wait3A_575 = tpu.memref_squeeze %dma_wait3A_574 : memref<1x16xf32, #tpu.memory_space<vmem>> -> memref<16xf32, #tpu.memory_space<vmem>>
        tpu.wait_dma2 semaphore(%arg17 : memref<!tpu.dma_semaphore, #tpu.memory_space<semaphore_mem>>) src(%dma_wait3A_575 : memref<16xf32, #tpu.memory_space<vmem>>) dst(%dma_wait3A_572 : memref<16xf32, #tpu.memory_space<hbm>>)
      } else {
      }
      %scan3A_206 = arith.constant 0 : i32
      %scan3A_207 = arith.constant 0 : i32
      %scan3A_208 = arith.constant 0 : i32
      %scan3A_209 = arith.constant 0 : i32
      %broadcast_in_dim3A = arith.constant 0.000000e+00 : f32
      %broadcast_in_dim3A_210 = vector.broadcast %broadcast_in_dim3A : f32 to vector<16xf32>
      %scan3A_211 = arith.constant 0 : i32
      %scan3A_212 = arith.constant 16 : i32
      %scan3A_213 = arith.addi %scan3A_211, %scan3A_212 : i32
      %scan3A_214 = arith.constant 2 : i32
      %scan3A_215 = scf.for %scan3A_565 = %scan3A_211 to %scan3A_213 step %scan3A_214 iter_args(%scan3A_566 = %broadcast_in_dim3A_210) -> (vector<16xf32>)  : i32 {
        %mul3A_567 = arith.constant 16 : i32
        %mul3A_568 = arith.muli %scan3A_209, %mul3A_567 : i32
        %add3A_569 = arith.addi %mul3A_568, %scan3A_565 : i32
        %get3A = arith.constant 0 : i32
        %get3A_570 = arith.constant 0 : i32
        %get3A_571 = tpu.memref_slice %arg8[%scan3A_206, %get3A, %get3A_570] : memref<5x16x128xf32, #tpu.memory_space<vmem>> -> memref<1x16x128xf32, #tpu.memory_space<vmem>>
        %get3A_572 = tpu.memref_squeeze %get3A_571 : memref<1x16x128xf32, #tpu.memory_space<vmem>> -> memref<16x128xf32, #tpu.memory_space<vmem>>
        %get3A_573 = arith.index_cast %add3A_569 : i32 to index
        %get3A_574 = arith.constant 0 : index
        %get3A_575 = tpu.vector_load %get3A_572[%get3A_573, %get3A_574] {strides = array<i32>} : memref<16x128xf32, #tpu.memory_space<vmem>>, vector<16xf32>,
        %get3A_576 = arith.constant 0 : i32
        %get3A_577 = arith.constant 0 : i32
        %get3A_578 = tpu.memref_slice %arg9[%scan3A_207, %get3A_576, %get3A_577] : memref<5x16x128xf32, #tpu.memory_space<vmem>> -> memref<1x16x128xf32, #tpu.memory_space<vmem>>
        %get3A_579 = tpu.memref_squeeze %get3A_578 : memref<1x16x128xf32, #tpu.memory_space<vmem>> -> memref<16x128xf32, #tpu.memory_space<vmem>>
        %get3A_580 = arith.index_cast %add3A_569 : i32 to index
        %get3A_581 = arith.constant 0 : index
        %get3A_582 = tpu.vector_load %get3A_579[%get3A_580, %get3A_581] {strides = array<i32>} : memref<16x128xf32, #tpu.memory_space<vmem>>, vector<16xf32>,
        %mul3A_583 = arith.mulf %get3A_575, %get3A_582 : vector<16xf32>
        %get3A_584 = arith.constant 0 : i32
        %get3A_585 = arith.constant 0 : i32
        %get3A_586 = tpu.memref_slice %arg8[%scan3A_206, %get3A_584, %get3A_585] : memref<5x16x128xf32, #tpu.memory_space<vmem>> -> memref<1x16x128xf32, #tpu.memory_space<vmem>>
        %get3A_587 = tpu.memref_squeeze %get3A_586 : memref<1x16x128xf32, #tpu.memory_space<vmem>> -> memref<16x128xf32, #tpu.memory_space<vmem>>
        %get3A_588 = arith.index_cast %add3A_569 : i32 to index
        %get3A_589 = arith.constant 16 : index
        %get3A_590 = tpu.vector_load %get3A_587[%get3A_588, %get3A_589] {strides = array<i32>} : memref<16x128xf32, #tpu.memory_space<vmem>>, vector<16xf32>,
        %get3A_591 = arith.constant 0 : i32
        %get3A_592 = arith.constant 0 : i32
        %get3A_593 = tpu.memref_slice %arg9[%scan3A_207, %get3A_591, %get3A_592] : memref<5x16x128xf32, #tpu.memory_space<vmem>> -> memref<1x16x128xf32, #tpu.memory_space<vmem>>
        %get3A_594 = tpu.memref_squeeze %get3A_593 : memref<1x16x128xf32, #tpu.memory_space<vmem>> -> memref<16x128xf32, #tpu.memory_space<vmem>>
        %get3A_595 = arith.index_cast %add3A_569 : i32 to index
        %get3A_596 = arith.constant 16 : index
        %get3A_597 = tpu.vector_load %get3A_594[%get3A_595, %get3A_596] {strides = array<i32>} : memref<16x128xf32, #tpu.memory_space<vmem>>, vector<16xf32>,
        %mul3A_598 = arith.mulf %get3A_590, %get3A_597 : vector<16xf32>
        %get3A_599 = arith.constant 0 : i32
        %get3A_600 = arith.constant 0 : i32
        %get3A_601 = tpu.memref_slice %arg8[%scan3A_206, %get3A_599, %get3A_600] : memref<5x16x128xf32, #tpu.memory_space<vmem>> -> memref<1x16x128xf32, #tpu.memory_space<vmem>>
        %get3A_602 = tpu.memref_squeeze %get3A_601 : memref<1x16x128xf32, #tpu.memory_space<vmem>> -> memref<16x128xf32, #tpu.memory_space<vmem>>
        %get3A_603 = arith.index_cast %add3A_569 : i32 to index
        %get3A_604 = arith.constant 32 : index
        %get3A_605 = tpu.vector_load %get3A_602[%get3A_603, %get3A_604] {strides = array<i32>} : memref<16x128xf32, #tpu.memory_space<vmem>>, vector<16xf32>,
        %get3A_606 = arith.constant 0 : i32
        %get3A_607 = arith.constant 0 : i32
        %get3A_608 = tpu.memref_slice %arg9[%scan3A_207, %get3A_606, %get3A_607] : memref<5x16x128xf32, #tpu.memory_space<vmem>> -> memref<1x16x128xf32, #tpu.memory_space<vmem>>
        %get3A_609 = tpu.memref_squeeze %get3A_608 : memref<1x16x128xf32, #tpu.memory_space<vmem>> -> memref<16x128xf32, #tpu.memory_space<vmem>>
        %get3A_610 = arith.index_cast %add3A_569 : i32 to index
        %get3A_611 = arith.constant 32 : index
        %get3A_612 = tpu.vector_load %get3A_609[%get3A_610, %get3A_611] {strides = array<i32>} : memref<16x128xf32, #tpu.memory_space<vmem>>, vector<16xf32>,
        %mul3A_613 = arith.mulf %get3A_605, %get3A_612 : vector<16xf32>
        %add3A_614 = arith.addf %mul3A_583, %mul3A_613 : vector<16xf32>
        %get3A_615 = arith.constant 0 : i32
        %get3A_616 = arith.constant 0 : i32
        %get3A_617 = tpu.memref_slice %arg8[%scan3A_206, %get3A_615, %get3A_616] : memref<5x16x128xf32, #tpu.memory_space<vmem>> -> memref<1x16x128xf32, #tpu.memory_space<vmem>>
        %get3A_618 = tpu.memref_squeeze %get3A_617 : memref<1x16x128xf32, #tpu.memory_space<vmem>> -> memref<16x128xf32, #tpu.memory_space<vmem>>
        %get3A_619 = arith.index_cast %add3A_569 : i32 to index
        %get3A_620 = arith.constant 48 : index
        %get3A_621 = tpu.vector_load %get3A_618[%get3A_619, %get3A_620] {strides = array<i32>} : memref<16x128xf32, #tpu.memory_space<vmem>>, vector<16xf32>,
        %get3A_622 = arith.constant 0 : i32
        %get3A_623 = arith.constant 0 : i32
        %get3A_624 = tpu.memref_slice %arg9[%scan3A_207, %get3A_622, %get3A_623] : memref<5x16x128xf32, #tpu.memory_space<vmem>> -> memref<1x16x128xf32, #tpu.memory_space<vmem>>
        %get3A_625 = tpu.memref_squeeze %get3A_624 : memref<1x16x128xf32, #tpu.memory_space<vmem>> -> memref<16x128xf32, #tpu.memory_space<vmem>>
        %get3A_626 = arith.index_cast %add3A_569 : i32 to index
        %get3A_627 = arith.constant 48 : index
        %get3A_628 = tpu.vector_load %get3A_625[%get3A_626, %get3A_627] {strides = array<i32>} : memref<16x128xf32, #tpu.memory_space<vmem>>, vector<16xf32>,
        %mul3A_629 = arith.mulf %get3A_621, %get3A_628 : vector<16xf32>
        %add3A_630 = arith.addf %mul3A_598, %mul3A_629 : vector<16xf32>
        %get3A_631 = arith.constant 0 : i32
        %get3A_632 = arith.constant 0 : i32
        %get3A_633 = tpu.memref_slice %arg8[%scan3A_206, %get3A_631, %get3A_632] : memref<5x16x128xf32, #tpu.memory_space<vmem>> -> memref<1x16x128xf32, #tpu.memory_space<vmem>>
        %get3A_634 = tpu.memref_squeeze %get3A_633 : memref<1x16x128xf32, #tpu.memory_space<vmem>> -> memref<16x128xf32, #tpu.memory_space<vmem>>
        %get3A_635 = arith.index_cast %add3A_569 : i32 to index
        %get3A_636 = arith.constant 64 : index
        %get3A_637 = tpu.vector_load %get3A_634[%get3A_635, %get3A_636] {strides = array<i32>} : memref<16x128xf32, #tpu.memory_space<vmem>>, vector<16xf32>,
        %get3A_638 = arith.constant 0 : i32
        %get3A_639 = arith.constant 0 : i32
        %get3A_640 = tpu.memref_slice %arg9[%scan3A_207, %get3A_638, %get3A_639] : memref<5x16x128xf32, #tpu.memory_space<vmem>> -> memref<1x16x128xf32, #tpu.memory_space<vmem>>
        %get3A_641 = tpu.memref_squeeze %get3A_640 : memref<1x16x128xf32, #tpu.memory_space<vmem>> -> memref<16x128xf32, #tpu.memory_space<vmem>>
        %get3A_642 = arith.index_cast %add3A_569 : i32 to index
        %get3A_643 = arith.constant 64 : index
        %get3A_644 = tpu.vector_load %get3A_641[%get3A_642, %get3A_643] {strides = array<i32>} : memref<16x128xf32, #tpu.memory_space<vmem>>, vector<16xf32>,
        %mul3A_645 = arith.mulf %get3A_637, %get3A_644 : vector<16xf32>
        %add3A_646 = arith.addf %add3A_614, %mul3A_645 : vector<16xf32>
        %get3A_647 = arith.constant 0 : i32
        %get3A_648 = arith.constant 0 : i32
        %get3A_649 = tpu.memref_slice %arg8[%scan3A_206, %get3A_647, %get3A_648] : memref<5x16x128xf32, #tpu.memory_space<vmem>> -> memref<1x16x128xf32, #tpu.memory_space<vmem>>
        %get3A_650 = tpu.memref_squeeze %get3A_649 : memref<1x16x128xf32, #tpu.memory_space<vmem>> -> memref<16x128xf32, #tpu.memory_space<vmem>>
        %get3A_651 = arith.index_cast %add3A_569 : i32 to index
        %get3A_652 = arith.constant 80 : index
        %get3A_653 = tpu.vector_load %get3A_650[%get3A_651, %get3A_652] {strides = array<i32>} : memref<16x128xf32, #tpu.memory_space<vmem>>, vector<16xf32>,
        %get3A_654 = arith.constant 0 : i32
        %get3A_655 = arith.constant 0 : i32
        %get3A_656 = tpu.memref_slice %arg9[%scan3A_207, %get3A_654, %get3A_655] : memref<5x16x128xf32, #tpu.memory_space<vmem>> -> memref<1x16x128xf32, #tpu.memory_space<vmem>>
        %get3A_657 = tpu.memref_squeeze %get3A_656 : memref<1x16x128xf32, #tpu.memory_space<vmem>> -> memref<16x128xf32, #tpu.memory_space<vmem>>
        %get3A_658 = arith.index_cast %add3A_569 : i32 to index
        %get3A_659 = arith.constant 80 : index
        %get3A_660 = tpu.vector_load %get3A_657[%get3A_658, %get3A_659] {strides = array<i32>} : memref<16x128xf32, #tpu.memory_space<vmem>>, vector<16xf32>,
        %mul3A_661 = arith.mulf %get3A_653, %get3A_660 : vector<16xf32>
        %add3A_662 = arith.addf %add3A_630, %mul3A_661 : vector<16xf32>
        %get3A_663 = arith.constant 0 : i32
        %get3A_664 = arith.constant 0 : i32
        %get3A_665 = tpu.memref_slice %arg8[%scan3A_206, %get3A_663, %get3A_664] : memref<5x16x128xf32, #tpu.memory_space<vmem>> -> memref<1x16x128xf32, #tpu.memory_space<vmem>>
        %get3A_666 = tpu.memref_squeeze %get3A_665 : memref<1x16x128xf32, #tpu.memory_space<vmem>> -> memref<16x128xf32, #tpu.memory_space<vmem>>
        %get3A_667 = arith.index_cast %add3A_569 : i32 to index
        %get3A_668 = arith.constant 96 : index
        %get3A_669 = tpu.vector_load %get3A_666[%get3A_667, %get3A_668] {strides = array<i32>} : memref<16x128xf32, #tpu.memory_space<vmem>>, vector<16xf32>,
        %get3A_670 = arith.constant 0 : i32
        %get3A_671 = arith.constant 0 : i32
        %get3A_672 = tpu.memref_slice %arg9[%scan3A_207, %get3A_670, %get3A_671] : memref<5x16x128xf32, #tpu.memory_space<vmem>> -> memref<1x16x128xf32, #tpu.memory_space<vmem>>
        %get3A_673 = tpu.memref_squeeze %get3A_672 : memref<1x16x128xf32, #tpu.memory_space<vmem>> -> memref<16x128xf32, #tpu.memory_space<vmem>>
        %get3A_674 = arith.index_cast %add3A_569 : i32 to index
        %get3A_675 = arith.constant 96 : index
        %get3A_676 = tpu.vector_load %get3A_673[%get3A_674, %get3A_675] {strides = array<i32>} : memref<16x128xf32, #tpu.memory_space<vmem>>, vector<16xf32>,
        %mul3A_677 = arith.mulf %get3A_669, %get3A_676 : vector<16xf32>
        %add3A_678 = arith.addf %add3A_646, %mul3A_677 : vector<16xf32>
        %get3A_679 = arith.constant 0 : i32
        %get3A_680 = arith.constant 0 : i32
        %get3A_681 = tpu.memref_slice %arg8[%scan3A_206, %get3A_679, %get3A_680] : memref<5x16x128xf32, #tpu.memory_space<vmem>> -> memref<1x16x128xf32, #tpu.memory_space<vmem>>
        %get3A_682 = tpu.memref_squeeze %get3A_681 : memref<1x16x128xf32, #tpu.memory_space<vmem>> -> memref<16x128xf32, #tpu.memory_space<vmem>>
        %get3A_683 = arith.index_cast %add3A_569 : i32 to index
        %get3A_684 = arith.constant 112 : index
        %get3A_685 = tpu.vector_load %get3A_682[%get3A_683, %get3A_684] {strides = array<i32>} : memref<16x128xf32, #tpu.memory_space<vmem>>, vector<16xf32>,
        %get3A_686 = arith.constant 0 : i32
        %get3A_687 = arith.constant 0 : i32
        %get3A_688 = tpu.memref_slice %arg9[%scan3A_207, %get3A_686, %get3A_687] : memref<5x16x128xf32, #tpu.memory_space<vmem>> -> memref<1x16x128xf32, #tpu.memory_space<vmem>>
        %get3A_689 = tpu.memref_squeeze %get3A_688 : memref<1x16x128xf32, #tpu.memory_space<vmem>> -> memref<16x128xf32, #tpu.memory_space<vmem>>
        %get3A_690 = arith.index_cast %add3A_569 : i32 to index
        %get3A_691 = arith.constant 112 : index
        %get3A_692 = tpu.vector_load %get3A_689[%get3A_690, %get3A_691] {strides = array<i32>} : memref<16x128xf32, #tpu.memory_space<vmem>>, vector<16xf32>,
        %mul3A_693 = arith.mulf %get3A_685, %get3A_692 : vector<16xf32>
        %add3A_694 = arith.addf %add3A_662, %mul3A_693 : vector<16xf32>
        %eq3A_695 = vector.broadcast %scan3A_565 : i32 to vector<16xi32>
        %eq3A_696 = arith.cmpi eq, %iota3A, %eq3A_695 : vector<16xi32>
        %add3A_697 = arith.addf %add3A_678, %add3A_694 : vector<16xf32>
        %reduce_sum3A = arith.constant true
        %reduce_sum3A_698 = vector.broadcast %reduce_sum3A : i1 to vector<16xi1>
        %reduce_sum3A_699 = tpu.scan <sum>, %add3A_697 masked %reduce_sum3A_698 : vector<16xf32>, vector<16xi1> -> vector<16xf32>
        %reduce_sum3A_700 = vector.extract %reduce_sum3A_699[15] : f32 from vector<16xf32>
        %broadcast_in_dim3A_701 = vector.broadcast %reduce_sum3A_700 : f32 to vector<16xf32>
        %select_n3A = arith.select %eq3A_696, %broadcast_in_dim3A_701, %scan3A_566 : vector<16xi1>, vector<16xf32>
        %scan3A_702 = arith.constant 1 : i32
        %scan3A_703 = arith.addi %scan3A_565, %scan3A_702 : i32
        %mul3A_704 = arith.constant 16 : i32
        %mul3A_705 = arith.muli %scan3A_209, %mul3A_704 : i32
        %add3A_706 = arith.addi %mul3A_705, %scan3A_703 : i32
        %get3A_707 = arith.constant 0 : i32
        %get3A_708 = arith.constant 0 : i32
        %get3A_709 = tpu.memref_slice %arg8[%scan3A_206, %get3A_707, %get3A_708] : memref<5x16x128xf32, #tpu.memory_space<vmem>> -> memref<1x16x128xf32, #tpu.memory_space<vmem>>
        %get3A_710 = tpu.memref_squeeze %get3A_709 : memref<1x16x128xf32, #tpu.memory_space<vmem>> -> memref<16x128xf32, #tpu.memory_space<vmem>>
        %get3A_711 = arith.index_cast %add3A_706 : i32 to index
        %get3A_712 = arith.constant 0 : index
        %get3A_713 = tpu.vector_load %get3A_710[%get3A_711, %get3A_712] {strides = array<i32>} : memref<16x128xf32, #tpu.memory_space<vmem>>, vector<16xf32>,
        %get3A_714 = arith.constant 0 : i32
        %get3A_715 = arith.constant 0 : i32
        %get3A_716 = tpu.memref_slice %arg9[%scan3A_207, %get3A_714, %get3A_715] : memref<5x16x128xf32, #tpu.memory_space<vmem>> -> memref<1x16x128xf32, #tpu.memory_space<vmem>>
        %get3A_717 = tpu.memref_squeeze %get3A_716 : memref<1x16x128xf32, #tpu.memory_space<vmem>> -> memref<16x128xf32, #tpu.memory_space<vmem>>
        %get3A_718 = arith.index_cast %add3A_706 : i32 to index
        %get3A_719 = arith.constant 0 : index
        %get3A_720 = tpu.vector_load %get3A_717[%get3A_718, %get3A_719] {strides = array<i32>} : memref<16x128xf32, #tpu.memory_space<vmem>>, vector<16xf32>,
        %mul3A_721 = arith.mulf %get3A_713, %get3A_720 : vector<16xf32>
        %get3A_722 = arith.constant 0 : i32
        %get3A_723 = arith.constant 0 : i32
        %get3A_724 = tpu.memref_slice %arg8[%scan3A_206, %get3A_722, %get3A_723] : memref<5x16x128xf32, #tpu.memory_space<vmem>> -> memref<1x16x128xf32, #tpu.memory_space<vmem>>
        %get3A_725 = tpu.memref_squeeze %get3A_724 : memref<1x16x128xf32, #tpu.memory_space<vmem>> -> memref<16x128xf32, #tpu.memory_space<vmem>>
        %get3A_726 = arith.index_cast %add3A_706 : i32 to index
        %get3A_727 = arith.constant 16 : index
        %get3A_728 = tpu.vector_load %get3A_725[%get3A_726, %get3A_727] {strides = array<i32>} : memref<16x128xf32, #tpu.memory_space<vmem>>, vector<16xf32>,
        %get3A_729 = arith.constant 0 : i32
        %get3A_730 = arith.constant 0 : i32
        %get3A_731 = tpu.memref_slice %arg9[%scan3A_207, %get3A_729, %get3A_730] : memref<5x16x128xf32, #tpu.memory_space<vmem>> -> memref<1x16x128xf32, #tpu.memory_space<vmem>>
        %get3A_732 = tpu.memref_squeeze %get3A_731 : memref<1x16x128xf32, #tpu.memory_space<vmem>> -> memref<16x128xf32, #tpu.memory_space<vmem>>
        %get3A_733 = arith.index_cast %add3A_706 : i32 to index
        %get3A_734 = arith.constant 16 : index
        %get3A_735 = tpu.vector_load %get3A_732[%get3A_733, %get3A_734] {strides = array<i32>} : memref<16x128xf32, #tpu.memory_space<vmem>>, vector<16xf32>,
        %mul3A_736 = arith.mulf %get3A_728, %get3A_735 : vector<16xf32>
        %get3A_737 = arith.constant 0 : i32
        %get3A_738 = arith.constant 0 : i32
        %get3A_739 = tpu.memref_slice %arg8[%scan3A_206, %get3A_737, %get3A_738] : memref<5x16x128xf32, #tpu.memory_space<vmem>> -> memref<1x16x128xf32, #tpu.memory_space<vmem>>
        %get3A_740 = tpu.memref_squeeze %get3A_739 : memref<1x16x128xf32, #tpu.memory_space<vmem>> -> memref<16x128xf32, #tpu.memory_space<vmem>>
        %get3A_741 = arith.index_cast %add3A_706 : i32 to index
        %get3A_742 = arith.constant 32 : index
        %get3A_743 = tpu.vector_load %get3A_740[%get3A_741, %get3A_742] {strides = array<i32>} : memref<16x128xf32, #tpu.memory_space<vmem>>, vector<16xf32>,
        %get3A_744 = arith.constant 0 : i32
        %get3A_745 = arith.constant 0 : i32
        %get3A_746 = tpu.memref_slice %arg9[%scan3A_207, %get3A_744, %get3A_745] : memref<5x16x128xf32, #tpu.memory_space<vmem>> -> memref<1x16x128xf32, #tpu.memory_space<vmem>>
        %get3A_747 = tpu.memref_squeeze %get3A_746 : memref<1x16x128xf32, #tpu.memory_space<vmem>> -> memref<16x128xf32, #tpu.memory_space<vmem>>
        %get3A_748 = arith.index_cast %add3A_706 : i32 to index
        %get3A_749 = arith.constant 32 : index
        %get3A_750 = tpu.vector_load %get3A_747[%get3A_748, %get3A_749] {strides = array<i32>} : memref<16x128xf32, #tpu.memory_space<vmem>>, vector<16xf32>,
        %mul3A_751 = arith.mulf %get3A_743, %get3A_750 : vector<16xf32>
        %add3A_752 = arith.addf %mul3A_721, %mul3A_751 : vector<16xf32>
        %get3A_753 = arith.constant 0 : i32
        %get3A_754 = arith.constant 0 : i32
        %get3A_755 = tpu.memref_slice %arg8[%scan3A_206, %get3A_753, %get3A_754] : memref<5x16x128xf32, #tpu.memory_space<vmem>> -> memref<1x16x128xf32, #tpu.memory_space<vmem>>
        %get3A_756 = tpu.memref_squeeze %get3A_755 : memref<1x16x128xf32, #tpu.memory_space<vmem>> -> memref<16x128xf32, #tpu.memory_space<vmem>>
        %get3A_757 = arith.index_cast %add3A_706 : i32 to index
        %get3A_758 = arith.constant 48 : index
        %get3A_759 = tpu.vector_load %get3A_756[%get3A_757, %get3A_758] {strides = array<i32>} : memref<16x128xf32, #tpu.memory_space<vmem>>, vector<16xf32>,
        %get3A_760 = arith.constant 0 : i32
        %get3A_761 = arith.constant 0 : i32
        %get3A_762 = tpu.memref_slice %arg9[%scan3A_207, %get3A_760, %get3A_761] : memref<5x16x128xf32, #tpu.memory_space<vmem>> -> memref<1x16x128xf32, #tpu.memory_space<vmem>>
        %get3A_763 = tpu.memref_squeeze %get3A_762 : memref<1x16x128xf32, #tpu.memory_space<vmem>> -> memref<16x128xf32, #tpu.memory_space<vmem>>
        %get3A_764 = arith.index_cast %add3A_706 : i32 to index
        %get3A_765 = arith.constant 48 : index
        %get3A_766 = tpu.vector_load %get3A_763[%get3A_764, %get3A_765] {strides = array<i32>} : memref<16x128xf32, #tpu.memory_space<vmem>>, vector<16xf32>,
        %mul3A_767 = arith.mulf %get3A_759, %get3A_766 : vector<16xf32>
        %add3A_768 = arith.addf %mul3A_736, %mul3A_767 : vector<16xf32>
        %get3A_769 = arith.constant 0 : i32
        %get3A_770 = arith.constant 0 : i32
        %get3A_771 = tpu.memref_slice %arg8[%scan3A_206, %get3A_769, %get3A_770] : memref<5x16x128xf32, #tpu.memory_space<vmem>> -> memref<1x16x128xf32, #tpu.memory_space<vmem>>
        %get3A_772 = tpu.memref_squeeze %get3A_771 : memref<1x16x128xf32, #tpu.memory_space<vmem>> -> memref<16x128xf32, #tpu.memory_space<vmem>>
        %get3A_773 = arith.index_cast %add3A_706 : i32 to index
        %get3A_774 = arith.constant 64 : index
        %get3A_775 = tpu.vector_load %get3A_772[%get3A_773, %get3A_774] {strides = array<i32>} : memref<16x128xf32, #tpu.memory_space<vmem>>, vector<16xf32>,
        %get3A_776 = arith.constant 0 : i32
        %get3A_777 = arith.constant 0 : i32
        %get3A_778 = tpu.memref_slice %arg9[%scan3A_207, %get3A_776, %get3A_777] : memref<5x16x128xf32, #tpu.memory_space<vmem>> -> memref<1x16x128xf32, #tpu.memory_space<vmem>>
        %get3A_779 = tpu.memref_squeeze %get3A_778 : memref<1x16x128xf32, #tpu.memory_space<vmem>> -> memref<16x128xf32, #tpu.memory_space<vmem>>
        %get3A_780 = arith.index_cast %add3A_706 : i32 to index
        %get3A_781 = arith.constant 64 : index
        %get3A_782 = tpu.vector_load %get3A_779[%get3A_780, %get3A_781] {strides = array<i32>} : memref<16x128xf32, #tpu.memory_space<vmem>>, vector<16xf32>,
        %mul3A_783 = arith.mulf %get3A_775, %get3A_782 : vector<16xf32>
        %add3A_784 = arith.addf %add3A_752, %mul3A_783 : vector<16xf32>
        %get3A_785 = arith.constant 0 : i32
        %get3A_786 = arith.constant 0 : i32
        %get3A_787 = tpu.memref_slice %arg8[%scan3A_206, %get3A_785, %get3A_786] : memref<5x16x128xf32, #tpu.memory_space<vmem>> -> memref<1x16x128xf32, #tpu.memory_space<vmem>>
        %get3A_788 = tpu.memref_squeeze %get3A_787 : memref<1x16x128xf32, #tpu.memory_space<vmem>> -> memref<16x128xf32, #tpu.memory_space<vmem>>
        %get3A_789 = arith.index_cast %add3A_706 : i32 to index
        %get3A_790 = arith.constant 80 : index
        %get3A_791 = tpu.vector_load %get3A_788[%get3A_789, %get3A_790] {strides = array<i32>} : memref<16x128xf32, #tpu.memory_space<vmem>>, vector<16xf32>,
        %get3A_792 = arith.constant 0 : i32
        %get3A_793 = arith.constant 0 : i32
        %get3A_794 = tpu.memref_slice %arg9[%scan3A_207, %get3A_792, %get3A_793] : memref<5x16x128xf32, #tpu.memory_space<vmem>> -> memref<1x16x128xf32, #tpu.memory_space<vmem>>
        %get3A_795 = tpu.memref_squeeze %get3A_794 : memref<1x16x128xf32, #tpu.memory_space<vmem>> -> memref<16x128xf32, #tpu.memory_space<vmem>>
        %get3A_796 = arith.index_cast %add3A_706 : i32 to index
        %get3A_797 = arith.constant 80 : index
        %get3A_798 = tpu.vector_load %get3A_795[%get3A_796, %get3A_797] {strides = array<i32>} : memref<16x128xf32, #tpu.memory_space<vmem>>, vector<16xf32>,
        %mul3A_799 = arith.mulf %get3A_791, %get3A_798 : vector<16xf32>
        %add3A_800 = arith.addf %add3A_768, %mul3A_799 : vector<16xf32>
        %get3A_801 = arith.constant 0 : i32
        %get3A_802 = arith.constant 0 : i32
        %get3A_803 = tpu.memref_slice %arg8[%scan3A_206, %get3A_801, %get3A_802] : memref<5x16x128xf32, #tpu.memory_space<vmem>> -> memref<1x16x128xf32, #tpu.memory_space<vmem>>
        %get3A_804 = tpu.memref_squeeze %get3A_803 : memref<1x16x128xf32, #tpu.memory_space<vmem>> -> memref<16x128xf32, #tpu.memory_space<vmem>>
        %get3A_805 = arith.index_cast %add3A_706 : i32 to index
        %get3A_806 = arith.constant 96 : index
        %get3A_807 = tpu.vector_load %get3A_804[%get3A_805, %get3A_806] {strides = array<i32>} : memref<16x128xf32, #tpu.memory_space<vmem>>, vector<16xf32>,
        %get3A_808 = arith.constant 0 : i32
        %get3A_809 = arith.constant 0 : i32
        %get3A_810 = tpu.memref_slice %arg9[%scan3A_207, %get3A_808, %get3A_809] : memref<5x16x128xf32, #tpu.memory_space<vmem>> -> memref<1x16x128xf32, #tpu.memory_space<vmem>>
        %get3A_811 = tpu.memref_squeeze %get3A_810 : memref<1x16x128xf32, #tpu.memory_space<vmem>> -> memref<16x128xf32, #tpu.memory_space<vmem>>
        %get3A_812 = arith.index_cast %add3A_706 : i32 to index
        %get3A_813 = arith.constant 96 : index
        %get3A_814 = tpu.vector_load %get3A_811[%get3A_812, %get3A_813] {strides = array<i32>} : memref<16x128xf32, #tpu.memory_space<vmem>>, vector<16xf32>,
        %mul3A_815 = arith.mulf %get3A_807, %get3A_814 : vector<16xf32>
        %add3A_816 = arith.addf %add3A_784, %mul3A_815 : vector<16xf32>
        %get3A_817 = arith.constant 0 : i32
        %get3A_818 = arith.constant 0 : i32
        %get3A_819 = tpu.memref_slice %arg8[%scan3A_206, %get3A_817, %get3A_818] : memref<5x16x128xf32, #tpu.memory_space<vmem>> -> memref<1x16x128xf32, #tpu.memory_space<vmem>>
        %get3A_820 = tpu.memref_squeeze %get3A_819 : memref<1x16x128xf32, #tpu.memory_space<vmem>> -> memref<16x128xf32, #tpu.memory_space<vmem>>
        %get3A_821 = arith.index_cast %add3A_706 : i32 to index
        %get3A_822 = arith.constant 112 : index
        %get3A_823 = tpu.vector_load %get3A_820[%get3A_821, %get3A_822] {strides = array<i32>} : memref<16x128xf32, #tpu.memory_space<vmem>>, vector<16xf32>,
        %get3A_824 = arith.constant 0 : i32
        %get3A_825 = arith.constant 0 : i32
        %get3A_826 = tpu.memref_slice %arg9[%scan3A_207, %get3A_824, %get3A_825] : memref<5x16x128xf32, #tpu.memory_space<vmem>> -> memref<1x16x128xf32, #tpu.memory_space<vmem>>
        %get3A_827 = tpu.memref_squeeze %get3A_826 : memref<1x16x128xf32, #tpu.memory_space<vmem>> -> memref<16x128xf32, #tpu.memory_space<vmem>>
        %get3A_828 = arith.index_cast %add3A_706 : i32 to index
        %get3A_829 = arith.constant 112 : index
        %get3A_830 = tpu.vector_load %get3A_827[%get3A_828, %get3A_829] {strides = array<i32>} : memref<16x128xf32, #tpu.memory_space<vmem>>, vector<16xf32>,
        %mul3A_831 = arith.mulf %get3A_823, %get3A_830 : vector<16xf32>
        %add3A_832 = arith.addf %add3A_800, %mul3A_831 : vector<16xf32>
        %eq3A_833 = vector.broadcast %scan3A_703 : i32 to vector<16xi32>
        %eq3A_834 = arith.cmpi eq, %iota3A, %eq3A_833 : vector<16xi32>
        %add3A_835 = arith.addf %add3A_816, %add3A_832 : vector<16xf32>
        %reduce_sum3A_836 = arith.constant true
        %reduce_sum3A_837 = vector.broadcast %reduce_sum3A_836 : i1 to vector<16xi1>
        %reduce_sum3A_838 = tpu.scan <sum>, %add3A_835 masked %reduce_sum3A_837 : vector<16xf32>, vector<16xi1> -> vector<16xf32>
        %reduce_sum3A_839 = vector.extract %reduce_sum3A_838[15] : f32 from vector<16xf32>
        %broadcast_in_dim3A_840 = vector.broadcast %reduce_sum3A_839 : f32 to vector<16xf32>
        %select_n3A_841 = arith.select %eq3A_834, %broadcast_in_dim3A_840, %select_n3A : vector<16xi1>, vector<16xf32>
        scf.yield %select_n3A_841 : vector<16xf32>
      }
      %scan3A_216 = arith.constant 16 : i32
      %mul3A_217 = arith.constant 16 : i32
      %mul3A_218 = arith.muli %scan3A_209, %mul3A_217 : i32
      %multiple_of3A_219 = tpu.assume_multiple %mul3A_218, 8 : i32
      %swap3A = arith.constant 0 : i32
      %swap3A_220 = arith.index_cast %swap3A : i32 to index
      %swap3A_221 = arith.index_cast %multiple_of3A_219 : i32 to index
      %swap3A_222 = tpu.vector_load %arg10[%swap3A_220, %swap3A_221] {strides = array<i32>} : memref<5x16xf32, #tpu.memory_space<vmem>>, vector<16xf32>,
      tpu.vector_store %arg10[%swap3A_220, %swap3A_221], %scan3A_215 {strides = array<i32>} : memref<5x16xf32, #tpu.memory_space<vmem>>, vector<16xf32>,
      %scan3A_223 = arith.constant 0 : i32
      %scan3A_224 = arith.constant 1 : i32
      %mul3A_225 = arith.constant 16 : i32
      %mul3A_226 = arith.muli %add3A_171, %mul3A_225 : i32
      %add3A_227 = arith.addi %mul3A_2, %mul3A_226 : i32
      %multiple_of3A_228 = tpu.assume_multiple %add3A_227, 8 : i32
      %dma_start3A_229 = arith.constant 0 : i32
      %dma_start3A_230 = arith.constant 0 : i32
      %dma_start3A_231 = tpu.memref_slice %arg10[%dma_start3A_229, %dma_start3A_230] : memref<5x16xf32, #tpu.memory_space<vmem>> -> memref<1x16xf32, #tpu.memory_space<vmem>>
      %dma_start3A_232 = tpu.memref_squeeze %dma_start3A_231 : memref<1x16xf32, #tpu.memory_space<vmem>> -> memref<16xf32, #tpu.memory_space<vmem>>
      %dma_start3A_233 = tpu.memref_slice %arg5[%multiple_of3A_228] : memref<320000xf32, #tpu.memory_space<hbm>> -> memref<16xf32, #tpu.memory_space<hbm>>
      %dma_start3A_234 = tpu.memref_slice %arg5[%multiple_of3A_228] : memref<320000xf32, #tpu.memory_space<hbm>> -> memref<16xf32, #tpu.memory_space<hbm>>
      %dma_start3A_235 = arith.constant 0 : i32
      %dma_start3A_236 = tpu.memref_slice %arg10[%dma_start3A_229, %dma_start3A_235] : memref<5x16xf32, #tpu.memory_space<vmem>> -> memref<1x16xf32, #tpu.memory_space<vmem>>
      %dma_start3A_237 = tpu.memref_squeeze %dma_start3A_236 : memref<1x16xf32, #tpu.memory_space<vmem>> -> memref<16xf32, #tpu.memory_space<vmem>>
      tpu.enqueue_dma source(%dma_start3A_237 : memref<16xf32, #tpu.memory_space<vmem>>) target(%dma_start3A_234 : memref<16xf32, #tpu.memory_space<hbm>>) target_semaphore(%arg17 : memref<!tpu.dma_semaphore, #tpu.memory_space<semaphore_mem>>)
      %add3A_238 = arith.constant 5 : i32
      %add3A_239 = arith.addi %add3A_171, %add3A_238 : i32
      %lt3A = arith.constant 625 : i32
      %lt3A_240 = arith.cmpi slt, %add3A_239, %lt3A : i32
      %convert_element_type3A_241 = arith.extui %lt3A_240 : i1 to i32
      %cond3A_242 = arith.constant 0 : i32
      %cond3A_243 = arith.cmpi ne, %convert_element_type3A_241, %cond3A_242 : i32
      scf.if %cond3A_243 {
        %add3A_565 = arith.constant 5 : i32
        %add3A_566 = arith.addi %add3A_171, %add3A_565 : i32
        %mul3A_567 = arith.constant 16 : i32
        %mul3A_568 = arith.muli %add3A_566, %mul3A_567 : i32
        %multiple_of3A_569 = tpu.assume_multiple %mul3A_568, 8 : i32
        %dma_start3A_570 = arith.constant 0 : i32
        %dma_start3A_571 = arith.constant 0 : i32
        %dma_start3A_572 = arith.constant 0 : i32
        %dma_start3A_573 = tpu.memref_slice %arg8[%dma_start3A_570, %dma_start3A_571, %dma_start3A_572] : memref<5x16x128xf32, #tpu.memory_space<vmem>> -> memref<1x16x128xf32, #tpu.memory_space<vmem>>
        %dma_start3A_574 = tpu.memref_squeeze %dma_start3A_573 : memref<1x16x128xf32, #tpu.memory_space<vmem>> -> memref<16x128xf32, #tpu.memory_space<vmem>>
        %dma_start3A_575 = tpu.memref_slice %arg6[%multiple_of3A_569] : memref<10000xi32, #tpu.memory_space<vmem>> -> memref<16xi32, #tpu.memory_space<vmem>>
        %dma_start3A_576 = arith.constant 0 : i32
        %dma_start3A_577 = arith.constant 0 : i32
        %dma_start3A_578 = tpu.memref_slice %arg11[%dma_start3A_576, %dma_start3A_577] : memref<10000x128xf32, #tpu.memory_space<vmem_shared>> -> memref<10000x128xf32, #tpu.memory_space<vmem_shared>>
        tpu.enqueue_indirect_dma source(%dma_start3A_578 : memref<10000x128xf32, #tpu.memory_space<vmem_shared>>) target(%dma_start3A_574 : memref<16x128xf32, #tpu.memory_space<vmem>>) offsets(%dma_start3A_575 : memref<16xi32, #tpu.memory_space<vmem>>) semaphore(%arg12 : memref<!tpu.dma_semaphore, #tpu.memory_space<semaphore_mem>>)
        %dma_start3A_579 = arith.constant 0 : i32
        %dma_start3A_580 = arith.constant 0 : i32
        %dma_start3A_581 = arith.constant 0 : i32
        %dma_start3A_582 = tpu.memref_slice %arg9[%dma_start3A_579, %dma_start3A_580, %dma_start3A_581] : memref<5x16x128xf32, #tpu.memory_space<vmem>> -> memref<1x16x128xf32, #tpu.memory_space<vmem>>
        %dma_start3A_583 = tpu.memref_squeeze %dma_start3A_582 : memref<1x16x128xf32, #tpu.memory_space<vmem>> -> memref<16x128xf32, #tpu.memory_space<vmem>>
        %dma_start3A_584 = tpu.memref_slice %arg7[%multiple_of3A_569] : memref<10000xi32, #tpu.memory_space<vmem>> -> memref<16xi32, #tpu.memory_space<vmem>>
        %dma_start3A_585 = arith.constant 0 : i32
        %dma_start3A_586 = arith.constant 0 : i32
        %dma_start3A_587 = tpu.memref_slice %arg11[%dma_start3A_585, %dma_start3A_586] : memref<10000x128xf32, #tpu.memory_space<vmem_shared>> -> memref<10000x128xf32, #tpu.memory_space<vmem_shared>>
        tpu.enqueue_indirect_dma source(%dma_start3A_587 : memref<10000x128xf32, #tpu.memory_space<vmem_shared>>) target(%dma_start3A_583 : memref<16x128xf32, #tpu.memory_space<vmem>>) offsets(%dma_start3A_584 : memref<16xi32, #tpu.memory_space<vmem>>) semaphore(%arg12 : memref<!tpu.dma_semaphore, #tpu.memory_space<semaphore_mem>>)
      } else {
      }
      %mul3A_244 = arith.constant 5 : i32
      %mul3A_245 = arith.muli %scan3A_166, %mul3A_244 : i32
      %add3A_246 = arith.constant 1 : i32
      %add3A_247 = arith.addi %mul3A_245, %add3A_246 : i32
      %dma_wait3A_248 = arith.constant 1 : i32
      %dma_wait3A_249 = arith.constant 0 : i32
      %dma_wait3A_250 = arith.constant 0 : i32
      %dma_wait3A_251 = tpu.memref_slice %arg8[%dma_wait3A_248, %dma_wait3A_249, %dma_wait3A_250] : memref<5x16x128xf32, #tpu.memory_space<vmem>> -> memref<1x16x128xf32, #tpu.memory_space<vmem>>
      %dma_wait3A_252 = tpu.memref_squeeze %dma_wait3A_251 : memref<1x16x128xf32, #tpu.memory_space<vmem>> -> memref<16x128xf32, #tpu.memory_space<vmem>>
      %dma_wait3A_253 = arith.constant 0 : i32
      %dma_wait3A_254 = arith.constant 0 : i32
      %dma_wait3A_255 = tpu.memref_slice %arg2[%dma_wait3A_253, %dma_wait3A_254] : memref<10000x128xf32, #tpu.memory_space<hbm>> -> memref<16x128xf32, #tpu.memory_space<hbm>>
      %dma_wait3A_256 = arith.constant 0 : i32
      %dma_wait3A_257 = arith.constant 0 : i32
      %dma_wait3A_258 = tpu.memref_slice %arg8[%dma_wait3A_248, %dma_wait3A_256, %dma_wait3A_257] : memref<5x16x128xf32, #tpu.memory_space<vmem>> -> memref<1x16x128xf32, #tpu.memory_space<vmem>>
      %dma_wait3A_259 = tpu.memref_squeeze %dma_wait3A_258 : memref<1x16x128xf32, #tpu.memory_space<vmem>> -> memref<16x128xf32, #tpu.memory_space<vmem>>
      %dma_wait3A_260 = arith.constant 0 : i32
      %dma_wait3A_261 = arith.constant 0 : i32
      %dma_wait3A_262 = tpu.memref_slice %arg2[%dma_wait3A_260, %dma_wait3A_261] : memref<10000x128xf32, #tpu.memory_space<hbm>> -> memref<16x128xf32, #tpu.memory_space<hbm>>
      tpu.wait_dma2 semaphore(%arg13 : memref<!tpu.dma_semaphore, #tpu.memory_space<semaphore_mem>>) src(%dma_wait3A_262 : memref<16x128xf32, #tpu.memory_space<hbm>>) dst(%dma_wait3A_259 : memref<16x128xf32, #tpu.memory_space<vmem>>)
      %dma_wait3A_263 = arith.constant 1 : i32
      %dma_wait3A_264 = arith.constant 0 : i32
      %dma_wait3A_265 = arith.constant 0 : i32
      %dma_wait3A_266 = tpu.memref_slice %arg9[%dma_wait3A_263, %dma_wait3A_264, %dma_wait3A_265] : memref<5x16x128xf32, #tpu.memory_space<vmem>> -> memref<1x16x128xf32, #tpu.memory_space<vmem>>
      %dma_wait3A_267 = tpu.memref_squeeze %dma_wait3A_266 : memref<1x16x128xf32, #tpu.memory_space<vmem>> -> memref<16x128xf32, #tpu.memory_space<vmem>>
      %dma_wait3A_268 = arith.constant 0 : i32
      %dma_wait3A_269 = arith.constant 0 : i32
      %dma_wait3A_270 = tpu.memref_slice %arg2[%dma_wait3A_268, %dma_wait3A_269] : memref<10000x128xf32, #tpu.memory_space<hbm>> -> memref<16x128xf32, #tpu.memory_space<hbm>>
      %dma_wait3A_271 = arith.constant 0 : i32
      %dma_wait3A_272 = arith.constant 0 : i32
      %dma_wait3A_273 = tpu.memref_slice %arg9[%dma_wait3A_263, %dma_wait3A_271, %dma_wait3A_272] : memref<5x16x128xf32, #tpu.memory_space<vmem>> -> memref<1x16x128xf32, #tpu.memory_space<vmem>>
      %dma_wait3A_274 = tpu.memref_squeeze %dma_wait3A_273 : memref<1x16x128xf32, #tpu.memory_space<vmem>> -> memref<16x128xf32, #tpu.memory_space<vmem>>
      %dma_wait3A_275 = arith.constant 0 : i32
      %dma_wait3A_276 = arith.constant 0 : i32
      %dma_wait3A_277 = tpu.memref_slice %arg2[%dma_wait3A_275, %dma_wait3A_276] : memref<10000x128xf32, #tpu.memory_space<hbm>> -> memref<16x128xf32, #tpu.memory_space<hbm>>
      tpu.wait_dma2 semaphore(%arg13 : memref<!tpu.dma_semaphore, #tpu.memory_space<semaphore_mem>>) src(%dma_wait3A_277 : memref<16x128xf32, #tpu.memory_space<hbm>>) dst(%dma_wait3A_274 : memref<16x128xf32, #tpu.memory_space<vmem>>)
      %ge3A_278 = arith.constant 5 : i32
      %ge3A_279 = arith.cmpi sge, %add3A_247, %ge3A_278 : i32
      %convert_element_type3A_280 = arith.extui %ge3A_279 : i1 to i32
      %cond3A_281 = arith.constant 0 : i32
      %cond3A_282 = arith.cmpi ne, %convert_element_type3A_280, %cond3A_281 : i32
      scf.if %cond3A_282 {
        %dma_wait3A_565 = arith.constant 1 : i32
        %dma_wait3A_566 = arith.constant 0 : i32
        %dma_wait3A_567 = tpu.memref_slice %arg10[%dma_wait3A_565, %dma_wait3A_566] : memref<5x16xf32, #tpu.memory_space<vmem>> -> memref<1x16xf32, #tpu.memory_space<vmem>>
        %dma_wait3A_568 = tpu.memref_squeeze %dma_wait3A_567 : memref<1x16xf32, #tpu.memory_space<vmem>> -> memref<16xf32, #tpu.memory_space<vmem>>
        %dma_wait3A_569 = arith.constant 0 : i32
        %dma_wait3A_570 = tpu.memref_slice %arg5[%dma_wait3A_569] : memref<320000xf32, #tpu.memory_space<hbm>> -> memref<16xf32, #tpu.memory_space<hbm>>
        %dma_wait3A_571 = arith.constant 0 : i32
        %dma_wait3A_572 = tpu.memref_slice %arg5[%dma_wait3A_571] : memref<320000xf32, #tpu.memory_space<hbm>> -> memref<16xf32, #tpu.memory_space<hbm>>
        %dma_wait3A_573 = arith.constant 0 : i32
        %dma_wait3A_574 = tpu.memref_slice %arg10[%dma_wait3A_565, %dma_wait3A_573] : memref<5x16xf32, #tpu.memory_space<vmem>> -> memref<1x16xf32, #tpu.memory_space<vmem>>
        %dma_wait3A_575 = tpu.memref_squeeze %dma_wait3A_574 : memref<1x16xf32, #tpu.memory_space<vmem>> -> memref<16xf32, #tpu.memory_space<vmem>>
        tpu.wait_dma2 semaphore(%arg18 : memref<!tpu.dma_semaphore, #tpu.memory_space<semaphore_mem>>) src(%dma_wait3A_575 : memref<16xf32, #tpu.memory_space<vmem>>) dst(%dma_wait3A_572 : memref<16xf32, #tpu.memory_space<hbm>>)
      } else {
      }
      %scan3A_283 = arith.constant 1 : i32
      %scan3A_284 = arith.constant 1 : i32
      %scan3A_285 = arith.constant 0 : i32
      %scan3A_286 = arith.constant 0 : i32
      %broadcast_in_dim3A_287 = arith.constant 0.000000e+00 : f32
      %broadcast_in_dim3A_288 = vector.broadcast %broadcast_in_dim3A_287 : f32 to vector<16xf32>
      %scan3A_289 = arith.constant 0 : i32
      %scan3A_290 = arith.constant 16 : i32
      %scan3A_291 = arith.addi %scan3A_289, %scan3A_290 : i32
      %scan3A_292 = arith.constant 2 : i32
      %scan3A_293 = scf.for %scan3A_565 = %scan3A_289 to %scan3A_291 step %scan3A_292 iter_args(%scan3A_566 = %broadcast_in_dim3A_288) -> (vector<16xf32>)  : i32 {
        %mul3A_567 = arith.constant 16 : i32
        %mul3A_568 = arith.muli %scan3A_286, %mul3A_567 : i32
        %add3A_569 = arith.addi %mul3A_568, %scan3A_565 : i32
        %get3A = arith.constant 0 : i32
        %get3A_570 = arith.constant 0 : i32
        %get3A_571 = tpu.memref_slice %arg8[%scan3A_283, %get3A, %get3A_570] : memref<5x16x128xf32, #tpu.memory_space<vmem>> -> memref<1x16x128xf32, #tpu.memory_space<vmem>>
        %get3A_572 = tpu.memref_squeeze %get3A_571 : memref<1x16x128xf32, #tpu.memory_space<vmem>> -> memref<16x128xf32, #tpu.memory_space<vmem>>
        %get3A_573 = arith.index_cast %add3A_569 : i32 to index
        %get3A_574 = arith.constant 0 : index
        %get3A_575 = tpu.vector_load %get3A_572[%get3A_573, %get3A_574] {strides = array<i32>} : memref<16x128xf32, #tpu.memory_space<vmem>>, vector<16xf32>,
        %get3A_576 = arith.constant 0 : i32
        %get3A_577 = arith.constant 0 : i32
        %get3A_578 = tpu.memref_slice %arg9[%scan3A_284, %get3A_576, %get3A_577] : memref<5x16x128xf32, #tpu.memory_space<vmem>> -> memref<1x16x128xf32, #tpu.memory_space<vmem>>
        %get3A_579 = tpu.memref_squeeze %get3A_578 : memref<1x16x128xf32, #tpu.memory_space<vmem>> -> memref<16x128xf32, #tpu.memory_space<vmem>>
        %get3A_580 = arith.index_cast %add3A_569 : i32 to index
        %get3A_581 = arith.constant 0 : index
        %get3A_582 = tpu.vector_load %get3A_579[%get3A_580, %get3A_581] {strides = array<i32>} : memref<16x128xf32, #tpu.memory_space<vmem>>, vector<16xf32>,
        %mul3A_583 = arith.mulf %get3A_575, %get3A_582 : vector<16xf32>
        %get3A_584 = arith.constant 0 : i32
        %get3A_585 = arith.constant 0 : i32
        %get3A_586 = tpu.memref_slice %arg8[%scan3A_283, %get3A_584, %get3A_585] : memref<5x16x128xf32, #tpu.memory_space<vmem>> -> memref<1x16x128xf32, #tpu.memory_space<vmem>>
        %get3A_587 = tpu.memref_squeeze %get3A_586 : memref<1x16x128xf32, #tpu.memory_space<vmem>> -> memref<16x128xf32, #tpu.memory_space<vmem>>
        %get3A_588 = arith.index_cast %add3A_569 : i32 to index
        %get3A_589 = arith.constant 16 : index
        %get3A_590 = tpu.vector_load %get3A_587[%get3A_588, %get3A_589] {strides = array<i32>} : memref<16x128xf32, #tpu.memory_space<vmem>>, vector<16xf32>,
        %get3A_591 = arith.constant 0 : i32
        %get3A_592 = arith.constant 0 : i32
        %get3A_593 = tpu.memref_slice %arg9[%scan3A_284, %get3A_591, %get3A_592] : memref<5x16x128xf32, #tpu.memory_space<vmem>> -> memref<1x16x128xf32, #tpu.memory_space<vmem>>
        %get3A_594 = tpu.memref_squeeze %get3A_593 : memref<1x16x128xf32, #tpu.memory_space<vmem>> -> memref<16x128xf32, #tpu.memory_space<vmem>>
        %get3A_595 = arith.index_cast %add3A_569 : i32 to index
        %get3A_596 = arith.constant 16 : index
        %get3A_597 = tpu.vector_load %get3A_594[%get3A_595, %get3A_596] {strides = array<i32>} : memref<16x128xf32, #tpu.memory_space<vmem>>, vector<16xf32>,
        %mul3A_598 = arith.mulf %get3A_590, %get3A_597 : vector<16xf32>
        %get3A_599 = arith.constant 0 : i32
        %get3A_600 = arith.constant 0 : i32
        %get3A_601 = tpu.memref_slice %arg8[%scan3A_283, %get3A_599, %get3A_600] : memref<5x16x128xf32, #tpu.memory_space<vmem>> -> memref<1x16x128xf32, #tpu.memory_space<vmem>>
        %get3A_602 = tpu.memref_squeeze %get3A_601 : memref<1x16x128xf32, #tpu.memory_space<vmem>> -> memref<16x128xf32, #tpu.memory_space<vmem>>
        %get3A_603 = arith.index_cast %add3A_569 : i32 to index
        %get3A_604 = arith.constant 32 : index
        %get3A_605 = tpu.vector_load %get3A_602[%get3A_603, %get3A_604] {strides = array<i32>} : memref<16x128xf32, #tpu.memory_space<vmem>>, vector<16xf32>,
        %get3A_606 = arith.constant 0 : i32
        %get3A_607 = arith.constant 0 : i32
        %get3A_608 = tpu.memref_slice %arg9[%scan3A_284, %get3A_606, %get3A_607] : memref<5x16x128xf32, #tpu.memory_space<vmem>> -> memref<1x16x128xf32, #tpu.memory_space<vmem>>
        %get3A_609 = tpu.memref_squeeze %get3A_608 : memref<1x16x128xf32, #tpu.memory_space<vmem>> -> memref<16x128xf32, #tpu.memory_space<vmem>>
        %get3A_610 = arith.index_cast %add3A_569 : i32 to index
        %get3A_611 = arith.constant 32 : index
        %get3A_612 = tpu.vector_load %get3A_609[%get3A_610, %get3A_611] {strides = array<i32>} : memref<16x128xf32, #tpu.memory_space<vmem>>, vector<16xf32>,
        %mul3A_613 = arith.mulf %get3A_605, %get3A_612 : vector<16xf32>
        %add3A_614 = arith.addf %mul3A_583, %mul3A_613 : vector<16xf32>
        %get3A_615 = arith.constant 0 : i32
        %get3A_616 = arith.constant 0 : i32
        %get3A_617 = tpu.memref_slice %arg8[%scan3A_283, %get3A_615, %get3A_616] : memref<5x16x128xf32, #tpu.memory_space<vmem>> -> memref<1x16x128xf32, #tpu.memory_space<vmem>>
        %get3A_618 = tpu.memref_squeeze %get3A_617 : memref<1x16x128xf32, #tpu.memory_space<vmem>> -> memref<16x128xf32, #tpu.memory_space<vmem>>
        %get3A_619 = arith.index_cast %add3A_569 : i32 to index
        %get3A_620 = arith.constant 48 : index
        %get3A_621 = tpu.vector_load %get3A_618[%get3A_619, %get3A_620] {strides = array<i32>} : memref<16x128xf32, #tpu.memory_space<vmem>>, vector<16xf32>,
        %get3A_622 = arith.constant 0 : i32
        %get3A_623 = arith.constant 0 : i32
        %get3A_624 = tpu.memref_slice %arg9[%scan3A_284, %get3A_622, %get3A_623] : memref<5x16x128xf32, #tpu.memory_space<vmem>> -> memref<1x16x128xf32, #tpu.memory_space<vmem>>
        %get3A_625 = tpu.memref_squeeze %get3A_624 : memref<1x16x128xf32, #tpu.memory_space<vmem>> -> memref<16x128xf32, #tpu.memory_space<vmem>>
        %get3A_626 = arith.index_cast %add3A_569 : i32 to index
        %get3A_627 = arith.constant 48 : index
        %get3A_628 = tpu.vector_load %get3A_625[%get3A_626, %get3A_627] {strides = array<i32>} : memref<16x128xf32, #tpu.memory_space<vmem>>, vector<16xf32>,
        %mul3A_629 = arith.mulf %get3A_621, %get3A_628 : vector<16xf32>
        %add3A_630 = arith.addf %mul3A_598, %mul3A_629 : vector<16xf32>
        %get3A_631 = arith.constant 0 : i32
        %get3A_632 = arith.constant 0 : i32
        %get3A_633 = tpu.memref_slice %arg8[%scan3A_283, %get3A_631, %get3A_632] : memref<5x16x128xf32, #tpu.memory_space<vmem>> -> memref<1x16x128xf32, #tpu.memory_space<vmem>>
        %get3A_634 = tpu.memref_squeeze %get3A_633 : memref<1x16x128xf32, #tpu.memory_space<vmem>> -> memref<16x128xf32, #tpu.memory_space<vmem>>
        %get3A_635 = arith.index_cast %add3A_569 : i32 to index
        %get3A_636 = arith.constant 64 : index
        %get3A_637 = tpu.vector_load %get3A_634[%get3A_635, %get3A_636] {strides = array<i32>} : memref<16x128xf32, #tpu.memory_space<vmem>>, vector<16xf32>,
        %get3A_638 = arith.constant 0 : i32
        %get3A_639 = arith.constant 0 : i32
        %get3A_640 = tpu.memref_slice %arg9[%scan3A_284, %get3A_638, %get3A_639] : memref<5x16x128xf32, #tpu.memory_space<vmem>> -> memref<1x16x128xf32, #tpu.memory_space<vmem>>
        %get3A_641 = tpu.memref_squeeze %get3A_640 : memref<1x16x128xf32, #tpu.memory_space<vmem>> -> memref<16x128xf32, #tpu.memory_space<vmem>>
        %get3A_642 = arith.index_cast %add3A_569 : i32 to index
        %get3A_643 = arith.constant 64 : index
        %get3A_644 = tpu.vector_load %get3A_641[%get3A_642, %get3A_643] {strides = array<i32>} : memref<16x128xf32, #tpu.memory_space<vmem>>, vector<16xf32>,
        %mul3A_645 = arith.mulf %get3A_637, %get3A_644 : vector<16xf32>
        %add3A_646 = arith.addf %add3A_614, %mul3A_645 : vector<16xf32>
        %get3A_647 = arith.constant 0 : i32
        %get3A_648 = arith.constant 0 : i32
        %get3A_649 = tpu.memref_slice %arg8[%scan3A_283, %get3A_647, %get3A_648] : memref<5x16x128xf32, #tpu.memory_space<vmem>> -> memref<1x16x128xf32, #tpu.memory_space<vmem>>
        %get3A_650 = tpu.memref_squeeze %get3A_649 : memref<1x16x128xf32, #tpu.memory_space<vmem>> -> memref<16x128xf32, #tpu.memory_space<vmem>>
        %get3A_651 = arith.index_cast %add3A_569 : i32 to index
        %get3A_652 = arith.constant 80 : index
        %get3A_653 = tpu.vector_load %get3A_650[%get3A_651, %get3A_652] {strides = array<i32>} : memref<16x128xf32, #tpu.memory_space<vmem>>, vector<16xf32>,
        %get3A_654 = arith.constant 0 : i32
        %get3A_655 = arith.constant 0 : i32
        %get3A_656 = tpu.memref_slice %arg9[%scan3A_284, %get3A_654, %get3A_655] : memref<5x16x128xf32, #tpu.memory_space<vmem>> -> memref<1x16x128xf32, #tpu.memory_space<vmem>>
        %get3A_657 = tpu.memref_squeeze %get3A_656 : memref<1x16x128xf32, #tpu.memory_space<vmem>> -> memref<16x128xf32, #tpu.memory_space<vmem>>
        %get3A_658 = arith.index_cast %add3A_569 : i32 to index
        %get3A_659 = arith.constant 80 : index
        %get3A_660 = tpu.vector_load %get3A_657[%get3A_658, %get3A_659] {strides = array<i32>} : memref<16x128xf32, #tpu.memory_space<vmem>>, vector<16xf32>,
        %mul3A_661 = arith.mulf %get3A_653, %get3A_660 : vector<16xf32>
        %add3A_662 = arith.addf %add3A_630, %mul3A_661 : vector<16xf32>
        %get3A_663 = arith.constant 0 : i32
        %get3A_664 = arith.constant 0 : i32
        %get3A_665 = tpu.memref_slice %arg8[%scan3A_283, %get3A_663, %get3A_664] : memref<5x16x128xf32, #tpu.memory_space<vmem>> -> memref<1x16x128xf32, #tpu.memory_space<vmem>>
        %get3A_666 = tpu.memref_squeeze %get3A_665 : memref<1x16x128xf32, #tpu.memory_space<vmem>> -> memref<16x128xf32, #tpu.memory_space<vmem>>
        %get3A_667 = arith.index_cast %add3A_569 : i32 to index
        %get3A_668 = arith.constant 96 : index
        %get3A_669 = tpu.vector_load %get3A_666[%get3A_667, %get3A_668] {strides = array<i32>} : memref<16x128xf32, #tpu.memory_space<vmem>>, vector<16xf32>,
        %get3A_670 = arith.constant 0 : i32
        %get3A_671 = arith.constant 0 : i32
        %get3A_672 = tpu.memref_slice %arg9[%scan3A_284, %get3A_670, %get3A_671] : memref<5x16x128xf32, #tpu.memory_space<vmem>> -> memref<1x16x128xf32, #tpu.memory_space<vmem>>
        %get3A_673 = tpu.memref_squeeze %get3A_672 : memref<1x16x128xf32, #tpu.memory_space<vmem>> -> memref<16x128xf32, #tpu.memory_space<vmem>>
        %get3A_674 = arith.index_cast %add3A_569 : i32 to index
        %get3A_675 = arith.constant 96 : index
        %get3A_676 = tpu.vector_load %get3A_673[%get3A_674, %get3A_675] {strides = array<i32>} : memref<16x128xf32, #tpu.memory_space<vmem>>, vector<16xf32>,
        %mul3A_677 = arith.mulf %get3A_669, %get3A_676 : vector<16xf32>
        %add3A_678 = arith.addf %add3A_646, %mul3A_677 : vector<16xf32>
        %get3A_679 = arith.constant 0 : i32
        %get3A_680 = arith.constant 0 : i32
        %get3A_681 = tpu.memref_slice %arg8[%scan3A_283, %get3A_679, %get3A_680] : memref<5x16x128xf32, #tpu.memory_space<vmem>> -> memref<1x16x128xf32, #tpu.memory_space<vmem>>
        %get3A_682 = tpu.memref_squeeze %get3A_681 : memref<1x16x128xf32, #tpu.memory_space<vmem>> -> memref<16x128xf32, #tpu.memory_space<vmem>>
        %get3A_683 = arith.index_cast %add3A_569 : i32 to index
        %get3A_684 = arith.constant 112 : index
        %get3A_685 = tpu.vector_load %get3A_682[%get3A_683, %get3A_684] {strides = array<i32>} : memref<16x128xf32, #tpu.memory_space<vmem>>, vector<16xf32>,
        %get3A_686 = arith.constant 0 : i32
        %get3A_687 = arith.constant 0 : i32
        %get3A_688 = tpu.memref_slice %arg9[%scan3A_284, %get3A_686, %get3A_687] : memref<5x16x128xf32, #tpu.memory_space<vmem>> -> memref<1x16x128xf32, #tpu.memory_space<vmem>>
        %get3A_689 = tpu.memref_squeeze %get3A_688 : memref<1x16x128xf32, #tpu.memory_space<vmem>> -> memref<16x128xf32, #tpu.memory_space<vmem>>
        %get3A_690 = arith.index_cast %add3A_569 : i32 to index
        %get3A_691 = arith.constant 112 : index
        %get3A_692 = tpu.vector_load %get3A_689[%get3A_690, %get3A_691] {strides = array<i32>} : memref<16x128xf32, #tpu.memory_space<vmem>>, vector<16xf32>,
        %mul3A_693 = arith.mulf %get3A_685, %get3A_692 : vector<16xf32>
        %add3A_694 = arith.addf %add3A_662, %mul3A_693 : vector<16xf32>
        %eq3A_695 = vector.broadcast %scan3A_565 : i32 to vector<16xi32>
        %eq3A_696 = arith.cmpi eq, %iota3A, %eq3A_695 : vector<16xi32>
        %add3A_697 = arith.addf %add3A_678, %add3A_694 : vector<16xf32>
        %reduce_sum3A = arith.constant true
        %reduce_sum3A_698 = vector.broadcast %reduce_sum3A : i1 to vector<16xi1>
        %reduce_sum3A_699 = tpu.scan <sum>, %add3A_697 masked %reduce_sum3A_698 : vector<16xf32>, vector<16xi1> -> vector<16xf32>
        %reduce_sum3A_700 = vector.extract %reduce_sum3A_699[15] : f32 from vector<16xf32>
        %broadcast_in_dim3A_701 = vector.broadcast %reduce_sum3A_700 : f32 to vector<16xf32>
        %select_n3A = arith.select %eq3A_696, %broadcast_in_dim3A_701, %scan3A_566 : vector<16xi1>, vector<16xf32>
        %scan3A_702 = arith.constant 1 : i32
        %scan3A_703 = arith.addi %scan3A_565, %scan3A_702 : i32
        %mul3A_704 = arith.constant 16 : i32
        %mul3A_705 = arith.muli %scan3A_286, %mul3A_704 : i32
        %add3A_706 = arith.addi %mul3A_705, %scan3A_703 : i32
        %get3A_707 = arith.constant 0 : i32
        %get3A_708 = arith.constant 0 : i32
        %get3A_709 = tpu.memref_slice %arg8[%scan3A_283, %get3A_707, %get3A_708] : memref<5x16x128xf32, #tpu.memory_space<vmem>> -> memref<1x16x128xf32, #tpu.memory_space<vmem>>
        %get3A_710 = tpu.memref_squeeze %get3A_709 : memref<1x16x128xf32, #tpu.memory_space<vmem>> -> memref<16x128xf32, #tpu.memory_space<vmem>>
        %get3A_711 = arith.index_cast %add3A_706 : i32 to index
        %get3A_712 = arith.constant 0 : index
        %get3A_713 = tpu.vector_load %get3A_710[%get3A_711, %get3A_712] {strides = array<i32>} : memref<16x128xf32, #tpu.memory_space<vmem>>, vector<16xf32>,
        %get3A_714 = arith.constant 0 : i32
        %get3A_715 = arith.constant 0 : i32
        %get3A_716 = tpu.memref_slice %arg9[%scan3A_284, %get3A_714, %get3A_715] : memref<5x16x128xf32, #tpu.memory_space<vmem>> -> memref<1x16x128xf32, #tpu.memory_space<vmem>>
        %get3A_717 = tpu.memref_squeeze %get3A_716 : memref<1x16x128xf32, #tpu.memory_space<vmem>> -> memref<16x128xf32, #tpu.memory_space<vmem>>
        %get3A_718 = arith.index_cast %add3A_706 : i32 to index
        %get3A_719 = arith.constant 0 : index
        %get3A_720 = tpu.vector_load %get3A_717[%get3A_718, %get3A_719] {strides = array<i32>} : memref<16x128xf32, #tpu.memory_space<vmem>>, vector<16xf32>,
        %mul3A_721 = arith.mulf %get3A_713, %get3A_720 : vector<16xf32>
        %get3A_722 = arith.constant 0 : i32
        %get3A_723 = arith.constant 0 : i32
        %get3A_724 = tpu.memref_slice %arg8[%scan3A_283, %get3A_722, %get3A_723] : memref<5x16x128xf32, #tpu.memory_space<vmem>> -> memref<1x16x128xf32, #tpu.memory_space<vmem>>
        %get3A_725 = tpu.memref_squeeze %get3A_724 : memref<1x16x128xf32, #tpu.memory_space<vmem>> -> memref<16x128xf32, #tpu.memory_space<vmem>>
        %get3A_726 = arith.index_cast %add3A_706 : i32 to index
        %get3A_727 = arith.constant 16 : index
        %get3A_728 = tpu.vector_load %get3A_725[%get3A_726, %get3A_727] {strides = array<i32>} : memref<16x128xf32, #tpu.memory_space<vmem>>, vector<16xf32>,
        %get3A_729 = arith.constant 0 : i32
        %get3A_730 = arith.constant 0 : i32
        %get3A_731 = tpu.memref_slice %arg9[%scan3A_284, %get3A_729, %get3A_730] : memref<5x16x128xf32, #tpu.memory_space<vmem>> -> memref<1x16x128xf32, #tpu.memory_space<vmem>>
        %get3A_732 = tpu.memref_squeeze %get3A_731 : memref<1x16x128xf32, #tpu.memory_space<vmem>> -> memref<16x128xf32, #tpu.memory_space<vmem>>
        %get3A_733 = arith.index_cast %add3A_706 : i32 to index
        %get3A_734 = arith.constant 16 : index
        %get3A_735 = tpu.vector_load %get3A_732[%get3A_733, %get3A_734] {strides = array<i32>} : memref<16x128xf32, #tpu.memory_space<vmem>>, vector<16xf32>,
        %mul3A_736 = arith.mulf %get3A_728, %get3A_735 : vector<16xf32>
        %get3A_737 = arith.constant 0 : i32
        %get3A_738 = arith.constant 0 : i32
        %get3A_739 = tpu.memref_slice %arg8[%scan3A_283, %get3A_737, %get3A_738] : memref<5x16x128xf32, #tpu.memory_space<vmem>> -> memref<1x16x128xf32, #tpu.memory_space<vmem>>
        %get3A_740 = tpu.memref_squeeze %get3A_739 : memref<1x16x128xf32, #tpu.memory_space<vmem>> -> memref<16x128xf32, #tpu.memory_space<vmem>>
        %get3A_741 = arith.index_cast %add3A_706 : i32 to index
        %get3A_742 = arith.constant 32 : index
        %get3A_743 = tpu.vector_load %get3A_740[%get3A_741, %get3A_742] {strides = array<i32>} : memref<16x128xf32, #tpu.memory_space<vmem>>, vector<16xf32>,
        %get3A_744 = arith.constant 0 : i32
        %get3A_745 = arith.constant 0 : i32
        %get3A_746 = tpu.memref_slice %arg9[%scan3A_284, %get3A_744, %get3A_745] : memref<5x16x128xf32, #tpu.memory_space<vmem>> -> memref<1x16x128xf32, #tpu.memory_space<vmem>>
        %get3A_747 = tpu.memref_squeeze %get3A_746 : memref<1x16x128xf32, #tpu.memory_space<vmem>> -> memref<16x128xf32, #tpu.memory_space<vmem>>
        %get3A_748 = arith.index_cast %add3A_706 : i32 to index
        %get3A_749 = arith.constant 32 : index
        %get3A_750 = tpu.vector_load %get3A_747[%get3A_748, %get3A_749] {strides = array<i32>} : memref<16x128xf32, #tpu.memory_space<vmem>>, vector<16xf32>,
        %mul3A_751 = arith.mulf %get3A_743, %get3A_750 : vector<16xf32>
        %add3A_752 = arith.addf %mul3A_721, %mul3A_751 : vector<16xf32>
        %get3A_753 = arith.constant 0 : i32
        %get3A_754 = arith.constant 0 : i32
        %get3A_755 = tpu.memref_slice %arg8[%scan3A_283, %get3A_753, %get3A_754] : memref<5x16x128xf32, #tpu.memory_space<vmem>> -> memref<1x16x128xf32, #tpu.memory_space<vmem>>
        %get3A_756 = tpu.memref_squeeze %get3A_755 : memref<1x16x128xf32, #tpu.memory_space<vmem>> -> memref<16x128xf32, #tpu.memory_space<vmem>>
        %get3A_757 = arith.index_cast %add3A_706 : i32 to index
        %get3A_758 = arith.constant 48 : index
        %get3A_759 = tpu.vector_load %get3A_756[%get3A_757, %get3A_758] {strides = array<i32>} : memref<16x128xf32, #tpu.memory_space<vmem>>, vector<16xf32>,
        %get3A_760 = arith.constant 0 : i32
        %get3A_761 = arith.constant 0 : i32
        %get3A_762 = tpu.memref_slice %arg9[%scan3A_284, %get3A_760, %get3A_761] : memref<5x16x128xf32, #tpu.memory_space<vmem>> -> memref<1x16x128xf32, #tpu.memory_space<vmem>>
        %get3A_763 = tpu.memref_squeeze %get3A_762 : memref<1x16x128xf32, #tpu.memory_space<vmem>> -> memref<16x128xf32, #tpu.memory_space<vmem>>
        %get3A_764 = arith.index_cast %add3A_706 : i32 to index
        %get3A_765 = arith.constant 48 : index
        %get3A_766 = tpu.vector_load %get3A_763[%get3A_764, %get3A_765] {strides = array<i32>} : memref<16x128xf32, #tpu.memory_space<vmem>>, vector<16xf32>,
        %mul3A_767 = arith.mulf %get3A_759, %get3A_766 : vector<16xf32>
        %add3A_768 = arith.addf %mul3A_736, %mul3A_767 : vector<16xf32>
        %get3A_769 = arith.constant 0 : i32
        %get3A_770 = arith.constant 0 : i32
        %get3A_771 = tpu.memref_slice %arg8[%scan3A_283, %get3A_769, %get3A_770] : memref<5x16x128xf32, #tpu.memory_space<vmem>> -> memref<1x16x128xf32, #tpu.memory_space<vmem>>
        %get3A_772 = tpu.memref_squeeze %get3A_771 : memref<1x16x128xf32, #tpu.memory_space<vmem>> -> memref<16x128xf32, #tpu.memory_space<vmem>>
        %get3A_773 = arith.index_cast %add3A_706 : i32 to index
        %get3A_774 = arith.constant 64 : index
        %get3A_775 = tpu.vector_load %get3A_772[%get3A_773, %get3A_774] {strides = array<i32>} : memref<16x128xf32, #tpu.memory_space<vmem>>, vector<16xf32>,
        %get3A_776 = arith.constant 0 : i32
        %get3A_777 = arith.constant 0 : i32
        %get3A_778 = tpu.memref_slice %arg9[%scan3A_284, %get3A_776, %get3A_777] : memref<5x16x128xf32, #tpu.memory_space<vmem>> -> memref<1x16x128xf32, #tpu.memory_space<vmem>>
        %get3A_779 = tpu.memref_squeeze %get3A_778 : memref<1x16x128xf32, #tpu.memory_space<vmem>> -> memref<16x128xf32, #tpu.memory_space<vmem>>
        %get3A_780 = arith.index_cast %add3A_706 : i32 to index
        %get3A_781 = arith.constant 64 : index
        %get3A_782 = tpu.vector_load %get3A_779[%get3A_780, %get3A_781] {strides = array<i32>} : memref<16x128xf32, #tpu.memory_space<vmem>>, vector<16xf32>,
        %mul3A_783 = arith.mulf %get3A_775, %get3A_782 : vector<16xf32>
        %add3A_784 = arith.addf %add3A_752, %mul3A_783 : vector<16xf32>
        %get3A_785 = arith.constant 0 : i32
        %get3A_786 = arith.constant 0 : i32
        %get3A_787 = tpu.memref_slice %arg8[%scan3A_283, %get3A_785, %get3A_786] : memref<5x16x128xf32, #tpu.memory_space<vmem>> -> memref<1x16x128xf32, #tpu.memory_space<vmem>>
        %get3A_788 = tpu.memref_squeeze %get3A_787 : memref<1x16x128xf32, #tpu.memory_space<vmem>> -> memref<16x128xf32, #tpu.memory_space<vmem>>
        %get3A_789 = arith.index_cast %add3A_706 : i32 to index
        %get3A_790 = arith.constant 80 : index
        %get3A_791 = tpu.vector_load %get3A_788[%get3A_789, %get3A_790] {strides = array<i32>} : memref<16x128xf32, #tpu.memory_space<vmem>>, vector<16xf32>,
        %get3A_792 = arith.constant 0 : i32
        %get3A_793 = arith.constant 0 : i32
        %get3A_794 = tpu.memref_slice %arg9[%scan3A_284, %get3A_792, %get3A_793] : memref<5x16x128xf32, #tpu.memory_space<vmem>> -> memref<1x16x128xf32, #tpu.memory_space<vmem>>
        %get3A_795 = tpu.memref_squeeze %get3A_794 : memref<1x16x128xf32, #tpu.memory_space<vmem>> -> memref<16x128xf32, #tpu.memory_space<vmem>>
        %get3A_796 = arith.index_cast %add3A_706 : i32 to index
        %get3A_797 = arith.constant 80 : index
        %get3A_798 = tpu.vector_load %get3A_795[%get3A_796, %get3A_797] {strides = array<i32>} : memref<16x128xf32, #tpu.memory_space<vmem>>, vector<16xf32>,
        %mul3A_799 = arith.mulf %get3A_791, %get3A_798 : vector<16xf32>
        %add3A_800 = arith.addf %add3A_768, %mul3A_799 : vector<16xf32>
        %get3A_801 = arith.constant 0 : i32
        %get3A_802 = arith.constant 0 : i32
        %get3A_803 = tpu.memref_slice %arg8[%scan3A_283, %get3A_801, %get3A_802] : memref<5x16x128xf32, #tpu.memory_space<vmem>> -> memref<1x16x128xf32, #tpu.memory_space<vmem>>
        %get3A_804 = tpu.memref_squeeze %get3A_803 : memref<1x16x128xf32, #tpu.memory_space<vmem>> -> memref<16x128xf32, #tpu.memory_space<vmem>>
        %get3A_805 = arith.index_cast %add3A_706 : i32 to index
        %get3A_806 = arith.constant 96 : index
        %get3A_807 = tpu.vector_load %get3A_804[%get3A_805, %get3A_806] {strides = array<i32>} : memref<16x128xf32, #tpu.memory_space<vmem>>, vector<16xf32>,
        %get3A_808 = arith.constant 0 : i32
        %get3A_809 = arith.constant 0 : i32
        %get3A_810 = tpu.memref_slice %arg9[%scan3A_284, %get3A_808, %get3A_809] : memref<5x16x128xf32, #tpu.memory_space<vmem>> -> memref<1x16x128xf32, #tpu.memory_space<vmem>>
        %get3A_811 = tpu.memref_squeeze %get3A_810 : memref<1x16x128xf32, #tpu.memory_space<vmem>> -> memref<16x128xf32, #tpu.memory_space<vmem>>
        %get3A_812 = arith.index_cast %add3A_706 : i32 to index
        %get3A_813 = arith.constant 96 : index
        %get3A_814 = tpu.vector_load %get3A_811[%get3A_812, %get3A_813] {strides = array<i32>} : memref<16x128xf32, #tpu.memory_space<vmem>>, vector<16xf32>,
        %mul3A_815 = arith.mulf %get3A_807, %get3A_814 : vector<16xf32>
        %add3A_816 = arith.addf %add3A_784, %mul3A_815 : vector<16xf32>
        %get3A_817 = arith.constant 0 : i32
        %get3A_818 = arith.constant 0 : i32
        %get3A_819 = tpu.memref_slice %arg8[%scan3A_283, %get3A_817, %get3A_818] : memref<5x16x128xf32, #tpu.memory_space<vmem>> -> memref<1x16x128xf32, #tpu.memory_space<vmem>>
        %get3A_820 = tpu.memref_squeeze %get3A_819 : memref<1x16x128xf32, #tpu.memory_space<vmem>> -> memref<16x128xf32, #tpu.memory_space<vmem>>
        %get3A_821 = arith.index_cast %add3A_706 : i32 to index
        %get3A_822 = arith.constant 112 : index
        %get3A_823 = tpu.vector_load %get3A_820[%get3A_821, %get3A_822] {strides = array<i32>} : memref<16x128xf32, #tpu.memory_space<vmem>>, vector<16xf32>,
        %get3A_824 = arith.constant 0 : i32
        %get3A_825 = arith.constant 0 : i32
        %get3A_826 = tpu.memref_slice %arg9[%scan3A_284, %get3A_824, %get3A_825] : memref<5x16x128xf32, #tpu.memory_space<vmem>> -> memref<1x16x128xf32, #tpu.memory_space<vmem>>
        %get3A_827 = tpu.memref_squeeze %get3A_826 : memref<1x16x128xf32, #tpu.memory_space<vmem>> -> memref<16x128xf32, #tpu.memory_space<vmem>>
        %get3A_828 = arith.index_cast %add3A_706 : i32 to index
        %get3A_829 = arith.constant 112 : index
        %get3A_830 = tpu.vector_load %get3A_827[%get3A_828, %get3A_829] {strides = array<i32>} : memref<16x128xf32, #tpu.memory_space<vmem>>, vector<16xf32>,
        %mul3A_831 = arith.mulf %get3A_823, %get3A_830 : vector<16xf32>
        %add3A_832 = arith.addf %add3A_800, %mul3A_831 : vector<16xf32>
        %eq3A_833 = vector.broadcast %scan3A_703 : i32 to vector<16xi32>
        %eq3A_834 = arith.cmpi eq, %iota3A, %eq3A_833 : vector<16xi32>
        %add3A_835 = arith.addf %add3A_816, %add3A_832 : vector<16xf32>
        %reduce_sum3A_836 = arith.constant true
        %reduce_sum3A_837 = vector.broadcast %reduce_sum3A_836 : i1 to vector<16xi1>
        %reduce_sum3A_838 = tpu.scan <sum>, %add3A_835 masked %reduce_sum3A_837 : vector<16xf32>, vector<16xi1> -> vector<16xf32>
        %reduce_sum3A_839 = vector.extract %reduce_sum3A_838[15] : f32 from vector<16xf32>
        %broadcast_in_dim3A_840 = vector.broadcast %reduce_sum3A_839 : f32 to vector<16xf32>
        %select_n3A_841 = arith.select %eq3A_834, %broadcast_in_dim3A_840, %select_n3A : vector<16xi1>, vector<16xf32>
        scf.yield %select_n3A_841 : vector<16xf32>
      }
      %scan3A_294 = arith.constant 16 : i32
      %mul3A_295 = arith.constant 16 : i32
      %mul3A_296 = arith.muli %scan3A_286, %mul3A_295 : i32
      %multiple_of3A_297 = tpu.assume_multiple %mul3A_296, 8 : i32
      %swap3A_298 = arith.constant 1 : i32
      %swap3A_299 = arith.index_cast %swap3A_298 : i32 to index
      %swap3A_300 = arith.index_cast %multiple_of3A_297 : i32 to index
      %swap3A_301 = tpu.vector_load %arg10[%swap3A_299, %swap3A_300] {strides = array<i32>} : memref<5x16xf32, #tpu.memory_space<vmem>>, vector<16xf32>,
      tpu.vector_store %arg10[%swap3A_299, %swap3A_300], %scan3A_293 {strides = array<i32>} : memref<5x16xf32, #tpu.memory_space<vmem>>, vector<16xf32>,
      %scan3A_302 = arith.constant 0 : i32
      %scan3A_303 = arith.constant 1 : i32
      %mul3A_304 = arith.constant 16 : i32
      %mul3A_305 = arith.muli %add3A_247, %mul3A_304 : i32
      %add3A_306 = arith.addi %mul3A_2, %mul3A_305 : i32
      %multiple_of3A_307 = tpu.assume_multiple %add3A_306, 8 : i32
      %dma_start3A_308 = arith.constant 1 : i32
      %dma_start3A_309 = arith.constant 0 : i32
      %dma_start3A_310 = tpu.memref_slice %arg10[%dma_start3A_308, %dma_start3A_309] : memref<5x16xf32, #tpu.memory_space<vmem>> -> memref<1x16xf32, #tpu.memory_space<vmem>>
      %dma_start3A_311 = tpu.memref_squeeze %dma_start3A_310 : memref<1x16xf32, #tpu.memory_space<vmem>> -> memref<16xf32, #tpu.memory_space<vmem>>
      %dma_start3A_312 = tpu.memref_slice %arg5[%multiple_of3A_307] : memref<320000xf32, #tpu.memory_space<hbm>> -> memref<16xf32, #tpu.memory_space<hbm>>
      %dma_start3A_313 = tpu.memref_slice %arg5[%multiple_of3A_307] : memref<320000xf32, #tpu.memory_space<hbm>> -> memref<16xf32, #tpu.memory_space<hbm>>
      %dma_start3A_314 = arith.constant 0 : i32
      %dma_start3A_315 = tpu.memref_slice %arg10[%dma_start3A_308, %dma_start3A_314] : memref<5x16xf32, #tpu.memory_space<vmem>> -> memref<1x16xf32, #tpu.memory_space<vmem>>
      %dma_start3A_316 = tpu.memref_squeeze %dma_start3A_315 : memref<1x16xf32, #tpu.memory_space<vmem>> -> memref<16xf32, #tpu.memory_space<vmem>>
      tpu.enqueue_dma source(%dma_start3A_316 : memref<16xf32, #tpu.memory_space<vmem>>) target(%dma_start3A_313 : memref<16xf32, #tpu.memory_space<hbm>>) target_semaphore(%arg18 : memref<!tpu.dma_semaphore, #tpu.memory_space<semaphore_mem>>)
      %add3A_317 = arith.constant 5 : i32
      %add3A_318 = arith.addi %add3A_247, %add3A_317 : i32
      %lt3A_319 = arith.constant 625 : i32
      %lt3A_320 = arith.cmpi slt, %add3A_318, %lt3A_319 : i32
      %convert_element_type3A_321 = arith.extui %lt3A_320 : i1 to i32
      %cond3A_322 = arith.constant 0 : i32
      %cond3A_323 = arith.cmpi ne, %convert_element_type3A_321, %cond3A_322 : i32
      scf.if %cond3A_323 {
        %add3A_565 = arith.constant 5 : i32
        %add3A_566 = arith.addi %add3A_247, %add3A_565 : i32
        %mul3A_567 = arith.constant 16 : i32
        %mul3A_568 = arith.muli %add3A_566, %mul3A_567 : i32
        %multiple_of3A_569 = tpu.assume_multiple %mul3A_568, 8 : i32
        %dma_start3A_570 = arith.constant 1 : i32
        %dma_start3A_571 = arith.constant 0 : i32
        %dma_start3A_572 = arith.constant 0 : i32
        %dma_start3A_573 = tpu.memref_slice %arg8[%dma_start3A_570, %dma_start3A_571, %dma_start3A_572] : memref<5x16x128xf32, #tpu.memory_space<vmem>> -> memref<1x16x128xf32, #tpu.memory_space<vmem>>
        %dma_start3A_574 = tpu.memref_squeeze %dma_start3A_573 : memref<1x16x128xf32, #tpu.memory_space<vmem>> -> memref<16x128xf32, #tpu.memory_space<vmem>>
        %dma_start3A_575 = tpu.memref_slice %arg6[%multiple_of3A_569] : memref<10000xi32, #tpu.memory_space<vmem>> -> memref<16xi32, #tpu.memory_space<vmem>>
        %dma_start3A_576 = arith.constant 0 : i32
        %dma_start3A_577 = arith.constant 0 : i32
        %dma_start3A_578 = tpu.memref_slice %arg11[%dma_start3A_576, %dma_start3A_577] : memref<10000x128xf32, #tpu.memory_space<vmem_shared>> -> memref<10000x128xf32, #tpu.memory_space<vmem_shared>>
        tpu.enqueue_indirect_dma source(%dma_start3A_578 : memref<10000x128xf32, #tpu.memory_space<vmem_shared>>) target(%dma_start3A_574 : memref<16x128xf32, #tpu.memory_space<vmem>>) offsets(%dma_start3A_575 : memref<16xi32, #tpu.memory_space<vmem>>) semaphore(%arg13 : memref<!tpu.dma_semaphore, #tpu.memory_space<semaphore_mem>>)
        %dma_start3A_579 = arith.constant 1 : i32
        %dma_start3A_580 = arith.constant 0 : i32
        %dma_start3A_581 = arith.constant 0 : i32
        %dma_start3A_582 = tpu.memref_slice %arg9[%dma_start3A_579, %dma_start3A_580, %dma_start3A_581] : memref<5x16x128xf32, #tpu.memory_space<vmem>> -> memref<1x16x128xf32, #tpu.memory_space<vmem>>
        %dma_start3A_583 = tpu.memref_squeeze %dma_start3A_582 : memref<1x16x128xf32, #tpu.memory_space<vmem>> -> memref<16x128xf32, #tpu.memory_space<vmem>>
        %dma_start3A_584 = tpu.memref_slice %arg7[%multiple_of3A_569] : memref<10000xi32, #tpu.memory_space<vmem>> -> memref<16xi32, #tpu.memory_space<vmem>>
        %dma_start3A_585 = arith.constant 0 : i32
        %dma_start3A_586 = arith.constant 0 : i32
        %dma_start3A_587 = tpu.memref_slice %arg11[%dma_start3A_585, %dma_start3A_586] : memref<10000x128xf32, #tpu.memory_space<vmem_shared>> -> memref<10000x128xf32, #tpu.memory_space<vmem_shared>>
        tpu.enqueue_indirect_dma source(%dma_start3A_587 : memref<10000x128xf32, #tpu.memory_space<vmem_shared>>) target(%dma_start3A_583 : memref<16x128xf32, #tpu.memory_space<vmem>>) offsets(%dma_start3A_584 : memref<16xi32, #tpu.memory_space<vmem>>) semaphore(%arg13 : memref<!tpu.dma_semaphore, #tpu.memory_space<semaphore_mem>>)
      } else {
      }
      %mul3A_324 = arith.constant 5 : i32
      %mul3A_325 = arith.muli %scan3A_166, %mul3A_324 : i32
      %add3A_326 = arith.constant 2 : i32
      %add3A_327 = arith.addi %mul3A_325, %add3A_326 : i32
      %dma_wait3A_328 = arith.constant 2 : i32
      %dma_wait3A_329 = arith.constant 0 : i32
      %dma_wait3A_330 = arith.constant 0 : i32
      %dma_wait3A_331 = tpu.memref_slice %arg8[%dma_wait3A_328, %dma_wait3A_329, %dma_wait3A_330] : memref<5x16x128xf32, #tpu.memory_space<vmem>> -> memref<1x16x128xf32, #tpu.memory_space<vmem>>
      %dma_wait3A_332 = tpu.memref_squeeze %dma_wait3A_331 : memref<1x16x128xf32, #tpu.memory_space<vmem>> -> memref<16x128xf32, #tpu.memory_space<vmem>>
      %dma_wait3A_333 = arith.constant 0 : i32
      %dma_wait3A_334 = arith.constant 0 : i32
      %dma_wait3A_335 = tpu.memref_slice %arg2[%dma_wait3A_333, %dma_wait3A_334] : memref<10000x128xf32, #tpu.memory_space<hbm>> -> memref<16x128xf32, #tpu.memory_space<hbm>>
      %dma_wait3A_336 = arith.constant 0 : i32
      %dma_wait3A_337 = arith.constant 0 : i32
      %dma_wait3A_338 = tpu.memref_slice %arg8[%dma_wait3A_328, %dma_wait3A_336, %dma_wait3A_337] : memref<5x16x128xf32, #tpu.memory_space<vmem>> -> memref<1x16x128xf32, #tpu.memory_space<vmem>>
      %dma_wait3A_339 = tpu.memref_squeeze %dma_wait3A_338 : memref<1x16x128xf32, #tpu.memory_space<vmem>> -> memref<16x128xf32, #tpu.memory_space<vmem>>
      %dma_wait3A_340 = arith.constant 0 : i32
      %dma_wait3A_341 = arith.constant 0 : i32
      %dma_wait3A_342 = tpu.memref_slice %arg2[%dma_wait3A_340, %dma_wait3A_341] : memref<10000x128xf32, #tpu.memory_space<hbm>> -> memref<16x128xf32, #tpu.memory_space<hbm>>
      tpu.wait_dma2 semaphore(%arg14 : memref<!tpu.dma_semaphore, #tpu.memory_space<semaphore_mem>>) src(%dma_wait3A_342 : memref<16x128xf32, #tpu.memory_space<hbm>>) dst(%dma_wait3A_339 : memref<16x128xf32, #tpu.memory_space<vmem>>)
      %dma_wait3A_343 = arith.constant 2 : i32
      %dma_wait3A_344 = arith.constant 0 : i32
      %dma_wait3A_345 = arith.constant 0 : i32
      %dma_wait3A_346 = tpu.memref_slice %arg9[%dma_wait3A_343, %dma_wait3A_344, %dma_wait3A_345] : memref<5x16x128xf32, #tpu.memory_space<vmem>> -> memref<1x16x128xf32, #tpu.memory_space<vmem>>
      %dma_wait3A_347 = tpu.memref_squeeze %dma_wait3A_346 : memref<1x16x128xf32, #tpu.memory_space<vmem>> -> memref<16x128xf32, #tpu.memory_space<vmem>>
      %dma_wait3A_348 = arith.constant 0 : i32
      %dma_wait3A_349 = arith.constant 0 : i32
      %dma_wait3A_350 = tpu.memref_slice %arg2[%dma_wait3A_348, %dma_wait3A_349] : memref<10000x128xf32, #tpu.memory_space<hbm>> -> memref<16x128xf32, #tpu.memory_space<hbm>>
      %dma_wait3A_351 = arith.constant 0 : i32
      %dma_wait3A_352 = arith.constant 0 : i32
      %dma_wait3A_353 = tpu.memref_slice %arg9[%dma_wait3A_343, %dma_wait3A_351, %dma_wait3A_352] : memref<5x16x128xf32, #tpu.memory_space<vmem>> -> memref<1x16x128xf32, #tpu.memory_space<vmem>>
      %dma_wait3A_354 = tpu.memref_squeeze %dma_wait3A_353 : memref<1x16x128xf32, #tpu.memory_space<vmem>> -> memref<16x128xf32, #tpu.memory_space<vmem>>
      %dma_wait3A_355 = arith.constant 0 : i32
      %dma_wait3A_356 = arith.constant 0 : i32
      %dma_wait3A_357 = tpu.memref_slice %arg2[%dma_wait3A_355, %dma_wait3A_356] : memref<10000x128xf32, #tpu.memory_space<hbm>> -> memref<16x128xf32, #tpu.memory_space<hbm>>
      tpu.wait_dma2 semaphore(%arg14 : memref<!tpu.dma_semaphore, #tpu.memory_space<semaphore_mem>>) src(%dma_wait3A_357 : memref<16x128xf32, #tpu.memory_space<hbm>>) dst(%dma_wait3A_354 : memref<16x128xf32, #tpu.memory_space<vmem>>)
      %ge3A_358 = arith.constant 5 : i32
      %ge3A_359 = arith.cmpi sge, %add3A_327, %ge3A_358 : i32
      %convert_element_type3A_360 = arith.extui %ge3A_359 : i1 to i32
      %cond3A_361 = arith.constant 0 : i32
      %cond3A_362 = arith.cmpi ne, %convert_element_type3A_360, %cond3A_361 : i32
      scf.if %cond3A_362 {
        %dma_wait3A_565 = arith.constant 2 : i32
        %dma_wait3A_566 = arith.constant 0 : i32
        %dma_wait3A_567 = tpu.memref_slice %arg10[%dma_wait3A_565, %dma_wait3A_566] : memref<5x16xf32, #tpu.memory_space<vmem>> -> memref<1x16xf32, #tpu.memory_space<vmem>>
        %dma_wait3A_568 = tpu.memref_squeeze %dma_wait3A_567 : memref<1x16xf32, #tpu.memory_space<vmem>> -> memref<16xf32, #tpu.memory_space<vmem>>
        %dma_wait3A_569 = arith.constant 0 : i32
        %dma_wait3A_570 = tpu.memref_slice %arg5[%dma_wait3A_569] : memref<320000xf32, #tpu.memory_space<hbm>> -> memref<16xf32, #tpu.memory_space<hbm>>
        %dma_wait3A_571 = arith.constant 0 : i32
        %dma_wait3A_572 = tpu.memref_slice %arg5[%dma_wait3A_571] : memref<320000xf32, #tpu.memory_space<hbm>> -> memref<16xf32, #tpu.memory_space<hbm>>
        %dma_wait3A_573 = arith.constant 0 : i32
        %dma_wait3A_574 = tpu.memref_slice %arg10[%dma_wait3A_565, %dma_wait3A_573] : memref<5x16xf32, #tpu.memory_space<vmem>> -> memref<1x16xf32, #tpu.memory_space<vmem>>
        %dma_wait3A_575 = tpu.memref_squeeze %dma_wait3A_574 : memref<1x16xf32, #tpu.memory_space<vmem>> -> memref<16xf32, #tpu.memory_space<vmem>>
        tpu.wait_dma2 semaphore(%arg19 : memref<!tpu.dma_semaphore, #tpu.memory_space<semaphore_mem>>) src(%dma_wait3A_575 : memref<16xf32, #tpu.memory_space<vmem>>) dst(%dma_wait3A_572 : memref<16xf32, #tpu.memory_space<hbm>>)
      } else {
      }
      %scan3A_363 = arith.constant 2 : i32
      %scan3A_364 = arith.constant 2 : i32
      %scan3A_365 = arith.constant 0 : i32
      %scan3A_366 = arith.constant 0 : i32
      %broadcast_in_dim3A_367 = arith.constant 0.000000e+00 : f32
      %broadcast_in_dim3A_368 = vector.broadcast %broadcast_in_dim3A_367 : f32 to vector<16xf32>
      %scan3A_369 = arith.constant 0 : i32
      %scan3A_370 = arith.constant 16 : i32
      %scan3A_371 = arith.addi %scan3A_369, %scan3A_370 : i32
      %scan3A_372 = arith.constant 2 : i32
      %scan3A_373 = scf.for %scan3A_565 = %scan3A_369 to %scan3A_371 step %scan3A_372 iter_args(%scan3A_566 = %broadcast_in_dim3A_368) -> (vector<16xf32>)  : i32 {
        %mul3A_567 = arith.constant 16 : i32
        %mul3A_568 = arith.muli %scan3A_366, %mul3A_567 : i32
        %add3A_569 = arith.addi %mul3A_568, %scan3A_565 : i32
        %get3A = arith.constant 0 : i32
        %get3A_570 = arith.constant 0 : i32
        %get3A_571 = tpu.memref_slice %arg8[%scan3A_363, %get3A, %get3A_570] : memref<5x16x128xf32, #tpu.memory_space<vmem>> -> memref<1x16x128xf32, #tpu.memory_space<vmem>>
        %get3A_572 = tpu.memref_squeeze %get3A_571 : memref<1x16x128xf32, #tpu.memory_space<vmem>> -> memref<16x128xf32, #tpu.memory_space<vmem>>
        %get3A_573 = arith.index_cast %add3A_569 : i32 to index
        %get3A_574 = arith.constant 0 : index
        %get3A_575 = tpu.vector_load %get3A_572[%get3A_573, %get3A_574] {strides = array<i32>} : memref<16x128xf32, #tpu.memory_space<vmem>>, vector<16xf32>,
        %get3A_576 = arith.constant 0 : i32
        %get3A_577 = arith.constant 0 : i32
        %get3A_578 = tpu.memref_slice %arg9[%scan3A_364, %get3A_576, %get3A_577] : memref<5x16x128xf32, #tpu.memory_space<vmem>> -> memref<1x16x128xf32, #tpu.memory_space<vmem>>
        %get3A_579 = tpu.memref_squeeze %get3A_578 : memref<1x16x128xf32, #tpu.memory_space<vmem>> -> memref<16x128xf32, #tpu.memory_space<vmem>>
        %get3A_580 = arith.index_cast %add3A_569 : i32 to index
        %get3A_581 = arith.constant 0 : index
        %get3A_582 = tpu.vector_load %get3A_579[%get3A_580, %get3A_581] {strides = array<i32>} : memref<16x128xf32, #tpu.memory_space<vmem>>, vector<16xf32>,
        %mul3A_583 = arith.mulf %get3A_575, %get3A_582 : vector<16xf32>
        %get3A_584 = arith.constant 0 : i32
        %get3A_585 = arith.constant 0 : i32
        %get3A_586 = tpu.memref_slice %arg8[%scan3A_363, %get3A_584, %get3A_585] : memref<5x16x128xf32, #tpu.memory_space<vmem>> -> memref<1x16x128xf32, #tpu.memory_space<vmem>>
        %get3A_587 = tpu.memref_squeeze %get3A_586 : memref<1x16x128xf32, #tpu.memory_space<vmem>> -> memref<16x128xf32, #tpu.memory_space<vmem>>
        %get3A_588 = arith.index_cast %add3A_569 : i32 to index
        %get3A_589 = arith.constant 16 : index
        %get3A_590 = tpu.vector_load %get3A_587[%get3A_588, %get3A_589] {strides = array<i32>} : memref<16x128xf32, #tpu.memory_space<vmem>>, vector<16xf32>,
        %get3A_591 = arith.constant 0 : i32
        %get3A_592 = arith.constant 0 : i32
        %get3A_593 = tpu.memref_slice %arg9[%scan3A_364, %get3A_591, %get3A_592] : memref<5x16x128xf32, #tpu.memory_space<vmem>> -> memref<1x16x128xf32, #tpu.memory_space<vmem>>
        %get3A_594 = tpu.memref_squeeze %get3A_593 : memref<1x16x128xf32, #tpu.memory_space<vmem>> -> memref<16x128xf32, #tpu.memory_space<vmem>>
        %get3A_595 = arith.index_cast %add3A_569 : i32 to index
        %get3A_596 = arith.constant 16 : index
        %get3A_597 = tpu.vector_load %get3A_594[%get3A_595, %get3A_596] {strides = array<i32>} : memref<16x128xf32, #tpu.memory_space<vmem>>, vector<16xf32>,
        %mul3A_598 = arith.mulf %get3A_590, %get3A_597 : vector<16xf32>
        %get3A_599 = arith.constant 0 : i32
        %get3A_600 = arith.constant 0 : i32
        %get3A_601 = tpu.memref_slice %arg8[%scan3A_363, %get3A_599, %get3A_600] : memref<5x16x128xf32, #tpu.memory_space<vmem>> -> memref<1x16x128xf32, #tpu.memory_space<vmem>>
        %get3A_602 = tpu.memref_squeeze %get3A_601 : memref<1x16x128xf32, #tpu.memory_space<vmem>> -> memref<16x128xf32, #tpu.memory_space<vmem>>
        %get3A_603 = arith.index_cast %add3A_569 : i32 to index
        %get3A_604 = arith.constant 32 : index
        %get3A_605 = tpu.vector_load %get3A_602[%get3A_603, %get3A_604] {strides = array<i32>} : memref<16x128xf32, #tpu.memory_space<vmem>>, vector<16xf32>,
        %get3A_606 = arith.constant 0 : i32
        %get3A_607 = arith.constant 0 : i32
        %get3A_608 = tpu.memref_slice %arg9[%scan3A_364, %get3A_606, %get3A_607] : memref<5x16x128xf32, #tpu.memory_space<vmem>> -> memref<1x16x128xf32, #tpu.memory_space<vmem>>
        %get3A_609 = tpu.memref_squeeze %get3A_608 : memref<1x16x128xf32, #tpu.memory_space<vmem>> -> memref<16x128xf32, #tpu.memory_space<vmem>>
        %get3A_610 = arith.index_cast %add3A_569 : i32 to index
        %get3A_611 = arith.constant 32 : index
        %get3A_612 = tpu.vector_load %get3A_609[%get3A_610, %get3A_611] {strides = array<i32>} : memref<16x128xf32, #tpu.memory_space<vmem>>, vector<16xf32>,
        %mul3A_613 = arith.mulf %get3A_605, %get3A_612 : vector<16xf32>
        %add3A_614 = arith.addf %mul3A_583, %mul3A_613 : vector<16xf32>
        %get3A_615 = arith.constant 0 : i32
        %get3A_616 = arith.constant 0 : i32
        %get3A_617 = tpu.memref_slice %arg8[%scan3A_363, %get3A_615, %get3A_616] : memref<5x16x128xf32, #tpu.memory_space<vmem>> -> memref<1x16x128xf32, #tpu.memory_space<vmem>>
        %get3A_618 = tpu.memref_squeeze %get3A_617 : memref<1x16x128xf32, #tpu.memory_space<vmem>> -> memref<16x128xf32, #tpu.memory_space<vmem>>
        %get3A_619 = arith.index_cast %add3A_569 : i32 to index
        %get3A_620 = arith.constant 48 : index
        %get3A_621 = tpu.vector_load %get3A_618[%get3A_619, %get3A_620] {strides = array<i32>} : memref<16x128xf32, #tpu.memory_space<vmem>>, vector<16xf32>,
        %get3A_622 = arith.constant 0 : i32
        %get3A_623 = arith.constant 0 : i32
        %get3A_624 = tpu.memref_slice %arg9[%scan3A_364, %get3A_622, %get3A_623] : memref<5x16x128xf32, #tpu.memory_space<vmem>> -> memref<1x16x128xf32, #tpu.memory_space<vmem>>
        %get3A_625 = tpu.memref_squeeze %get3A_624 : memref<1x16x128xf32, #tpu.memory_space<vmem>> -> memref<16x128xf32, #tpu.memory_space<vmem>>
        %get3A_626 = arith.index_cast %add3A_569 : i32 to index
        %get3A_627 = arith.constant 48 : index
        %get3A_628 = tpu.vector_load %get3A_625[%get3A_626, %get3A_627] {strides = array<i32>} : memref<16x128xf32, #tpu.memory_space<vmem>>, vector<16xf32>,
        %mul3A_629 = arith.mulf %get3A_621, %get3A_628 : vector<16xf32>
        %add3A_630 = arith.addf %mul3A_598, %mul3A_629 : vector<16xf32>
        %get3A_631 = arith.constant 0 : i32
        %get3A_632 = arith.constant 0 : i32
        %get3A_633 = tpu.memref_slice %arg8[%scan3A_363, %get3A_631, %get3A_632] : memref<5x16x128xf32, #tpu.memory_space<vmem>> -> memref<1x16x128xf32, #tpu.memory_space<vmem>>
        %get3A_634 = tpu.memref_squeeze %get3A_633 : memref<1x16x128xf32, #tpu.memory_space<vmem>> -> memref<16x128xf32, #tpu.memory_space<vmem>>
        %get3A_635 = arith.index_cast %add3A_569 : i32 to index
        %get3A_636 = arith.constant 64 : index
        %get3A_637 = tpu.vector_load %get3A_634[%get3A_635, %get3A_636] {strides = array<i32>} : memref<16x128xf32, #tpu.memory_space<vmem>>, vector<16xf32>,
        %get3A_638 = arith.constant 0 : i32
        %get3A_639 = arith.constant 0 : i32
        %get3A_640 = tpu.memref_slice %arg9[%scan3A_364, %get3A_638, %get3A_639] : memref<5x16x128xf32, #tpu.memory_space<vmem>> -> memref<1x16x128xf32, #tpu.memory_space<vmem>>
        %get3A_641 = tpu.memref_squeeze %get3A_640 : memref<1x16x128xf32, #tpu.memory_space<vmem>> -> memref<16x128xf32, #tpu.memory_space<vmem>>
        %get3A_642 = arith.index_cast %add3A_569 : i32 to index
        %get3A_643 = arith.constant 64 : index
        %get3A_644 = tpu.vector_load %get3A_641[%get3A_642, %get3A_643] {strides = array<i32>} : memref<16x128xf32, #tpu.memory_space<vmem>>, vector<16xf32>,
        %mul3A_645 = arith.mulf %get3A_637, %get3A_644 : vector<16xf32>
        %add3A_646 = arith.addf %add3A_614, %mul3A_645 : vector<16xf32>
        %get3A_647 = arith.constant 0 : i32
        %get3A_648 = arith.constant 0 : i32
        %get3A_649 = tpu.memref_slice %arg8[%scan3A_363, %get3A_647, %get3A_648] : memref<5x16x128xf32, #tpu.memory_space<vmem>> -> memref<1x16x128xf32, #tpu.memory_space<vmem>>
        %get3A_650 = tpu.memref_squeeze %get3A_649 : memref<1x16x128xf32, #tpu.memory_space<vmem>> -> memref<16x128xf32, #tpu.memory_space<vmem>>
        %get3A_651 = arith.index_cast %add3A_569 : i32 to index
        %get3A_652 = arith.constant 80 : index
        %get3A_653 = tpu.vector_load %get3A_650[%get3A_651, %get3A_652] {strides = array<i32>} : memref<16x128xf32, #tpu.memory_space<vmem>>, vector<16xf32>,
        %get3A_654 = arith.constant 0 : i32
        %get3A_655 = arith.constant 0 : i32
        %get3A_656 = tpu.memref_slice %arg9[%scan3A_364, %get3A_654, %get3A_655] : memref<5x16x128xf32, #tpu.memory_space<vmem>> -> memref<1x16x128xf32, #tpu.memory_space<vmem>>
        %get3A_657 = tpu.memref_squeeze %get3A_656 : memref<1x16x128xf32, #tpu.memory_space<vmem>> -> memref<16x128xf32, #tpu.memory_space<vmem>>
        %get3A_658 = arith.index_cast %add3A_569 : i32 to index
        %get3A_659 = arith.constant 80 : index
        %get3A_660 = tpu.vector_load %get3A_657[%get3A_658, %get3A_659] {strides = array<i32>} : memref<16x128xf32, #tpu.memory_space<vmem>>, vector<16xf32>,
        %mul3A_661 = arith.mulf %get3A_653, %get3A_660 : vector<16xf32>
        %add3A_662 = arith.addf %add3A_630, %mul3A_661 : vector<16xf32>
        %get3A_663 = arith.constant 0 : i32
        %get3A_664 = arith.constant 0 : i32
        %get3A_665 = tpu.memref_slice %arg8[%scan3A_363, %get3A_663, %get3A_664] : memref<5x16x128xf32, #tpu.memory_space<vmem>> -> memref<1x16x128xf32, #tpu.memory_space<vmem>>
        %get3A_666 = tpu.memref_squeeze %get3A_665 : memref<1x16x128xf32, #tpu.memory_space<vmem>> -> memref<16x128xf32, #tpu.memory_space<vmem>>
        %get3A_667 = arith.index_cast %add3A_569 : i32 to index
        %get3A_668 = arith.constant 96 : index
        %get3A_669 = tpu.vector_load %get3A_666[%get3A_667, %get3A_668] {strides = array<i32>} : memref<16x128xf32, #tpu.memory_space<vmem>>, vector<16xf32>,
        %get3A_670 = arith.constant 0 : i32
        %get3A_671 = arith.constant 0 : i32
        %get3A_672 = tpu.memref_slice %arg9[%scan3A_364, %get3A_670, %get3A_671] : memref<5x16x128xf32, #tpu.memory_space<vmem>> -> memref<1x16x128xf32, #tpu.memory_space<vmem>>
        %get3A_673 = tpu.memref_squeeze %get3A_672 : memref<1x16x128xf32, #tpu.memory_space<vmem>> -> memref<16x128xf32, #tpu.memory_space<vmem>>
        %get3A_674 = arith.index_cast %add3A_569 : i32 to index
        %get3A_675 = arith.constant 96 : index
        %get3A_676 = tpu.vector_load %get3A_673[%get3A_674, %get3A_675] {strides = array<i32>} : memref<16x128xf32, #tpu.memory_space<vmem>>, vector<16xf32>,
        %mul3A_677 = arith.mulf %get3A_669, %get3A_676 : vector<16xf32>
        %add3A_678 = arith.addf %add3A_646, %mul3A_677 : vector<16xf32>
        %get3A_679 = arith.constant 0 : i32
        %get3A_680 = arith.constant 0 : i32
        %get3A_681 = tpu.memref_slice %arg8[%scan3A_363, %get3A_679, %get3A_680] : memref<5x16x128xf32, #tpu.memory_space<vmem>> -> memref<1x16x128xf32, #tpu.memory_space<vmem>>
        %get3A_682 = tpu.memref_squeeze %get3A_681 : memref<1x16x128xf32, #tpu.memory_space<vmem>> -> memref<16x128xf32, #tpu.memory_space<vmem>>
        %get3A_683 = arith.index_cast %add3A_569 : i32 to index
        %get3A_684 = arith.constant 112 : index
        %get3A_685 = tpu.vector_load %get3A_682[%get3A_683, %get3A_684] {strides = array<i32>} : memref<16x128xf32, #tpu.memory_space<vmem>>, vector<16xf32>,
        %get3A_686 = arith.constant 0 : i32
        %get3A_687 = arith.constant 0 : i32
        %get3A_688 = tpu.memref_slice %arg9[%scan3A_364, %get3A_686, %get3A_687] : memref<5x16x128xf32, #tpu.memory_space<vmem>> -> memref<1x16x128xf32, #tpu.memory_space<vmem>>
        %get3A_689 = tpu.memref_squeeze %get3A_688 : memref<1x16x128xf32, #tpu.memory_space<vmem>> -> memref<16x128xf32, #tpu.memory_space<vmem>>
        %get3A_690 = arith.index_cast %add3A_569 : i32 to index
        %get3A_691 = arith.constant 112 : index
        %get3A_692 = tpu.vector_load %get3A_689[%get3A_690, %get3A_691] {strides = array<i32>} : memref<16x128xf32, #tpu.memory_space<vmem>>, vector<16xf32>,
        %mul3A_693 = arith.mulf %get3A_685, %get3A_692 : vector<16xf32>
        %add3A_694 = arith.addf %add3A_662, %mul3A_693 : vector<16xf32>
        %eq3A_695 = vector.broadcast %scan3A_565 : i32 to vector<16xi32>
        %eq3A_696 = arith.cmpi eq, %iota3A, %eq3A_695 : vector<16xi32>
        %add3A_697 = arith.addf %add3A_678, %add3A_694 : vector<16xf32>
        %reduce_sum3A = arith.constant true
        %reduce_sum3A_698 = vector.broadcast %reduce_sum3A : i1 to vector<16xi1>
        %reduce_sum3A_699 = tpu.scan <sum>, %add3A_697 masked %reduce_sum3A_698 : vector<16xf32>, vector<16xi1> -> vector<16xf32>
        %reduce_sum3A_700 = vector.extract %reduce_sum3A_699[15] : f32 from vector<16xf32>
        %broadcast_in_dim3A_701 = vector.broadcast %reduce_sum3A_700 : f32 to vector<16xf32>
        %select_n3A = arith.select %eq3A_696, %broadcast_in_dim3A_701, %scan3A_566 : vector<16xi1>, vector<16xf32>
        %scan3A_702 = arith.constant 1 : i32
        %scan3A_703 = arith.addi %scan3A_565, %scan3A_702 : i32
        %mul3A_704 = arith.constant 16 : i32
        %mul3A_705 = arith.muli %scan3A_366, %mul3A_704 : i32
        %add3A_706 = arith.addi %mul3A_705, %scan3A_703 : i32
        %get3A_707 = arith.constant 0 : i32
        %get3A_708 = arith.constant 0 : i32
        %get3A_709 = tpu.memref_slice %arg8[%scan3A_363, %get3A_707, %get3A_708] : memref<5x16x128xf32, #tpu.memory_space<vmem>> -> memref<1x16x128xf32, #tpu.memory_space<vmem>>
        %get3A_710 = tpu.memref_squeeze %get3A_709 : memref<1x16x128xf32, #tpu.memory_space<vmem>> -> memref<16x128xf32, #tpu.memory_space<vmem>>
        %get3A_711 = arith.index_cast %add3A_706 : i32 to index
        %get3A_712 = arith.constant 0 : index
        %get3A_713 = tpu.vector_load %get3A_710[%get3A_711, %get3A_712] {strides = array<i32>} : memref<16x128xf32, #tpu.memory_space<vmem>>, vector<16xf32>,
        %get3A_714 = arith.constant 0 : i32
        %get3A_715 = arith.constant 0 : i32
        %get3A_716 = tpu.memref_slice %arg9[%scan3A_364, %get3A_714, %get3A_715] : memref<5x16x128xf32, #tpu.memory_space<vmem>> -> memref<1x16x128xf32, #tpu.memory_space<vmem>>
        %get3A_717 = tpu.memref_squeeze %get3A_716 : memref<1x16x128xf32, #tpu.memory_space<vmem>> -> memref<16x128xf32, #tpu.memory_space<vmem>>
        %get3A_718 = arith.index_cast %add3A_706 : i32 to index
        %get3A_719 = arith.constant 0 : index
        %get3A_720 = tpu.vector_load %get3A_717[%get3A_718, %get3A_719] {strides = array<i32>} : memref<16x128xf32, #tpu.memory_space<vmem>>, vector<16xf32>,
        %mul3A_721 = arith.mulf %get3A_713, %get3A_720 : vector<16xf32>
        %get3A_722 = arith.constant 0 : i32
        %get3A_723 = arith.constant 0 : i32
        %get3A_724 = tpu.memref_slice %arg8[%scan3A_363, %get3A_722, %get3A_723] : memref<5x16x128xf32, #tpu.memory_space<vmem>> -> memref<1x16x128xf32, #tpu.memory_space<vmem>>
        %get3A_725 = tpu.memref_squeeze %get3A_724 : memref<1x16x128xf32, #tpu.memory_space<vmem>> -> memref<16x128xf32, #tpu.memory_space<vmem>>
        %get3A_726 = arith.index_cast %add3A_706 : i32 to index
        %get3A_727 = arith.constant 16 : index
        %get3A_728 = tpu.vector_load %get3A_725[%get3A_726, %get3A_727] {strides = array<i32>} : memref<16x128xf32, #tpu.memory_space<vmem>>, vector<16xf32>,
        %get3A_729 = arith.constant 0 : i32
        %get3A_730 = arith.constant 0 : i32
        %get3A_731 = tpu.memref_slice %arg9[%scan3A_364, %get3A_729, %get3A_730] : memref<5x16x128xf32, #tpu.memory_space<vmem>> -> memref<1x16x128xf32, #tpu.memory_space<vmem>>
        %get3A_732 = tpu.memref_squeeze %get3A_731 : memref<1x16x128xf32, #tpu.memory_space<vmem>> -> memref<16x128xf32, #tpu.memory_space<vmem>>
        %get3A_733 = arith.index_cast %add3A_706 : i32 to index
        %get3A_734 = arith.constant 16 : index
        %get3A_735 = tpu.vector_load %get3A_732[%get3A_733, %get3A_734] {strides = array<i32>} : memref<16x128xf32, #tpu.memory_space<vmem>>, vector<16xf32>,
        %mul3A_736 = arith.mulf %get3A_728, %get3A_735 : vector<16xf32>
        %get3A_737 = arith.constant 0 : i32
        %get3A_738 = arith.constant 0 : i32
        %get3A_739 = tpu.memref_slice %arg8[%scan3A_363, %get3A_737, %get3A_738] : memref<5x16x128xf32, #tpu.memory_space<vmem>> -> memref<1x16x128xf32, #tpu.memory_space<vmem>>
        %get3A_740 = tpu.memref_squeeze %get3A_739 : memref<1x16x128xf32, #tpu.memory_space<vmem>> -> memref<16x128xf32, #tpu.memory_space<vmem>>
        %get3A_741 = arith.index_cast %add3A_706 : i32 to index
        %get3A_742 = arith.constant 32 : index
        %get3A_743 = tpu.vector_load %get3A_740[%get3A_741, %get3A_742] {strides = array<i32>} : memref<16x128xf32, #tpu.memory_space<vmem>>, vector<16xf32>,
        %get3A_744 = arith.constant 0 : i32
        %get3A_745 = arith.constant 0 : i32
        %get3A_746 = tpu.memref_slice %arg9[%scan3A_364, %get3A_744, %get3A_745] : memref<5x16x128xf32, #tpu.memory_space<vmem>> -> memref<1x16x128xf32, #tpu.memory_space<vmem>>
        %get3A_747 = tpu.memref_squeeze %get3A_746 : memref<1x16x128xf32, #tpu.memory_space<vmem>> -> memref<16x128xf32, #tpu.memory_space<vmem>>
        %get3A_748 = arith.index_cast %add3A_706 : i32 to index
        %get3A_749 = arith.constant 32 : index
        %get3A_750 = tpu.vector_load %get3A_747[%get3A_748, %get3A_749] {strides = array<i32>} : memref<16x128xf32, #tpu.memory_space<vmem>>, vector<16xf32>,
        %mul3A_751 = arith.mulf %get3A_743, %get3A_750 : vector<16xf32>
        %add3A_752 = arith.addf %mul3A_721, %mul3A_751 : vector<16xf32>
        %get3A_753 = arith.constant 0 : i32
        %get3A_754 = arith.constant 0 : i32
        %get3A_755 = tpu.memref_slice %arg8[%scan3A_363, %get3A_753, %get3A_754] : memref<5x16x128xf32, #tpu.memory_space<vmem>> -> memref<1x16x128xf32, #tpu.memory_space<vmem>>
        %get3A_756 = tpu.memref_squeeze %get3A_755 : memref<1x16x128xf32, #tpu.memory_space<vmem>> -> memref<16x128xf32, #tpu.memory_space<vmem>>
        %get3A_757 = arith.index_cast %add3A_706 : i32 to index
        %get3A_758 = arith.constant 48 : index
        %get3A_759 = tpu.vector_load %get3A_756[%get3A_757, %get3A_758] {strides = array<i32>} : memref<16x128xf32, #tpu.memory_space<vmem>>, vector<16xf32>,
        %get3A_760 = arith.constant 0 : i32
        %get3A_761 = arith.constant 0 : i32
        %get3A_762 = tpu.memref_slice %arg9[%scan3A_364, %get3A_760, %get3A_761] : memref<5x16x128xf32, #tpu.memory_space<vmem>> -> memref<1x16x128xf32, #tpu.memory_space<vmem>>
        %get3A_763 = tpu.memref_squeeze %get3A_762 : memref<1x16x128xf32, #tpu.memory_space<vmem>> -> memref<16x128xf32, #tpu.memory_space<vmem>>
        %get3A_764 = arith.index_cast %add3A_706 : i32 to index
        %get3A_765 = arith.constant 48 : index
        %get3A_766 = tpu.vector_load %get3A_763[%get3A_764, %get3A_765] {strides = array<i32>} : memref<16x128xf32, #tpu.memory_space<vmem>>, vector<16xf32>,
        %mul3A_767 = arith.mulf %get3A_759, %get3A_766 : vector<16xf32>
        %add3A_768 = arith.addf %mul3A_736, %mul3A_767 : vector<16xf32>
        %get3A_769 = arith.constant 0 : i32
        %get3A_770 = arith.constant 0 : i32
        %get3A_771 = tpu.memref_slice %arg8[%scan3A_363, %get3A_769, %get3A_770] : memref<5x16x128xf32, #tpu.memory_space<vmem>> -> memref<1x16x128xf32, #tpu.memory_space<vmem>>
        %get3A_772 = tpu.memref_squeeze %get3A_771 : memref<1x16x128xf32, #tpu.memory_space<vmem>> -> memref<16x128xf32, #tpu.memory_space<vmem>>
        %get3A_773 = arith.index_cast %add3A_706 : i32 to index
        %get3A_774 = arith.constant 64 : index
        %get3A_775 = tpu.vector_load %get3A_772[%get3A_773, %get3A_774] {strides = array<i32>} : memref<16x128xf32, #tpu.memory_space<vmem>>, vector<16xf32>,
        %get3A_776 = arith.constant 0 : i32
        %get3A_777 = arith.constant 0 : i32
        %get3A_778 = tpu.memref_slice %arg9[%scan3A_364, %get3A_776, %get3A_777] : memref<5x16x128xf32, #tpu.memory_space<vmem>> -> memref<1x16x128xf32, #tpu.memory_space<vmem>>
        %get3A_779 = tpu.memref_squeeze %get3A_778 : memref<1x16x128xf32, #tpu.memory_space<vmem>> -> memref<16x128xf32, #tpu.memory_space<vmem>>
        %get3A_780 = arith.index_cast %add3A_706 : i32 to index
        %get3A_781 = arith.constant 64 : index
        %get3A_782 = tpu.vector_load %get3A_779[%get3A_780, %get3A_781] {strides = array<i32>} : memref<16x128xf32, #tpu.memory_space<vmem>>, vector<16xf32>,
        %mul3A_783 = arith.mulf %get3A_775, %get3A_782 : vector<16xf32>
        %add3A_784 = arith.addf %add3A_752, %mul3A_783 : vector<16xf32>
        %get3A_785 = arith.constant 0 : i32
        %get3A_786 = arith.constant 0 : i32
        %get3A_787 = tpu.memref_slice %arg8[%scan3A_363, %get3A_785, %get3A_786] : memref<5x16x128xf32, #tpu.memory_space<vmem>> -> memref<1x16x128xf32, #tpu.memory_space<vmem>>
        %get3A_788 = tpu.memref_squeeze %get3A_787 : memref<1x16x128xf32, #tpu.memory_space<vmem>> -> memref<16x128xf32, #tpu.memory_space<vmem>>
        %get3A_789 = arith.index_cast %add3A_706 : i32 to index
        %get3A_790 = arith.constant 80 : index
        %get3A_791 = tpu.vector_load %get3A_788[%get3A_789, %get3A_790] {strides = array<i32>} : memref<16x128xf32, #tpu.memory_space<vmem>>, vector<16xf32>,
        %get3A_792 = arith.constant 0 : i32
        %get3A_793 = arith.constant 0 : i32
        %get3A_794 = tpu.memref_slice %arg9[%scan3A_364, %get3A_792, %get3A_793] : memref<5x16x128xf32, #tpu.memory_space<vmem>> -> memref<1x16x128xf32, #tpu.memory_space<vmem>>
        %get3A_795 = tpu.memref_squeeze %get3A_794 : memref<1x16x128xf32, #tpu.memory_space<vmem>> -> memref<16x128xf32, #tpu.memory_space<vmem>>
        %get3A_796 = arith.index_cast %add3A_706 : i32 to index
        %get3A_797 = arith.constant 80 : index
        %get3A_798 = tpu.vector_load %get3A_795[%get3A_796, %get3A_797] {strides = array<i32>} : memref<16x128xf32, #tpu.memory_space<vmem>>, vector<16xf32>,
        %mul3A_799 = arith.mulf %get3A_791, %get3A_798 : vector<16xf32>
        %add3A_800 = arith.addf %add3A_768, %mul3A_799 : vector<16xf32>
        %get3A_801 = arith.constant 0 : i32
        %get3A_802 = arith.constant 0 : i32
        %get3A_803 = tpu.memref_slice %arg8[%scan3A_363, %get3A_801, %get3A_802] : memref<5x16x128xf32, #tpu.memory_space<vmem>> -> memref<1x16x128xf32, #tpu.memory_space<vmem>>
        %get3A_804 = tpu.memref_squeeze %get3A_803 : memref<1x16x128xf32, #tpu.memory_space<vmem>> -> memref<16x128xf32, #tpu.memory_space<vmem>>
        %get3A_805 = arith.index_cast %add3A_706 : i32 to index
        %get3A_806 = arith.constant 96 : index
        %get3A_807 = tpu.vector_load %get3A_804[%get3A_805, %get3A_806] {strides = array<i32>} : memref<16x128xf32, #tpu.memory_space<vmem>>, vector<16xf32>,
        %get3A_808 = arith.constant 0 : i32
        %get3A_809 = arith.constant 0 : i32
        %get3A_810 = tpu.memref_slice %arg9[%scan3A_364, %get3A_808, %get3A_809] : memref<5x16x128xf32, #tpu.memory_space<vmem>> -> memref<1x16x128xf32, #tpu.memory_space<vmem>>
        %get3A_811 = tpu.memref_squeeze %get3A_810 : memref<1x16x128xf32, #tpu.memory_space<vmem>> -> memref<16x128xf32, #tpu.memory_space<vmem>>
        %get3A_812 = arith.index_cast %add3A_706 : i32 to index
        %get3A_813 = arith.constant 96 : index
        %get3A_814 = tpu.vector_load %get3A_811[%get3A_812, %get3A_813] {strides = array<i32>} : memref<16x128xf32, #tpu.memory_space<vmem>>, vector<16xf32>,
        %mul3A_815 = arith.mulf %get3A_807, %get3A_814 : vector<16xf32>
        %add3A_816 = arith.addf %add3A_784, %mul3A_815 : vector<16xf32>
        %get3A_817 = arith.constant 0 : i32
        %get3A_818 = arith.constant 0 : i32
        %get3A_819 = tpu.memref_slice %arg8[%scan3A_363, %get3A_817, %get3A_818] : memref<5x16x128xf32, #tpu.memory_space<vmem>> -> memref<1x16x128xf32, #tpu.memory_space<vmem>>
        %get3A_820 = tpu.memref_squeeze %get3A_819 : memref<1x16x128xf32, #tpu.memory_space<vmem>> -> memref<16x128xf32, #tpu.memory_space<vmem>>
        %get3A_821 = arith.index_cast %add3A_706 : i32 to index
        %get3A_822 = arith.constant 112 : index
        %get3A_823 = tpu.vector_load %get3A_820[%get3A_821, %get3A_822] {strides = array<i32>} : memref<16x128xf32, #tpu.memory_space<vmem>>, vector<16xf32>,
        %get3A_824 = arith.constant 0 : i32
        %get3A_825 = arith.constant 0 : i32
        %get3A_826 = tpu.memref_slice %arg9[%scan3A_364, %get3A_824, %get3A_825] : memref<5x16x128xf32, #tpu.memory_space<vmem>> -> memref<1x16x128xf32, #tpu.memory_space<vmem>>
        %get3A_827 = tpu.memref_squeeze %get3A_826 : memref<1x16x128xf32, #tpu.memory_space<vmem>> -> memref<16x128xf32, #tpu.memory_space<vmem>>
        %get3A_828 = arith.index_cast %add3A_706 : i32 to index
        %get3A_829 = arith.constant 112 : index
        %get3A_830 = tpu.vector_load %get3A_827[%get3A_828, %get3A_829] {strides = array<i32>} : memref<16x128xf32, #tpu.memory_space<vmem>>, vector<16xf32>,
        %mul3A_831 = arith.mulf %get3A_823, %get3A_830 : vector<16xf32>
        %add3A_832 = arith.addf %add3A_800, %mul3A_831 : vector<16xf32>
        %eq3A_833 = vector.broadcast %scan3A_703 : i32 to vector<16xi32>
        %eq3A_834 = arith.cmpi eq, %iota3A, %eq3A_833 : vector<16xi32>
        %add3A_835 = arith.addf %add3A_816, %add3A_832 : vector<16xf32>
        %reduce_sum3A_836 = arith.constant true
        %reduce_sum3A_837 = vector.broadcast %reduce_sum3A_836 : i1 to vector<16xi1>
        %reduce_sum3A_838 = tpu.scan <sum>, %add3A_835 masked %reduce_sum3A_837 : vector<16xf32>, vector<16xi1> -> vector<16xf32>
        %reduce_sum3A_839 = vector.extract %reduce_sum3A_838[15] : f32 from vector<16xf32>
        %broadcast_in_dim3A_840 = vector.broadcast %reduce_sum3A_839 : f32 to vector<16xf32>
        %select_n3A_841 = arith.select %eq3A_834, %broadcast_in_dim3A_840, %select_n3A : vector<16xi1>, vector<16xf32>
        scf.yield %select_n3A_841 : vector<16xf32>
      }
      %scan3A_374 = arith.constant 16 : i32
      %mul3A_375 = arith.constant 16 : i32
      %mul3A_376 = arith.muli %scan3A_366, %mul3A_375 : i32
      %multiple_of3A_377 = tpu.assume_multiple %mul3A_376, 8 : i32
      %swap3A_378 = arith.constant 2 : i32
      %swap3A_379 = arith.index_cast %swap3A_378 : i32 to index
      %swap3A_380 = arith.index_cast %multiple_of3A_377 : i32 to index
      %swap3A_381 = tpu.vector_load %arg10[%swap3A_379, %swap3A_380] {strides = array<i32>} : memref<5x16xf32, #tpu.memory_space<vmem>>, vector<16xf32>,
      tpu.vector_store %arg10[%swap3A_379, %swap3A_380], %scan3A_373 {strides = array<i32>} : memref<5x16xf32, #tpu.memory_space<vmem>>, vector<16xf32>,
      %scan3A_382 = arith.constant 0 : i32
      %scan3A_383 = arith.constant 1 : i32
      %mul3A_384 = arith.constant 16 : i32
      %mul3A_385 = arith.muli %add3A_327, %mul3A_384 : i32
      %add3A_386 = arith.addi %mul3A_2, %mul3A_385 : i32
      %multiple_of3A_387 = tpu.assume_multiple %add3A_386, 8 : i32
      %dma_start3A_388 = arith.constant 2 : i32
      %dma_start3A_389 = arith.constant 0 : i32
      %dma_start3A_390 = tpu.memref_slice %arg10[%dma_start3A_388, %dma_start3A_389] : memref<5x16xf32, #tpu.memory_space<vmem>> -> memref<1x16xf32, #tpu.memory_space<vmem>>
      %dma_start3A_391 = tpu.memref_squeeze %dma_start3A_390 : memref<1x16xf32, #tpu.memory_space<vmem>> -> memref<16xf32, #tpu.memory_space<vmem>>
      %dma_start3A_392 = tpu.memref_slice %arg5[%multiple_of3A_387] : memref<320000xf32, #tpu.memory_space<hbm>> -> memref<16xf32, #tpu.memory_space<hbm>>
      %dma_start3A_393 = tpu.memref_slice %arg5[%multiple_of3A_387] : memref<320000xf32, #tpu.memory_space<hbm>> -> memref<16xf32, #tpu.memory_space<hbm>>
      %dma_start3A_394 = arith.constant 0 : i32
      %dma_start3A_395 = tpu.memref_slice %arg10[%dma_start3A_388, %dma_start3A_394] : memref<5x16xf32, #tpu.memory_space<vmem>> -> memref<1x16xf32, #tpu.memory_space<vmem>>
      %dma_start3A_396 = tpu.memref_squeeze %dma_start3A_395 : memref<1x16xf32, #tpu.memory_space<vmem>> -> memref<16xf32, #tpu.memory_space<vmem>>
      tpu.enqueue_dma source(%dma_start3A_396 : memref<16xf32, #tpu.memory_space<vmem>>) target(%dma_start3A_393 : memref<16xf32, #tpu.memory_space<hbm>>) target_semaphore(%arg19 : memref<!tpu.dma_semaphore, #tpu.memory_space<semaphore_mem>>)
      %add3A_397 = arith.constant 5 : i32
      %add3A_398 = arith.addi %add3A_327, %add3A_397 : i32
      %lt3A_399 = arith.constant 625 : i32
      %lt3A_400 = arith.cmpi slt, %add3A_398, %lt3A_399 : i32
      %convert_element_type3A_401 = arith.extui %lt3A_400 : i1 to i32
      %cond3A_402 = arith.constant 0 : i32
      %cond3A_403 = arith.cmpi ne, %convert_element_type3A_401, %cond3A_402 : i32
      scf.if %cond3A_403 {
        %add3A_565 = arith.constant 5 : i32
        %add3A_566 = arith.addi %add3A_327, %add3A_565 : i32
        %mul3A_567 = arith.constant 16 : i32
        %mul3A_568 = arith.muli %add3A_566, %mul3A_567 : i32
        %multiple_of3A_569 = tpu.assume_multiple %mul3A_568, 8 : i32
        %dma_start3A_570 = arith.constant 2 : i32
        %dma_start3A_571 = arith.constant 0 : i32
        %dma_start3A_572 = arith.constant 0 : i32
        %dma_start3A_573 = tpu.memref_slice %arg8[%dma_start3A_570, %dma_start3A_571, %dma_start3A_572] : memref<5x16x128xf32, #tpu.memory_space<vmem>> -> memref<1x16x128xf32, #tpu.memory_space<vmem>>
        %dma_start3A_574 = tpu.memref_squeeze %dma_start3A_573 : memref<1x16x128xf32, #tpu.memory_space<vmem>> -> memref<16x128xf32, #tpu.memory_space<vmem>>
        %dma_start3A_575 = tpu.memref_slice %arg6[%multiple_of3A_569] : memref<10000xi32, #tpu.memory_space<vmem>> -> memref<16xi32, #tpu.memory_space<vmem>>
        %dma_start3A_576 = arith.constant 0 : i32
        %dma_start3A_577 = arith.constant 0 : i32
        %dma_start3A_578 = tpu.memref_slice %arg11[%dma_start3A_576, %dma_start3A_577] : memref<10000x128xf32, #tpu.memory_space<vmem_shared>> -> memref<10000x128xf32, #tpu.memory_space<vmem_shared>>
        tpu.enqueue_indirect_dma source(%dma_start3A_578 : memref<10000x128xf32, #tpu.memory_space<vmem_shared>>) target(%dma_start3A_574 : memref<16x128xf32, #tpu.memory_space<vmem>>) offsets(%dma_start3A_575 : memref<16xi32, #tpu.memory_space<vmem>>) semaphore(%arg14 : memref<!tpu.dma_semaphore, #tpu.memory_space<semaphore_mem>>)
        %dma_start3A_579 = arith.constant 2 : i32
        %dma_start3A_580 = arith.constant 0 : i32
        %dma_start3A_581 = arith.constant 0 : i32
        %dma_start3A_582 = tpu.memref_slice %arg9[%dma_start3A_579, %dma_start3A_580, %dma_start3A_581] : memref<5x16x128xf32, #tpu.memory_space<vmem>> -> memref<1x16x128xf32, #tpu.memory_space<vmem>>
        %dma_start3A_583 = tpu.memref_squeeze %dma_start3A_582 : memref<1x16x128xf32, #tpu.memory_space<vmem>> -> memref<16x128xf32, #tpu.memory_space<vmem>>
        %dma_start3A_584 = tpu.memref_slice %arg7[%multiple_of3A_569] : memref<10000xi32, #tpu.memory_space<vmem>> -> memref<16xi32, #tpu.memory_space<vmem>>
        %dma_start3A_585 = arith.constant 0 : i32
        %dma_start3A_586 = arith.constant 0 : i32
        %dma_start3A_587 = tpu.memref_slice %arg11[%dma_start3A_585, %dma_start3A_586] : memref<10000x128xf32, #tpu.memory_space<vmem_shared>> -> memref<10000x128xf32, #tpu.memory_space<vmem_shared>>
        tpu.enqueue_indirect_dma source(%dma_start3A_587 : memref<10000x128xf32, #tpu.memory_space<vmem_shared>>) target(%dma_start3A_583 : memref<16x128xf32, #tpu.memory_space<vmem>>) offsets(%dma_start3A_584 : memref<16xi32, #tpu.memory_space<vmem>>) semaphore(%arg14 : memref<!tpu.dma_semaphore, #tpu.memory_space<semaphore_mem>>)
      } else {
      }
      %mul3A_404 = arith.constant 5 : i32
      %mul3A_405 = arith.muli %scan3A_166, %mul3A_404 : i32
      %add3A_406 = arith.constant 3 : i32
      %add3A_407 = arith.addi %mul3A_405, %add3A_406 : i32
      %dma_wait3A_408 = arith.constant 3 : i32
      %dma_wait3A_409 = arith.constant 0 : i32
      %dma_wait3A_410 = arith.constant 0 : i32
      %dma_wait3A_411 = tpu.memref_slice %arg8[%dma_wait3A_408, %dma_wait3A_409, %dma_wait3A_410] : memref<5x16x128xf32, #tpu.memory_space<vmem>> -> memref<1x16x128xf32, #tpu.memory_space<vmem>>
      %dma_wait3A_412 = tpu.memref_squeeze %dma_wait3A_411 : memref<1x16x128xf32, #tpu.memory_space<vmem>> -> memref<16x128xf32, #tpu.memory_space<vmem>>
      %dma_wait3A_413 = arith.constant 0 : i32
      %dma_wait3A_414 = arith.constant 0 : i32
      %dma_wait3A_415 = tpu.memref_slice %arg2[%dma_wait3A_413, %dma_wait3A_414] : memref<10000x128xf32, #tpu.memory_space<hbm>> -> memref<16x128xf32, #tpu.memory_space<hbm>>
      %dma_wait3A_416 = arith.constant 0 : i32
      %dma_wait3A_417 = arith.constant 0 : i32
      %dma_wait3A_418 = tpu.memref_slice %arg8[%dma_wait3A_408, %dma_wait3A_416, %dma_wait3A_417] : memref<5x16x128xf32, #tpu.memory_space<vmem>> -> memref<1x16x128xf32, #tpu.memory_space<vmem>>
      %dma_wait3A_419 = tpu.memref_squeeze %dma_wait3A_418 : memref<1x16x128xf32, #tpu.memory_space<vmem>> -> memref<16x128xf32, #tpu.memory_space<vmem>>
      %dma_wait3A_420 = arith.constant 0 : i32
      %dma_wait3A_421 = arith.constant 0 : i32
      %dma_wait3A_422 = tpu.memref_slice %arg2[%dma_wait3A_420, %dma_wait3A_421] : memref<10000x128xf32, #tpu.memory_space<hbm>> -> memref<16x128xf32, #tpu.memory_space<hbm>>
      tpu.wait_dma2 semaphore(%arg15 : memref<!tpu.dma_semaphore, #tpu.memory_space<semaphore_mem>>) src(%dma_wait3A_422 : memref<16x128xf32, #tpu.memory_space<hbm>>) dst(%dma_wait3A_419 : memref<16x128xf32, #tpu.memory_space<vmem>>)
      %dma_wait3A_423 = arith.constant 3 : i32
      %dma_wait3A_424 = arith.constant 0 : i32
      %dma_wait3A_425 = arith.constant 0 : i32
      %dma_wait3A_426 = tpu.memref_slice %arg9[%dma_wait3A_423, %dma_wait3A_424, %dma_wait3A_425] : memref<5x16x128xf32, #tpu.memory_space<vmem>> -> memref<1x16x128xf32, #tpu.memory_space<vmem>>
      %dma_wait3A_427 = tpu.memref_squeeze %dma_wait3A_426 : memref<1x16x128xf32, #tpu.memory_space<vmem>> -> memref<16x128xf32, #tpu.memory_space<vmem>>
      %dma_wait3A_428 = arith.constant 0 : i32
      %dma_wait3A_429 = arith.constant 0 : i32
      %dma_wait3A_430 = tpu.memref_slice %arg2[%dma_wait3A_428, %dma_wait3A_429] : memref<10000x128xf32, #tpu.memory_space<hbm>> -> memref<16x128xf32, #tpu.memory_space<hbm>>
      %dma_wait3A_431 = arith.constant 0 : i32
      %dma_wait3A_432 = arith.constant 0 : i32
      %dma_wait3A_433 = tpu.memref_slice %arg9[%dma_wait3A_423, %dma_wait3A_431, %dma_wait3A_432] : memref<5x16x128xf32, #tpu.memory_space<vmem>> -> memref<1x16x128xf32, #tpu.memory_space<vmem>>
      %dma_wait3A_434 = tpu.memref_squeeze %dma_wait3A_433 : memref<1x16x128xf32, #tpu.memory_space<vmem>> -> memref<16x128xf32, #tpu.memory_space<vmem>>
      %dma_wait3A_435 = arith.constant 0 : i32
      %dma_wait3A_436 = arith.constant 0 : i32
      %dma_wait3A_437 = tpu.memref_slice %arg2[%dma_wait3A_435, %dma_wait3A_436] : memref<10000x128xf32, #tpu.memory_space<hbm>> -> memref<16x128xf32, #tpu.memory_space<hbm>>
      tpu.wait_dma2 semaphore(%arg15 : memref<!tpu.dma_semaphore, #tpu.memory_space<semaphore_mem>>) src(%dma_wait3A_437 : memref<16x128xf32, #tpu.memory_space<hbm>>) dst(%dma_wait3A_434 : memref<16x128xf32, #tpu.memory_space<vmem>>)
      %ge3A_438 = arith.constant 5 : i32
      %ge3A_439 = arith.cmpi sge, %add3A_407, %ge3A_438 : i32
      %convert_element_type3A_440 = arith.extui %ge3A_439 : i1 to i32
      %cond3A_441 = arith.constant 0 : i32
      %cond3A_442 = arith.cmpi ne, %convert_element_type3A_440, %cond3A_441 : i32
      scf.if %cond3A_442 {
        %dma_wait3A_565 = arith.constant 3 : i32
        %dma_wait3A_566 = arith.constant 0 : i32
        %dma_wait3A_567 = tpu.memref_slice %arg10[%dma_wait3A_565, %dma_wait3A_566] : memref<5x16xf32, #tpu.memory_space<vmem>> -> memref<1x16xf32, #tpu.memory_space<vmem>>
        %dma_wait3A_568 = tpu.memref_squeeze %dma_wait3A_567 : memref<1x16xf32, #tpu.memory_space<vmem>> -> memref<16xf32, #tpu.memory_space<vmem>>
        %dma_wait3A_569 = arith.constant 0 : i32
        %dma_wait3A_570 = tpu.memref_slice %arg5[%dma_wait3A_569] : memref<320000xf32, #tpu.memory_space<hbm>> -> memref<16xf32, #tpu.memory_space<hbm>>
        %dma_wait3A_571 = arith.constant 0 : i32
        %dma_wait3A_572 = tpu.memref_slice %arg5[%dma_wait3A_571] : memref<320000xf32, #tpu.memory_space<hbm>> -> memref<16xf32, #tpu.memory_space<hbm>>
        %dma_wait3A_573 = arith.constant 0 : i32
        %dma_wait3A_574 = tpu.memref_slice %arg10[%dma_wait3A_565, %dma_wait3A_573] : memref<5x16xf32, #tpu.memory_space<vmem>> -> memref<1x16xf32, #tpu.memory_space<vmem>>
        %dma_wait3A_575 = tpu.memref_squeeze %dma_wait3A_574 : memref<1x16xf32, #tpu.memory_space<vmem>> -> memref<16xf32, #tpu.memory_space<vmem>>
        tpu.wait_dma2 semaphore(%arg20 : memref<!tpu.dma_semaphore, #tpu.memory_space<semaphore_mem>>) src(%dma_wait3A_575 : memref<16xf32, #tpu.memory_space<vmem>>) dst(%dma_wait3A_572 : memref<16xf32, #tpu.memory_space<hbm>>)
      } else {
      }
      %scan3A_443 = arith.constant 3 : i32
      %scan3A_444 = arith.constant 3 : i32
      %scan3A_445 = arith.constant 0 : i32
      %scan3A_446 = arith.constant 0 : i32
      %broadcast_in_dim3A_447 = arith.constant 0.000000e+00 : f32
      %broadcast_in_dim3A_448 = vector.broadcast %broadcast_in_dim3A_447 : f32 to vector<16xf32>
      %scan3A_449 = arith.constant 0 : i32
      %scan3A_450 = arith.constant 16 : i32
      %scan3A_451 = arith.addi %scan3A_449, %scan3A_450 : i32
      %scan3A_452 = arith.constant 2 : i32
      %scan3A_453 = scf.for %scan3A_565 = %scan3A_449 to %scan3A_451 step %scan3A_452 iter_args(%scan3A_566 = %broadcast_in_dim3A_448) -> (vector<16xf32>)  : i32 {
        %mul3A_567 = arith.constant 16 : i32
        %mul3A_568 = arith.muli %scan3A_446, %mul3A_567 : i32
        %add3A_569 = arith.addi %mul3A_568, %scan3A_565 : i32
        %get3A = arith.constant 0 : i32
        %get3A_570 = arith.constant 0 : i32
        %get3A_571 = tpu.memref_slice %arg8[%scan3A_443, %get3A, %get3A_570] : memref<5x16x128xf32, #tpu.memory_space<vmem>> -> memref<1x16x128xf32, #tpu.memory_space<vmem>>
        %get3A_572 = tpu.memref_squeeze %get3A_571 : memref<1x16x128xf32, #tpu.memory_space<vmem>> -> memref<16x128xf32, #tpu.memory_space<vmem>>
        %get3A_573 = arith.index_cast %add3A_569 : i32 to index
        %get3A_574 = arith.constant 0 : index
        %get3A_575 = tpu.vector_load %get3A_572[%get3A_573, %get3A_574] {strides = array<i32>} : memref<16x128xf32, #tpu.memory_space<vmem>>, vector<16xf32>,
        %get3A_576 = arith.constant 0 : i32
        %get3A_577 = arith.constant 0 : i32
        %get3A_578 = tpu.memref_slice %arg9[%scan3A_444, %get3A_576, %get3A_577] : memref<5x16x128xf32, #tpu.memory_space<vmem>> -> memref<1x16x128xf32, #tpu.memory_space<vmem>>
        %get3A_579 = tpu.memref_squeeze %get3A_578 : memref<1x16x128xf32, #tpu.memory_space<vmem>> -> memref<16x128xf32, #tpu.memory_space<vmem>>
        %get3A_580 = arith.index_cast %add3A_569 : i32 to index
        %get3A_581 = arith.constant 0 : index
        %get3A_582 = tpu.vector_load %get3A_579[%get3A_580, %get3A_581] {strides = array<i32>} : memref<16x128xf32, #tpu.memory_space<vmem>>, vector<16xf32>,
        %mul3A_583 = arith.mulf %get3A_575, %get3A_582 : vector<16xf32>
        %get3A_584 = arith.constant 0 : i32
        %get3A_585 = arith.constant 0 : i32
        %get3A_586 = tpu.memref_slice %arg8[%scan3A_443, %get3A_584, %get3A_585] : memref<5x16x128xf32, #tpu.memory_space<vmem>> -> memref<1x16x128xf32, #tpu.memory_space<vmem>>
        %get3A_587 = tpu.memref_squeeze %get3A_586 : memref<1x16x128xf32, #tpu.memory_space<vmem>> -> memref<16x128xf32, #tpu.memory_space<vmem>>
        %get3A_588 = arith.index_cast %add3A_569 : i32 to index
        %get3A_589 = arith.constant 16 : index
        %get3A_590 = tpu.vector_load %get3A_587[%get3A_588, %get3A_589] {strides = array<i32>} : memref<16x128xf32, #tpu.memory_space<vmem>>, vector<16xf32>,
        %get3A_591 = arith.constant 0 : i32
        %get3A_592 = arith.constant 0 : i32
        %get3A_593 = tpu.memref_slice %arg9[%scan3A_444, %get3A_591, %get3A_592] : memref<5x16x128xf32, #tpu.memory_space<vmem>> -> memref<1x16x128xf32, #tpu.memory_space<vmem>>
        %get3A_594 = tpu.memref_squeeze %get3A_593 : memref<1x16x128xf32, #tpu.memory_space<vmem>> -> memref<16x128xf32, #tpu.memory_space<vmem>>
        %get3A_595 = arith.index_cast %add3A_569 : i32 to index
        %get3A_596 = arith.constant 16 : index
        %get3A_597 = tpu.vector_load %get3A_594[%get3A_595, %get3A_596] {strides = array<i32>} : memref<16x128xf32, #tpu.memory_space<vmem>>, vector<16xf32>,
        %mul3A_598 = arith.mulf %get3A_590, %get3A_597 : vector<16xf32>
        %get3A_599 = arith.constant 0 : i32
        %get3A_600 = arith.constant 0 : i32
        %get3A_601 = tpu.memref_slice %arg8[%scan3A_443, %get3A_599, %get3A_600] : memref<5x16x128xf32, #tpu.memory_space<vmem>> -> memref<1x16x128xf32, #tpu.memory_space<vmem>>
        %get3A_602 = tpu.memref_squeeze %get3A_601 : memref<1x16x128xf32, #tpu.memory_space<vmem>> -> memref<16x128xf32, #tpu.memory_space<vmem>>
        %get3A_603 = arith.index_cast %add3A_569 : i32 to index
        %get3A_604 = arith.constant 32 : index
        %get3A_605 = tpu.vector_load %get3A_602[%get3A_603, %get3A_604] {strides = array<i32>} : memref<16x128xf32, #tpu.memory_space<vmem>>, vector<16xf32>,
        %get3A_606 = arith.constant 0 : i32
        %get3A_607 = arith.constant 0 : i32
        %get3A_608 = tpu.memref_slice %arg9[%scan3A_444, %get3A_606, %get3A_607] : memref<5x16x128xf32, #tpu.memory_space<vmem>> -> memref<1x16x128xf32, #tpu.memory_space<vmem>>
        %get3A_609 = tpu.memref_squeeze %get3A_608 : memref<1x16x128xf32, #tpu.memory_space<vmem>> -> memref<16x128xf32, #tpu.memory_space<vmem>>
        %get3A_610 = arith.index_cast %add3A_569 : i32 to index
        %get3A_611 = arith.constant 32 : index
        %get3A_612 = tpu.vector_load %get3A_609[%get3A_610, %get3A_611] {strides = array<i32>} : memref<16x128xf32, #tpu.memory_space<vmem>>, vector<16xf32>,
        %mul3A_613 = arith.mulf %get3A_605, %get3A_612 : vector<16xf32>
        %add3A_614 = arith.addf %mul3A_583, %mul3A_613 : vector<16xf32>
        %get3A_615 = arith.constant 0 : i32
        %get3A_616 = arith.constant 0 : i32
        %get3A_617 = tpu.memref_slice %arg8[%scan3A_443, %get3A_615, %get3A_616] : memref<5x16x128xf32, #tpu.memory_space<vmem>> -> memref<1x16x128xf32, #tpu.memory_space<vmem>>
        %get3A_618 = tpu.memref_squeeze %get3A_617 : memref<1x16x128xf32, #tpu.memory_space<vmem>> -> memref<16x128xf32, #tpu.memory_space<vmem>>
        %get3A_619 = arith.index_cast %add3A_569 : i32 to index
        %get3A_620 = arith.constant 48 : index
        %get3A_621 = tpu.vector_load %get3A_618[%get3A_619, %get3A_620] {strides = array<i32>} : memref<16x128xf32, #tpu.memory_space<vmem>>, vector<16xf32>,
        %get3A_622 = arith.constant 0 : i32
        %get3A_623 = arith.constant 0 : i32
        %get3A_624 = tpu.memref_slice %arg9[%scan3A_444, %get3A_622, %get3A_623] : memref<5x16x128xf32, #tpu.memory_space<vmem>> -> memref<1x16x128xf32, #tpu.memory_space<vmem>>
        %get3A_625 = tpu.memref_squeeze %get3A_624 : memref<1x16x128xf32, #tpu.memory_space<vmem>> -> memref<16x128xf32, #tpu.memory_space<vmem>>
        %get3A_626 = arith.index_cast %add3A_569 : i32 to index
        %get3A_627 = arith.constant 48 : index
        %get3A_628 = tpu.vector_load %get3A_625[%get3A_626, %get3A_627] {strides = array<i32>} : memref<16x128xf32, #tpu.memory_space<vmem>>, vector<16xf32>,
        %mul3A_629 = arith.mulf %get3A_621, %get3A_628 : vector<16xf32>
        %add3A_630 = arith.addf %mul3A_598, %mul3A_629 : vector<16xf32>
        %get3A_631 = arith.constant 0 : i32
        %get3A_632 = arith.constant 0 : i32
        %get3A_633 = tpu.memref_slice %arg8[%scan3A_443, %get3A_631, %get3A_632] : memref<5x16x128xf32, #tpu.memory_space<vmem>> -> memref<1x16x128xf32, #tpu.memory_space<vmem>>
        %get3A_634 = tpu.memref_squeeze %get3A_633 : memref<1x16x128xf32, #tpu.memory_space<vmem>> -> memref<16x128xf32, #tpu.memory_space<vmem>>
        %get3A_635 = arith.index_cast %add3A_569 : i32 to index
        %get3A_636 = arith.constant 64 : index
        %get3A_637 = tpu.vector_load %get3A_634[%get3A_635, %get3A_636] {strides = array<i32>} : memref<16x128xf32, #tpu.memory_space<vmem>>, vector<16xf32>,
        %get3A_638 = arith.constant 0 : i32
        %get3A_639 = arith.constant 0 : i32
        %get3A_640 = tpu.memref_slice %arg9[%scan3A_444, %get3A_638, %get3A_639] : memref<5x16x128xf32, #tpu.memory_space<vmem>> -> memref<1x16x128xf32, #tpu.memory_space<vmem>>
        %get3A_641 = tpu.memref_squeeze %get3A_640 : memref<1x16x128xf32, #tpu.memory_space<vmem>> -> memref<16x128xf32, #tpu.memory_space<vmem>>
        %get3A_642 = arith.index_cast %add3A_569 : i32 to index
        %get3A_643 = arith.constant 64 : index
        %get3A_644 = tpu.vector_load %get3A_641[%get3A_642, %get3A_643] {strides = array<i32>} : memref<16x128xf32, #tpu.memory_space<vmem>>, vector<16xf32>,
        %mul3A_645 = arith.mulf %get3A_637, %get3A_644 : vector<16xf32>
        %add3A_646 = arith.addf %add3A_614, %mul3A_645 : vector<16xf32>
        %get3A_647 = arith.constant 0 : i32
        %get3A_648 = arith.constant 0 : i32
        %get3A_649 = tpu.memref_slice %arg8[%scan3A_443, %get3A_647, %get3A_648] : memref<5x16x128xf32, #tpu.memory_space<vmem>> -> memref<1x16x128xf32, #tpu.memory_space<vmem>>
        %get3A_650 = tpu.memref_squeeze %get3A_649 : memref<1x16x128xf32, #tpu.memory_space<vmem>> -> memref<16x128xf32, #tpu.memory_space<vmem>>
        %get3A_651 = arith.index_cast %add3A_569 : i32 to index
        %get3A_652 = arith.constant 80 : index
        %get3A_653 = tpu.vector_load %get3A_650[%get3A_651, %get3A_652] {strides = array<i32>} : memref<16x128xf32, #tpu.memory_space<vmem>>, vector<16xf32>,
        %get3A_654 = arith.constant 0 : i32
        %get3A_655 = arith.constant 0 : i32
        %get3A_656 = tpu.memref_slice %arg9[%scan3A_444, %get3A_654, %get3A_655] : memref<5x16x128xf32, #tpu.memory_space<vmem>> -> memref<1x16x128xf32, #tpu.memory_space<vmem>>
        %get3A_657 = tpu.memref_squeeze %get3A_656 : memref<1x16x128xf32, #tpu.memory_space<vmem>> -> memref<16x128xf32, #tpu.memory_space<vmem>>
        %get3A_658 = arith.index_cast %add3A_569 : i32 to index
        %get3A_659 = arith.constant 80 : index
        %get3A_660 = tpu.vector_load %get3A_657[%get3A_658, %get3A_659] {strides = array<i32>} : memref<16x128xf32, #tpu.memory_space<vmem>>, vector<16xf32>,
        %mul3A_661 = arith.mulf %get3A_653, %get3A_660 : vector<16xf32>
        %add3A_662 = arith.addf %add3A_630, %mul3A_661 : vector<16xf32>
        %get3A_663 = arith.constant 0 : i32
        %get3A_664 = arith.constant 0 : i32
        %get3A_665 = tpu.memref_slice %arg8[%scan3A_443, %get3A_663, %get3A_664] : memref<5x16x128xf32, #tpu.memory_space<vmem>> -> memref<1x16x128xf32, #tpu.memory_space<vmem>>
        %get3A_666 = tpu.memref_squeeze %get3A_665 : memref<1x16x128xf32, #tpu.memory_space<vmem>> -> memref<16x128xf32, #tpu.memory_space<vmem>>
        %get3A_667 = arith.index_cast %add3A_569 : i32 to index
        %get3A_668 = arith.constant 96 : index
        %get3A_669 = tpu.vector_load %get3A_666[%get3A_667, %get3A_668] {strides = array<i32>} : memref<16x128xf32, #tpu.memory_space<vmem>>, vector<16xf32>,
        %get3A_670 = arith.constant 0 : i32
        %get3A_671 = arith.constant 0 : i32
        %get3A_672 = tpu.memref_slice %arg9[%scan3A_444, %get3A_670, %get3A_671] : memref<5x16x128xf32, #tpu.memory_space<vmem>> -> memref<1x16x128xf32, #tpu.memory_space<vmem>>
        %get3A_673 = tpu.memref_squeeze %get3A_672 : memref<1x16x128xf32, #tpu.memory_space<vmem>> -> memref<16x128xf32, #tpu.memory_space<vmem>>
        %get3A_674 = arith.index_cast %add3A_569 : i32 to index
        %get3A_675 = arith.constant 96 : index
        %get3A_676 = tpu.vector_load %get3A_673[%get3A_674, %get3A_675] {strides = array<i32>} : memref<16x128xf32, #tpu.memory_space<vmem>>, vector<16xf32>,
        %mul3A_677 = arith.mulf %get3A_669, %get3A_676 : vector<16xf32>
        %add3A_678 = arith.addf %add3A_646, %mul3A_677 : vector<16xf32>
        %get3A_679 = arith.constant 0 : i32
        %get3A_680 = arith.constant 0 : i32
        %get3A_681 = tpu.memref_slice %arg8[%scan3A_443, %get3A_679, %get3A_680] : memref<5x16x128xf32, #tpu.memory_space<vmem>> -> memref<1x16x128xf32, #tpu.memory_space<vmem>>
        %get3A_682 = tpu.memref_squeeze %get3A_681 : memref<1x16x128xf32, #tpu.memory_space<vmem>> -> memref<16x128xf32, #tpu.memory_space<vmem>>
        %get3A_683 = arith.index_cast %add3A_569 : i32 to index
        %get3A_684 = arith.constant 112 : index
        %get3A_685 = tpu.vector_load %get3A_682[%get3A_683, %get3A_684] {strides = array<i32>} : memref<16x128xf32, #tpu.memory_space<vmem>>, vector<16xf32>,
        %get3A_686 = arith.constant 0 : i32
        %get3A_687 = arith.constant 0 : i32
        %get3A_688 = tpu.memref_slice %arg9[%scan3A_444, %get3A_686, %get3A_687] : memref<5x16x128xf32, #tpu.memory_space<vmem>> -> memref<1x16x128xf32, #tpu.memory_space<vmem>>
        %get3A_689 = tpu.memref_squeeze %get3A_688 : memref<1x16x128xf32, #tpu.memory_space<vmem>> -> memref<16x128xf32, #tpu.memory_space<vmem>>
        %get3A_690 = arith.index_cast %add3A_569 : i32 to index
        %get3A_691 = arith.constant 112 : index
        %get3A_692 = tpu.vector_load %get3A_689[%get3A_690, %get3A_691] {strides = array<i32>} : memref<16x128xf32, #tpu.memory_space<vmem>>, vector<16xf32>,
        %mul3A_693 = arith.mulf %get3A_685, %get3A_692 : vector<16xf32>
        %add3A_694 = arith.addf %add3A_662, %mul3A_693 : vector<16xf32>
        %eq3A_695 = vector.broadcast %scan3A_565 : i32 to vector<16xi32>
        %eq3A_696 = arith.cmpi eq, %iota3A, %eq3A_695 : vector<16xi32>
        %add3A_697 = arith.addf %add3A_678, %add3A_694 : vector<16xf32>
        %reduce_sum3A = arith.constant true
        %reduce_sum3A_698 = vector.broadcast %reduce_sum3A : i1 to vector<16xi1>
        %reduce_sum3A_699 = tpu.scan <sum>, %add3A_697 masked %reduce_sum3A_698 : vector<16xf32>, vector<16xi1> -> vector<16xf32>
        %reduce_sum3A_700 = vector.extract %reduce_sum3A_699[15] : f32 from vector<16xf32>
        %broadcast_in_dim3A_701 = vector.broadcast %reduce_sum3A_700 : f32 to vector<16xf32>
        %select_n3A = arith.select %eq3A_696, %broadcast_in_dim3A_701, %scan3A_566 : vector<16xi1>, vector<16xf32>
        %scan3A_702 = arith.constant 1 : i32
        %scan3A_703 = arith.addi %scan3A_565, %scan3A_702 : i32
        %mul3A_704 = arith.constant 16 : i32
        %mul3A_705 = arith.muli %scan3A_446, %mul3A_704 : i32
        %add3A_706 = arith.addi %mul3A_705, %scan3A_703 : i32
        %get3A_707 = arith.constant 0 : i32
        %get3A_708 = arith.constant 0 : i32
        %get3A_709 = tpu.memref_slice %arg8[%scan3A_443, %get3A_707, %get3A_708] : memref<5x16x128xf32, #tpu.memory_space<vmem>> -> memref<1x16x128xf32, #tpu.memory_space<vmem>>
        %get3A_710 = tpu.memref_squeeze %get3A_709 : memref<1x16x128xf32, #tpu.memory_space<vmem>> -> memref<16x128xf32, #tpu.memory_space<vmem>>
        %get3A_711 = arith.index_cast %add3A_706 : i32 to index
        %get3A_712 = arith.constant 0 : index
        %get3A_713 = tpu.vector_load %get3A_710[%get3A_711, %get3A_712] {strides = array<i32>} : memref<16x128xf32, #tpu.memory_space<vmem>>, vector<16xf32>,
        %get3A_714 = arith.constant 0 : i32
        %get3A_715 = arith.constant 0 : i32
        %get3A_716 = tpu.memref_slice %arg9[%scan3A_444, %get3A_714, %get3A_715] : memref<5x16x128xf32, #tpu.memory_space<vmem>> -> memref<1x16x128xf32, #tpu.memory_space<vmem>>
        %get3A_717 = tpu.memref_squeeze %get3A_716 : memref<1x16x128xf32, #tpu.memory_space<vmem>> -> memref<16x128xf32, #tpu.memory_space<vmem>>
        %get3A_718 = arith.index_cast %add3A_706 : i32 to index
        %get3A_719 = arith.constant 0 : index
        %get3A_720 = tpu.vector_load %get3A_717[%get3A_718, %get3A_719] {strides = array<i32>} : memref<16x128xf32, #tpu.memory_space<vmem>>, vector<16xf32>,
        %mul3A_721 = arith.mulf %get3A_713, %get3A_720 : vector<16xf32>
        %get3A_722 = arith.constant 0 : i32
        %get3A_723 = arith.constant 0 : i32
        %get3A_724 = tpu.memref_slice %arg8[%scan3A_443, %get3A_722, %get3A_723] : memref<5x16x128xf32, #tpu.memory_space<vmem>> -> memref<1x16x128xf32, #tpu.memory_space<vmem>>
        %get3A_725 = tpu.memref_squeeze %get3A_724 : memref<1x16x128xf32, #tpu.memory_space<vmem>> -> memref<16x128xf32, #tpu.memory_space<vmem>>
        %get3A_726 = arith.index_cast %add3A_706 : i32 to index
        %get3A_727 = arith.constant 16 : index
        %get3A_728 = tpu.vector_load %get3A_725[%get3A_726, %get3A_727] {strides = array<i32>} : memref<16x128xf32, #tpu.memory_space<vmem>>, vector<16xf32>,
        %get3A_729 = arith.constant 0 : i32
        %get3A_730 = arith.constant 0 : i32
        %get3A_731 = tpu.memref_slice %arg9[%scan3A_444, %get3A_729, %get3A_730] : memref<5x16x128xf32, #tpu.memory_space<vmem>> -> memref<1x16x128xf32, #tpu.memory_space<vmem>>
        %get3A_732 = tpu.memref_squeeze %get3A_731 : memref<1x16x128xf32, #tpu.memory_space<vmem>> -> memref<16x128xf32, #tpu.memory_space<vmem>>
        %get3A_733 = arith.index_cast %add3A_706 : i32 to index
        %get3A_734 = arith.constant 16 : index
        %get3A_735 = tpu.vector_load %get3A_732[%get3A_733, %get3A_734] {strides = array<i32>} : memref<16x128xf32, #tpu.memory_space<vmem>>, vector<16xf32>,
        %mul3A_736 = arith.mulf %get3A_728, %get3A_735 : vector<16xf32>
        %get3A_737 = arith.constant 0 : i32
        %get3A_738 = arith.constant 0 : i32
        %get3A_739 = tpu.memref_slice %arg8[%scan3A_443, %get3A_737, %get3A_738] : memref<5x16x128xf32, #tpu.memory_space<vmem>> -> memref<1x16x128xf32, #tpu.memory_space<vmem>>
        %get3A_740 = tpu.memref_squeeze %get3A_739 : memref<1x16x128xf32, #tpu.memory_space<vmem>> -> memref<16x128xf32, #tpu.memory_space<vmem>>
        %get3A_741 = arith.index_cast %add3A_706 : i32 to index
        %get3A_742 = arith.constant 32 : index
        %get3A_743 = tpu.vector_load %get3A_740[%get3A_741, %get3A_742] {strides = array<i32>} : memref<16x128xf32, #tpu.memory_space<vmem>>, vector<16xf32>,
        %get3A_744 = arith.constant 0 : i32
        %get3A_745 = arith.constant 0 : i32
        %get3A_746 = tpu.memref_slice %arg9[%scan3A_444, %get3A_744, %get3A_745] : memref<5x16x128xf32, #tpu.memory_space<vmem>> -> memref<1x16x128xf32, #tpu.memory_space<vmem>>
        %get3A_747 = tpu.memref_squeeze %get3A_746 : memref<1x16x128xf32, #tpu.memory_space<vmem>> -> memref<16x128xf32, #tpu.memory_space<vmem>>
        %get3A_748 = arith.index_cast %add3A_706 : i32 to index
        %get3A_749 = arith.constant 32 : index
        %get3A_750 = tpu.vector_load %get3A_747[%get3A_748, %get3A_749] {strides = array<i32>} : memref<16x128xf32, #tpu.memory_space<vmem>>, vector<16xf32>,
        %mul3A_751 = arith.mulf %get3A_743, %get3A_750 : vector<16xf32>
        %add3A_752 = arith.addf %mul3A_721, %mul3A_751 : vector<16xf32>
        %get3A_753 = arith.constant 0 : i32
        %get3A_754 = arith.constant 0 : i32
        %get3A_755 = tpu.memref_slice %arg8[%scan3A_443, %get3A_753, %get3A_754] : memref<5x16x128xf32, #tpu.memory_space<vmem>> -> memref<1x16x128xf32, #tpu.memory_space<vmem>>
        %get3A_756 = tpu.memref_squeeze %get3A_755 : memref<1x16x128xf32, #tpu.memory_space<vmem>> -> memref<16x128xf32, #tpu.memory_space<vmem>>
        %get3A_757 = arith.index_cast %add3A_706 : i32 to index
        %get3A_758 = arith.constant 48 : index
        %get3A_759 = tpu.vector_load %get3A_756[%get3A_757, %get3A_758] {strides = array<i32>} : memref<16x128xf32, #tpu.memory_space<vmem>>, vector<16xf32>,
        %get3A_760 = arith.constant 0 : i32
        %get3A_761 = arith.constant 0 : i32
        %get3A_762 = tpu.memref_slice %arg9[%scan3A_444, %get3A_760, %get3A_761] : memref<5x16x128xf32, #tpu.memory_space<vmem>> -> memref<1x16x128xf32, #tpu.memory_space<vmem>>
        %get3A_763 = tpu.memref_squeeze %get3A_762 : memref<1x16x128xf32, #tpu.memory_space<vmem>> -> memref<16x128xf32, #tpu.memory_space<vmem>>
        %get3A_764 = arith.index_cast %add3A_706 : i32 to index
        %get3A_765 = arith.constant 48 : index
        %get3A_766 = tpu.vector_load %get3A_763[%get3A_764, %get3A_765] {strides = array<i32>} : memref<16x128xf32, #tpu.memory_space<vmem>>, vector<16xf32>,
        %mul3A_767 = arith.mulf %get3A_759, %get3A_766 : vector<16xf32>
        %add3A_768 = arith.addf %mul3A_736, %mul3A_767 : vector<16xf32>
        %get3A_769 = arith.constant 0 : i32
        %get3A_770 = arith.constant 0 : i32
        %get3A_771 = tpu.memref_slice %arg8[%scan3A_443, %get3A_769, %get3A_770] : memref<5x16x128xf32, #tpu.memory_space<vmem>> -> memref<1x16x128xf32, #tpu.memory_space<vmem>>
        %get3A_772 = tpu.memref_squeeze %get3A_771 : memref<1x16x128xf32, #tpu.memory_space<vmem>> -> memref<16x128xf32, #tpu.memory_space<vmem>>
        %get3A_773 = arith.index_cast %add3A_706 : i32 to index
        %get3A_774 = arith.constant 64 : index
        %get3A_775 = tpu.vector_load %get3A_772[%get3A_773, %get3A_774] {strides = array<i32>} : memref<16x128xf32, #tpu.memory_space<vmem>>, vector<16xf32>,
        %get3A_776 = arith.constant 0 : i32
        %get3A_777 = arith.constant 0 : i32
        %get3A_778 = tpu.memref_slice %arg9[%scan3A_444, %get3A_776, %get3A_777] : memref<5x16x128xf32, #tpu.memory_space<vmem>> -> memref<1x16x128xf32, #tpu.memory_space<vmem>>
        %get3A_779 = tpu.memref_squeeze %get3A_778 : memref<1x16x128xf32, #tpu.memory_space<vmem>> -> memref<16x128xf32, #tpu.memory_space<vmem>>
        %get3A_780 = arith.index_cast %add3A_706 : i32 to index
        %get3A_781 = arith.constant 64 : index
        %get3A_782 = tpu.vector_load %get3A_779[%get3A_780, %get3A_781] {strides = array<i32>} : memref<16x128xf32, #tpu.memory_space<vmem>>, vector<16xf32>,
        %mul3A_783 = arith.mulf %get3A_775, %get3A_782 : vector<16xf32>
        %add3A_784 = arith.addf %add3A_752, %mul3A_783 : vector<16xf32>
        %get3A_785 = arith.constant 0 : i32
        %get3A_786 = arith.constant 0 : i32
        %get3A_787 = tpu.memref_slice %arg8[%scan3A_443, %get3A_785, %get3A_786] : memref<5x16x128xf32, #tpu.memory_space<vmem>> -> memref<1x16x128xf32, #tpu.memory_space<vmem>>
        %get3A_788 = tpu.memref_squeeze %get3A_787 : memref<1x16x128xf32, #tpu.memory_space<vmem>> -> memref<16x128xf32, #tpu.memory_space<vmem>>
        %get3A_789 = arith.index_cast %add3A_706 : i32 to index
        %get3A_790 = arith.constant 80 : index
        %get3A_791 = tpu.vector_load %get3A_788[%get3A_789, %get3A_790] {strides = array<i32>} : memref<16x128xf32, #tpu.memory_space<vmem>>, vector<16xf32>,
        %get3A_792 = arith.constant 0 : i32
        %get3A_793 = arith.constant 0 : i32
        %get3A_794 = tpu.memref_slice %arg9[%scan3A_444, %get3A_792, %get3A_793] : memref<5x16x128xf32, #tpu.memory_space<vmem>> -> memref<1x16x128xf32, #tpu.memory_space<vmem>>
        %get3A_795 = tpu.memref_squeeze %get3A_794 : memref<1x16x128xf32, #tpu.memory_space<vmem>> -> memref<16x128xf32, #tpu.memory_space<vmem>>
        %get3A_796 = arith.index_cast %add3A_706 : i32 to index
        %get3A_797 = arith.constant 80 : index
        %get3A_798 = tpu.vector_load %get3A_795[%get3A_796, %get3A_797] {strides = array<i32>} : memref<16x128xf32, #tpu.memory_space<vmem>>, vector<16xf32>,
        %mul3A_799 = arith.mulf %get3A_791, %get3A_798 : vector<16xf32>
        %add3A_800 = arith.addf %add3A_768, %mul3A_799 : vector<16xf32>
        %get3A_801 = arith.constant 0 : i32
        %get3A_802 = arith.constant 0 : i32
        %get3A_803 = tpu.memref_slice %arg8[%scan3A_443, %get3A_801, %get3A_802] : memref<5x16x128xf32, #tpu.memory_space<vmem>> -> memref<1x16x128xf32, #tpu.memory_space<vmem>>
        %get3A_804 = tpu.memref_squeeze %get3A_803 : memref<1x16x128xf32, #tpu.memory_space<vmem>> -> memref<16x128xf32, #tpu.memory_space<vmem>>
        %get3A_805 = arith.index_cast %add3A_706 : i32 to index
        %get3A_806 = arith.constant 96 : index
        %get3A_807 = tpu.vector_load %get3A_804[%get3A_805, %get3A_806] {strides = array<i32>} : memref<16x128xf32, #tpu.memory_space<vmem>>, vector<16xf32>,
        %get3A_808 = arith.constant 0 : i32
        %get3A_809 = arith.constant 0 : i32
        %get3A_810 = tpu.memref_slice %arg9[%scan3A_444, %get3A_808, %get3A_809] : memref<5x16x128xf32, #tpu.memory_space<vmem>> -> memref<1x16x128xf32, #tpu.memory_space<vmem>>
        %get3A_811 = tpu.memref_squeeze %get3A_810 : memref<1x16x128xf32, #tpu.memory_space<vmem>> -> memref<16x128xf32, #tpu.memory_space<vmem>>
        %get3A_812 = arith.index_cast %add3A_706 : i32 to index
        %get3A_813 = arith.constant 96 : index
        %get3A_814 = tpu.vector_load %get3A_811[%get3A_812, %get3A_813] {strides = array<i32>} : memref<16x128xf32, #tpu.memory_space<vmem>>, vector<16xf32>,
        %mul3A_815 = arith.mulf %get3A_807, %get3A_814 : vector<16xf32>
        %add3A_816 = arith.addf %add3A_784, %mul3A_815 : vector<16xf32>
        %get3A_817 = arith.constant 0 : i32
        %get3A_818 = arith.constant 0 : i32
        %get3A_819 = tpu.memref_slice %arg8[%scan3A_443, %get3A_817, %get3A_818] : memref<5x16x128xf32, #tpu.memory_space<vmem>> -> memref<1x16x128xf32, #tpu.memory_space<vmem>>
        %get3A_820 = tpu.memref_squeeze %get3A_819 : memref<1x16x128xf32, #tpu.memory_space<vmem>> -> memref<16x128xf32, #tpu.memory_space<vmem>>
        %get3A_821 = arith.index_cast %add3A_706 : i32 to index
        %get3A_822 = arith.constant 112 : index
        %get3A_823 = tpu.vector_load %get3A_820[%get3A_821, %get3A_822] {strides = array<i32>} : memref<16x128xf32, #tpu.memory_space<vmem>>, vector<16xf32>,
        %get3A_824 = arith.constant 0 : i32
        %get3A_825 = arith.constant 0 : i32
        %get3A_826 = tpu.memref_slice %arg9[%scan3A_444, %get3A_824, %get3A_825] : memref<5x16x128xf32, #tpu.memory_space<vmem>> -> memref<1x16x128xf32, #tpu.memory_space<vmem>>
        %get3A_827 = tpu.memref_squeeze %get3A_826 : memref<1x16x128xf32, #tpu.memory_space<vmem>> -> memref<16x128xf32, #tpu.memory_space<vmem>>
        %get3A_828 = arith.index_cast %add3A_706 : i32 to index
        %get3A_829 = arith.constant 112 : index
        %get3A_830 = tpu.vector_load %get3A_827[%get3A_828, %get3A_829] {strides = array<i32>} : memref<16x128xf32, #tpu.memory_space<vmem>>, vector<16xf32>,
        %mul3A_831 = arith.mulf %get3A_823, %get3A_830 : vector<16xf32>
        %add3A_832 = arith.addf %add3A_800, %mul3A_831 : vector<16xf32>
        %eq3A_833 = vector.broadcast %scan3A_703 : i32 to vector<16xi32>
        %eq3A_834 = arith.cmpi eq, %iota3A, %eq3A_833 : vector<16xi32>
        %add3A_835 = arith.addf %add3A_816, %add3A_832 : vector<16xf32>
        %reduce_sum3A_836 = arith.constant true
        %reduce_sum3A_837 = vector.broadcast %reduce_sum3A_836 : i1 to vector<16xi1>
        %reduce_sum3A_838 = tpu.scan <sum>, %add3A_835 masked %reduce_sum3A_837 : vector<16xf32>, vector<16xi1> -> vector<16xf32>
        %reduce_sum3A_839 = vector.extract %reduce_sum3A_838[15] : f32 from vector<16xf32>
        %broadcast_in_dim3A_840 = vector.broadcast %reduce_sum3A_839 : f32 to vector<16xf32>
        %select_n3A_841 = arith.select %eq3A_834, %broadcast_in_dim3A_840, %select_n3A : vector<16xi1>, vector<16xf32>
        scf.yield %select_n3A_841 : vector<16xf32>
      }
      %scan3A_454 = arith.constant 16 : i32
      %mul3A_455 = arith.constant 16 : i32
      %mul3A_456 = arith.muli %scan3A_446, %mul3A_455 : i32
      %multiple_of3A_457 = tpu.assume_multiple %mul3A_456, 8 : i32
      %swap3A_458 = arith.constant 3 : i32
      %swap3A_459 = arith.index_cast %swap3A_458 : i32 to index
      %swap3A_460 = arith.index_cast %multiple_of3A_457 : i32 to index
      %swap3A_461 = tpu.vector_load %arg10[%swap3A_459, %swap3A_460] {strides = array<i32>} : memref<5x16xf32, #tpu.memory_space<vmem>>, vector<16xf32>,
      tpu.vector_store %arg10[%swap3A_459, %swap3A_460], %scan3A_453 {strides = array<i32>} : memref<5x16xf32, #tpu.memory_space<vmem>>, vector<16xf32>,
      %scan3A_462 = arith.constant 0 : i32
      %scan3A_463 = arith.constant 1 : i32
      %mul3A_464 = arith.constant 16 : i32
      %mul3A_465 = arith.muli %add3A_407, %mul3A_464 : i32
      %add3A_466 = arith.addi %mul3A_2, %mul3A_465 : i32
      %multiple_of3A_467 = tpu.assume_multiple %add3A_466, 8 : i32
      %dma_start3A_468 = arith.constant 3 : i32
      %dma_start3A_469 = arith.constant 0 : i32
      %dma_start3A_470 = tpu.memref_slice %arg10[%dma_start3A_468, %dma_start3A_469] : memref<5x16xf32, #tpu.memory_space<vmem>> -> memref<1x16xf32, #tpu.memory_space<vmem>>
      %dma_start3A_471 = tpu.memref_squeeze %dma_start3A_470 : memref<1x16xf32, #tpu.memory_space<vmem>> -> memref<16xf32, #tpu.memory_space<vmem>>
      %dma_start3A_472 = tpu.memref_slice %arg5[%multiple_of3A_467] : memref<320000xf32, #tpu.memory_space<hbm>> -> memref<16xf32, #tpu.memory_space<hbm>>
      %dma_start3A_473 = tpu.memref_slice %arg5[%multiple_of3A_467] : memref<320000xf32, #tpu.memory_space<hbm>> -> memref<16xf32, #tpu.memory_space<hbm>>
      %dma_start3A_474 = arith.constant 0 : i32
      %dma_start3A_475 = tpu.memref_slice %arg10[%dma_start3A_468, %dma_start3A_474] : memref<5x16xf32, #tpu.memory_space<vmem>> -> memref<1x16xf32, #tpu.memory_space<vmem>>
      %dma_start3A_476 = tpu.memref_squeeze %dma_start3A_475 : memref<1x16xf32, #tpu.memory_space<vmem>> -> memref<16xf32, #tpu.memory_space<vmem>>
      tpu.enqueue_dma source(%dma_start3A_476 : memref<16xf32, #tpu.memory_space<vmem>>) target(%dma_start3A_473 : memref<16xf32, #tpu.memory_space<hbm>>) target_semaphore(%arg20 : memref<!tpu.dma_semaphore, #tpu.memory_space<semaphore_mem>>)
      %add3A_477 = arith.constant 5 : i32
      %add3A_478 = arith.addi %add3A_407, %add3A_477 : i32
      %lt3A_479 = arith.constant 625 : i32
      %lt3A_480 = arith.cmpi slt, %add3A_478, %lt3A_479 : i32
      %convert_element_type3A_481 = arith.extui %lt3A_480 : i1 to i32
      %cond3A_482 = arith.constant 0 : i32
      %cond3A_483 = arith.cmpi ne, %convert_element_type3A_481, %cond3A_482 : i32
      scf.if %cond3A_483 {
        %add3A_565 = arith.constant 5 : i32
        %add3A_566 = arith.addi %add3A_407, %add3A_565 : i32
        %mul3A_567 = arith.constant 16 : i32
        %mul3A_568 = arith.muli %add3A_566, %mul3A_567 : i32
        %multiple_of3A_569 = tpu.assume_multiple %mul3A_568, 8 : i32
        %dma_start3A_570 = arith.constant 3 : i32
        %dma_start3A_571 = arith.constant 0 : i32
        %dma_start3A_572 = arith.constant 0 : i32
        %dma_start3A_573 = tpu.memref_slice %arg8[%dma_start3A_570, %dma_start3A_571, %dma_start3A_572] : memref<5x16x128xf32, #tpu.memory_space<vmem>> -> memref<1x16x128xf32, #tpu.memory_space<vmem>>
        %dma_start3A_574 = tpu.memref_squeeze %dma_start3A_573 : memref<1x16x128xf32, #tpu.memory_space<vmem>> -> memref<16x128xf32, #tpu.memory_space<vmem>>
        %dma_start3A_575 = tpu.memref_slice %arg6[%multiple_of3A_569] : memref<10000xi32, #tpu.memory_space<vmem>> -> memref<16xi32, #tpu.memory_space<vmem>>
        %dma_start3A_576 = arith.constant 0 : i32
        %dma_start3A_577 = arith.constant 0 : i32
        %dma_start3A_578 = tpu.memref_slice %arg11[%dma_start3A_576, %dma_start3A_577] : memref<10000x128xf32, #tpu.memory_space<vmem_shared>> -> memref<10000x128xf32, #tpu.memory_space<vmem_shared>>
        tpu.enqueue_indirect_dma source(%dma_start3A_578 : memref<10000x128xf32, #tpu.memory_space<vmem_shared>>) target(%dma_start3A_574 : memref<16x128xf32, #tpu.memory_space<vmem>>) offsets(%dma_start3A_575 : memref<16xi32, #tpu.memory_space<vmem>>) semaphore(%arg15 : memref<!tpu.dma_semaphore, #tpu.memory_space<semaphore_mem>>)
        %dma_start3A_579 = arith.constant 3 : i32
        %dma_start3A_580 = arith.constant 0 : i32
        %dma_start3A_581 = arith.constant 0 : i32
        %dma_start3A_582 = tpu.memref_slice %arg9[%dma_start3A_579, %dma_start3A_580, %dma_start3A_581] : memref<5x16x128xf32, #tpu.memory_space<vmem>> -> memref<1x16x128xf32, #tpu.memory_space<vmem>>
        %dma_start3A_583 = tpu.memref_squeeze %dma_start3A_582 : memref<1x16x128xf32, #tpu.memory_space<vmem>> -> memref<16x128xf32, #tpu.memory_space<vmem>>
        %dma_start3A_584 = tpu.memref_slice %arg7[%multiple_of3A_569] : memref<10000xi32, #tpu.memory_space<vmem>> -> memref<16xi32, #tpu.memory_space<vmem>>
        %dma_start3A_585 = arith.constant 0 : i32
        %dma_start3A_586 = arith.constant 0 : i32
        %dma_start3A_587 = tpu.memref_slice %arg11[%dma_start3A_585, %dma_start3A_586] : memref<10000x128xf32, #tpu.memory_space<vmem_shared>> -> memref<10000x128xf32, #tpu.memory_space<vmem_shared>>
        tpu.enqueue_indirect_dma source(%dma_start3A_587 : memref<10000x128xf32, #tpu.memory_space<vmem_shared>>) target(%dma_start3A_583 : memref<16x128xf32, #tpu.memory_space<vmem>>) offsets(%dma_start3A_584 : memref<16xi32, #tpu.memory_space<vmem>>) semaphore(%arg15 : memref<!tpu.dma_semaphore, #tpu.memory_space<semaphore_mem>>)
      } else {
      }
      %mul3A_484 = arith.constant 5 : i32
      %mul3A_485 = arith.muli %scan3A_166, %mul3A_484 : i32
      %add3A_486 = arith.constant 4 : i32
      %add3A_487 = arith.addi %mul3A_485, %add3A_486 : i32
      %dma_wait3A_488 = arith.constant 4 : i32
      %dma_wait3A_489 = arith.constant 0 : i32
      %dma_wait3A_490 = arith.constant 0 : i32
      %dma_wait3A_491 = tpu.memref_slice %arg8[%dma_wait3A_488, %dma_wait3A_489, %dma_wait3A_490] : memref<5x16x128xf32, #tpu.memory_space<vmem>> -> memref<1x16x128xf32, #tpu.memory_space<vmem>>
      %dma_wait3A_492 = tpu.memref_squeeze %dma_wait3A_491 : memref<1x16x128xf32, #tpu.memory_space<vmem>> -> memref<16x128xf32, #tpu.memory_space<vmem>>
      %dma_wait3A_493 = arith.constant 0 : i32
      %dma_wait3A_494 = arith.constant 0 : i32
      %dma_wait3A_495 = tpu.memref_slice %arg2[%dma_wait3A_493, %dma_wait3A_494] : memref<10000x128xf32, #tpu.memory_space<hbm>> -> memref<16x128xf32, #tpu.memory_space<hbm>>
      %dma_wait3A_496 = arith.constant 0 : i32
      %dma_wait3A_497 = arith.constant 0 : i32
      %dma_wait3A_498 = tpu.memref_slice %arg8[%dma_wait3A_488, %dma_wait3A_496, %dma_wait3A_497] : memref<5x16x128xf32, #tpu.memory_space<vmem>> -> memref<1x16x128xf32, #tpu.memory_space<vmem>>
      %dma_wait3A_499 = tpu.memref_squeeze %dma_wait3A_498 : memref<1x16x128xf32, #tpu.memory_space<vmem>> -> memref<16x128xf32, #tpu.memory_space<vmem>>
      %dma_wait3A_500 = arith.constant 0 : i32
      %dma_wait3A_501 = arith.constant 0 : i32
      %dma_wait3A_502 = tpu.memref_slice %arg2[%dma_wait3A_500, %dma_wait3A_501] : memref<10000x128xf32, #tpu.memory_space<hbm>> -> memref<16x128xf32, #tpu.memory_space<hbm>>
      tpu.wait_dma2 semaphore(%arg16 : memref<!tpu.dma_semaphore, #tpu.memory_space<semaphore_mem>>) src(%dma_wait3A_502 : memref<16x128xf32, #tpu.memory_space<hbm>>) dst(%dma_wait3A_499 : memref<16x128xf32, #tpu.memory_space<vmem>>)
      %dma_wait3A_503 = arith.constant 4 : i32
      %dma_wait3A_504 = arith.constant 0 : i32
      %dma_wait3A_505 = arith.constant 0 : i32
      %dma_wait3A_506 = tpu.memref_slice %arg9[%dma_wait3A_503, %dma_wait3A_504, %dma_wait3A_505] : memref<5x16x128xf32, #tpu.memory_space<vmem>> -> memref<1x16x128xf32, #tpu.memory_space<vmem>>
      %dma_wait3A_507 = tpu.memref_squeeze %dma_wait3A_506 : memref<1x16x128xf32, #tpu.memory_space<vmem>> -> memref<16x128xf32, #tpu.memory_space<vmem>>
      %dma_wait3A_508 = arith.constant 0 : i32
      %dma_wait3A_509 = arith.constant 0 : i32
      %dma_wait3A_510 = tpu.memref_slice %arg2[%dma_wait3A_508, %dma_wait3A_509] : memref<10000x128xf32, #tpu.memory_space<hbm>> -> memref<16x128xf32, #tpu.memory_space<hbm>>
      %dma_wait3A_511 = arith.constant 0 : i32
      %dma_wait3A_512 = arith.constant 0 : i32
      %dma_wait3A_513 = tpu.memref_slice %arg9[%dma_wait3A_503, %dma_wait3A_511, %dma_wait3A_512] : memref<5x16x128xf32, #tpu.memory_space<vmem>> -> memref<1x16x128xf32, #tpu.memory_space<vmem>>
      %dma_wait3A_514 = tpu.memref_squeeze %dma_wait3A_513 : memref<1x16x128xf32, #tpu.memory_space<vmem>> -> memref<16x128xf32, #tpu.memory_space<vmem>>
      %dma_wait3A_515 = arith.constant 0 : i32
      %dma_wait3A_516 = arith.constant 0 : i32
      %dma_wait3A_517 = tpu.memref_slice %arg2[%dma_wait3A_515, %dma_wait3A_516] : memref<10000x128xf32, #tpu.memory_space<hbm>> -> memref<16x128xf32, #tpu.memory_space<hbm>>
      tpu.wait_dma2 semaphore(%arg16 : memref<!tpu.dma_semaphore, #tpu.memory_space<semaphore_mem>>) src(%dma_wait3A_517 : memref<16x128xf32, #tpu.memory_space<hbm>>) dst(%dma_wait3A_514 : memref<16x128xf32, #tpu.memory_space<vmem>>)
      %ge3A_518 = arith.constant 5 : i32
      %ge3A_519 = arith.cmpi sge, %add3A_487, %ge3A_518 : i32
      %convert_element_type3A_520 = arith.extui %ge3A_519 : i1 to i32
      %cond3A_521 = arith.constant 0 : i32
      %cond3A_522 = arith.cmpi ne, %convert_element_type3A_520, %cond3A_521 : i32
      scf.if %cond3A_522 {
        %dma_wait3A_565 = arith.constant 4 : i32
        %dma_wait3A_566 = arith.constant 0 : i32
        %dma_wait3A_567 = tpu.memref_slice %arg10[%dma_wait3A_565, %dma_wait3A_566] : memref<5x16xf32, #tpu.memory_space<vmem>> -> memref<1x16xf32, #tpu.memory_space<vmem>>
        %dma_wait3A_568 = tpu.memref_squeeze %dma_wait3A_567 : memref<1x16xf32, #tpu.memory_space<vmem>> -> memref<16xf32, #tpu.memory_space<vmem>>
        %dma_wait3A_569 = arith.constant 0 : i32
        %dma_wait3A_570 = tpu.memref_slice %arg5[%dma_wait3A_569] : memref<320000xf32, #tpu.memory_space<hbm>> -> memref<16xf32, #tpu.memory_space<hbm>>
        %dma_wait3A_571 = arith.constant 0 : i32
        %dma_wait3A_572 = tpu.memref_slice %arg5[%dma_wait3A_571] : memref<320000xf32, #tpu.memory_space<hbm>> -> memref<16xf32, #tpu.memory_space<hbm>>
        %dma_wait3A_573 = arith.constant 0 : i32
        %dma_wait3A_574 = tpu.memref_slice %arg10[%dma_wait3A_565, %dma_wait3A_573] : memref<5x16xf32, #tpu.memory_space<vmem>> -> memref<1x16xf32, #tpu.memory_space<vmem>>
        %dma_wait3A_575 = tpu.memref_squeeze %dma_wait3A_574 : memref<1x16xf32, #tpu.memory_space<vmem>> -> memref<16xf32, #tpu.memory_space<vmem>>
        tpu.wait_dma2 semaphore(%arg21 : memref<!tpu.dma_semaphore, #tpu.memory_space<semaphore_mem>>) src(%dma_wait3A_575 : memref<16xf32, #tpu.memory_space<vmem>>) dst(%dma_wait3A_572 : memref<16xf32, #tpu.memory_space<hbm>>)
      } else {
      }
      %scan3A_523 = arith.constant 4 : i32
      %scan3A_524 = arith.constant 4 : i32
      %scan3A_525 = arith.constant 0 : i32
      %scan3A_526 = arith.constant 0 : i32
      %broadcast_in_dim3A_527 = arith.constant 0.000000e+00 : f32
      %broadcast_in_dim3A_528 = vector.broadcast %broadcast_in_dim3A_527 : f32 to vector<16xf32>
      %scan3A_529 = arith.constant 0 : i32
      %scan3A_530 = arith.constant 16 : i32
      %scan3A_531 = arith.addi %scan3A_529, %scan3A_530 : i32
      %scan3A_532 = arith.constant 2 : i32
      %scan3A_533 = scf.for %scan3A_565 = %scan3A_529 to %scan3A_531 step %scan3A_532 iter_args(%scan3A_566 = %broadcast_in_dim3A_528) -> (vector<16xf32>)  : i32 {
        %mul3A_567 = arith.constant 16 : i32
        %mul3A_568 = arith.muli %scan3A_526, %mul3A_567 : i32
        %add3A_569 = arith.addi %mul3A_568, %scan3A_565 : i32
        %get3A = arith.constant 0 : i32
        %get3A_570 = arith.constant 0 : i32
        %get3A_571 = tpu.memref_slice %arg8[%scan3A_523, %get3A, %get3A_570] : memref<5x16x128xf32, #tpu.memory_space<vmem>> -> memref<1x16x128xf32, #tpu.memory_space<vmem>>
        %get3A_572 = tpu.memref_squeeze %get3A_571 : memref<1x16x128xf32, #tpu.memory_space<vmem>> -> memref<16x128xf32, #tpu.memory_space<vmem>>
        %get3A_573 = arith.index_cast %add3A_569 : i32 to index
        %get3A_574 = arith.constant 0 : index
        %get3A_575 = tpu.vector_load %get3A_572[%get3A_573, %get3A_574] {strides = array<i32>} : memref<16x128xf32, #tpu.memory_space<vmem>>, vector<16xf32>,
        %get3A_576 = arith.constant 0 : i32
        %get3A_577 = arith.constant 0 : i32
        %get3A_578 = tpu.memref_slice %arg9[%scan3A_524, %get3A_576, %get3A_577] : memref<5x16x128xf32, #tpu.memory_space<vmem>> -> memref<1x16x128xf32, #tpu.memory_space<vmem>>
        %get3A_579 = tpu.memref_squeeze %get3A_578 : memref<1x16x128xf32, #tpu.memory_space<vmem>> -> memref<16x128xf32, #tpu.memory_space<vmem>>
        %get3A_580 = arith.index_cast %add3A_569 : i32 to index
        %get3A_581 = arith.constant 0 : index
        %get3A_582 = tpu.vector_load %get3A_579[%get3A_580, %get3A_581] {strides = array<i32>} : memref<16x128xf32, #tpu.memory_space<vmem>>, vector<16xf32>,
        %mul3A_583 = arith.mulf %get3A_575, %get3A_582 : vector<16xf32>
        %get3A_584 = arith.constant 0 : i32
        %get3A_585 = arith.constant 0 : i32
        %get3A_586 = tpu.memref_slice %arg8[%scan3A_523, %get3A_584, %get3A_585] : memref<5x16x128xf32, #tpu.memory_space<vmem>> -> memref<1x16x128xf32, #tpu.memory_space<vmem>>
        %get3A_587 = tpu.memref_squeeze %get3A_586 : memref<1x16x128xf32, #tpu.memory_space<vmem>> -> memref<16x128xf32, #tpu.memory_space<vmem>>
        %get3A_588 = arith.index_cast %add3A_569 : i32 to index
        %get3A_589 = arith.constant 16 : index
        %get3A_590 = tpu.vector_load %get3A_587[%get3A_588, %get3A_589] {strides = array<i32>} : memref<16x128xf32, #tpu.memory_space<vmem>>, vector<16xf32>,
        %get3A_591 = arith.constant 0 : i32
        %get3A_592 = arith.constant 0 : i32
        %get3A_593 = tpu.memref_slice %arg9[%scan3A_524, %get3A_591, %get3A_592] : memref<5x16x128xf32, #tpu.memory_space<vmem>> -> memref<1x16x128xf32, #tpu.memory_space<vmem>>
        %get3A_594 = tpu.memref_squeeze %get3A_593 : memref<1x16x128xf32, #tpu.memory_space<vmem>> -> memref<16x128xf32, #tpu.memory_space<vmem>>
        %get3A_595 = arith.index_cast %add3A_569 : i32 to index
        %get3A_596 = arith.constant 16 : index
        %get3A_597 = tpu.vector_load %get3A_594[%get3A_595, %get3A_596] {strides = array<i32>} : memref<16x128xf32, #tpu.memory_space<vmem>>, vector<16xf32>,
        %mul3A_598 = arith.mulf %get3A_590, %get3A_597 : vector<16xf32>
        %get3A_599 = arith.constant 0 : i32
        %get3A_600 = arith.constant 0 : i32
        %get3A_601 = tpu.memref_slice %arg8[%scan3A_523, %get3A_599, %get3A_600] : memref<5x16x128xf32, #tpu.memory_space<vmem>> -> memref<1x16x128xf32, #tpu.memory_space<vmem>>
        %get3A_602 = tpu.memref_squeeze %get3A_601 : memref<1x16x128xf32, #tpu.memory_space<vmem>> -> memref<16x128xf32, #tpu.memory_space<vmem>>
        %get3A_603 = arith.index_cast %add3A_569 : i32 to index
        %get3A_604 = arith.constant 32 : index
        %get3A_605 = tpu.vector_load %get3A_602[%get3A_603, %get3A_604] {strides = array<i32>} : memref<16x128xf32, #tpu.memory_space<vmem>>, vector<16xf32>,
        %get3A_606 = arith.constant 0 : i32
        %get3A_607 = arith.constant 0 : i32
        %get3A_608 = tpu.memref_slice %arg9[%scan3A_524, %get3A_606, %get3A_607] : memref<5x16x128xf32, #tpu.memory_space<vmem>> -> memref<1x16x128xf32, #tpu.memory_space<vmem>>
        %get3A_609 = tpu.memref_squeeze %get3A_608 : memref<1x16x128xf32, #tpu.memory_space<vmem>> -> memref<16x128xf32, #tpu.memory_space<vmem>>
        %get3A_610 = arith.index_cast %add3A_569 : i32 to index
        %get3A_611 = arith.constant 32 : index
        %get3A_612 = tpu.vector_load %get3A_609[%get3A_610, %get3A_611] {strides = array<i32>} : memref<16x128xf32, #tpu.memory_space<vmem>>, vector<16xf32>,
        %mul3A_613 = arith.mulf %get3A_605, %get3A_612 : vector<16xf32>
        %add3A_614 = arith.addf %mul3A_583, %mul3A_613 : vector<16xf32>
        %get3A_615 = arith.constant 0 : i32
        %get3A_616 = arith.constant 0 : i32
        %get3A_617 = tpu.memref_slice %arg8[%scan3A_523, %get3A_615, %get3A_616] : memref<5x16x128xf32, #tpu.memory_space<vmem>> -> memref<1x16x128xf32, #tpu.memory_space<vmem>>
        %get3A_618 = tpu.memref_squeeze %get3A_617 : memref<1x16x128xf32, #tpu.memory_space<vmem>> -> memref<16x128xf32, #tpu.memory_space<vmem>>
        %get3A_619 = arith.index_cast %add3A_569 : i32 to index
        %get3A_620 = arith.constant 48 : index
        %get3A_621 = tpu.vector_load %get3A_618[%get3A_619, %get3A_620] {strides = array<i32>} : memref<16x128xf32, #tpu.memory_space<vmem>>, vector<16xf32>,
        %get3A_622 = arith.constant 0 : i32
        %get3A_623 = arith.constant 0 : i32
        %get3A_624 = tpu.memref_slice %arg9[%scan3A_524, %get3A_622, %get3A_623] : memref<5x16x128xf32, #tpu.memory_space<vmem>> -> memref<1x16x128xf32, #tpu.memory_space<vmem>>
        %get3A_625 = tpu.memref_squeeze %get3A_624 : memref<1x16x128xf32, #tpu.memory_space<vmem>> -> memref<16x128xf32, #tpu.memory_space<vmem>>
        %get3A_626 = arith.index_cast %add3A_569 : i32 to index
        %get3A_627 = arith.constant 48 : index
        %get3A_628 = tpu.vector_load %get3A_625[%get3A_626, %get3A_627] {strides = array<i32>} : memref<16x128xf32, #tpu.memory_space<vmem>>, vector<16xf32>,
        %mul3A_629 = arith.mulf %get3A_621, %get3A_628 : vector<16xf32>
        %add3A_630 = arith.addf %mul3A_598, %mul3A_629 : vector<16xf32>
        %get3A_631 = arith.constant 0 : i32
        %get3A_632 = arith.constant 0 : i32
        %get3A_633 = tpu.memref_slice %arg8[%scan3A_523, %get3A_631, %get3A_632] : memref<5x16x128xf32, #tpu.memory_space<vmem>> -> memref<1x16x128xf32, #tpu.memory_space<vmem>>
        %get3A_634 = tpu.memref_squeeze %get3A_633 : memref<1x16x128xf32, #tpu.memory_space<vmem>> -> memref<16x128xf32, #tpu.memory_space<vmem>>
        %get3A_635 = arith.index_cast %add3A_569 : i32 to index
        %get3A_636 = arith.constant 64 : index
        %get3A_637 = tpu.vector_load %get3A_634[%get3A_635, %get3A_636] {strides = array<i32>} : memref<16x128xf32, #tpu.memory_space<vmem>>, vector<16xf32>,
        %get3A_638 = arith.constant 0 : i32
        %get3A_639 = arith.constant 0 : i32
        %get3A_640 = tpu.memref_slice %arg9[%scan3A_524, %get3A_638, %get3A_639] : memref<5x16x128xf32, #tpu.memory_space<vmem>> -> memref<1x16x128xf32, #tpu.memory_space<vmem>>
        %get3A_641 = tpu.memref_squeeze %get3A_640 : memref<1x16x128xf32, #tpu.memory_space<vmem>> -> memref<16x128xf32, #tpu.memory_space<vmem>>
        %get3A_642 = arith.index_cast %add3A_569 : i32 to index
        %get3A_643 = arith.constant 64 : index
        %get3A_644 = tpu.vector_load %get3A_641[%get3A_642, %get3A_643] {strides = array<i32>} : memref<16x128xf32, #tpu.memory_space<vmem>>, vector<16xf32>,
        %mul3A_645 = arith.mulf %get3A_637, %get3A_644 : vector<16xf32>
        %add3A_646 = arith.addf %add3A_614, %mul3A_645 : vector<16xf32>
        %get3A_647 = arith.constant 0 : i32
        %get3A_648 = arith.constant 0 : i32
        %get3A_649 = tpu.memref_slice %arg8[%scan3A_523, %get3A_647, %get3A_648] : memref<5x16x128xf32, #tpu.memory_space<vmem>> -> memref<1x16x128xf32, #tpu.memory_space<vmem>>
        %get3A_650 = tpu.memref_squeeze %get3A_649 : memref<1x16x128xf32, #tpu.memory_space<vmem>> -> memref<16x128xf32, #tpu.memory_space<vmem>>
        %get3A_651 = arith.index_cast %add3A_569 : i32 to index
        %get3A_652 = arith.constant 80 : index
        %get3A_653 = tpu.vector_load %get3A_650[%get3A_651, %get3A_652] {strides = array<i32>} : memref<16x128xf32, #tpu.memory_space<vmem>>, vector<16xf32>,
        %get3A_654 = arith.constant 0 : i32
        %get3A_655 = arith.constant 0 : i32
        %get3A_656 = tpu.memref_slice %arg9[%scan3A_524, %get3A_654, %get3A_655] : memref<5x16x128xf32, #tpu.memory_space<vmem>> -> memref<1x16x128xf32, #tpu.memory_space<vmem>>
        %get3A_657 = tpu.memref_squeeze %get3A_656 : memref<1x16x128xf32, #tpu.memory_space<vmem>> -> memref<16x128xf32, #tpu.memory_space<vmem>>
        %get3A_658 = arith.index_cast %add3A_569 : i32 to index
        %get3A_659 = arith.constant 80 : index
        %get3A_660 = tpu.vector_load %get3A_657[%get3A_658, %get3A_659] {strides = array<i32>} : memref<16x128xf32, #tpu.memory_space<vmem>>, vector<16xf32>,
        %mul3A_661 = arith.mulf %get3A_653, %get3A_660 : vector<16xf32>
        %add3A_662 = arith.addf %add3A_630, %mul3A_661 : vector<16xf32>
        %get3A_663 = arith.constant 0 : i32
        %get3A_664 = arith.constant 0 : i32
        %get3A_665 = tpu.memref_slice %arg8[%scan3A_523, %get3A_663, %get3A_664] : memref<5x16x128xf32, #tpu.memory_space<vmem>> -> memref<1x16x128xf32, #tpu.memory_space<vmem>>
        %get3A_666 = tpu.memref_squeeze %get3A_665 : memref<1x16x128xf32, #tpu.memory_space<vmem>> -> memref<16x128xf32, #tpu.memory_space<vmem>>
        %get3A_667 = arith.index_cast %add3A_569 : i32 to index
        %get3A_668 = arith.constant 96 : index
        %get3A_669 = tpu.vector_load %get3A_666[%get3A_667, %get3A_668] {strides = array<i32>} : memref<16x128xf32, #tpu.memory_space<vmem>>, vector<16xf32>,
        %get3A_670 = arith.constant 0 : i32
        %get3A_671 = arith.constant 0 : i32
        %get3A_672 = tpu.memref_slice %arg9[%scan3A_524, %get3A_670, %get3A_671] : memref<5x16x128xf32, #tpu.memory_space<vmem>> -> memref<1x16x128xf32, #tpu.memory_space<vmem>>
        %get3A_673 = tpu.memref_squeeze %get3A_672 : memref<1x16x128xf32, #tpu.memory_space<vmem>> -> memref<16x128xf32, #tpu.memory_space<vmem>>
        %get3A_674 = arith.index_cast %add3A_569 : i32 to index
        %get3A_675 = arith.constant 96 : index
        %get3A_676 = tpu.vector_load %get3A_673[%get3A_674, %get3A_675] {strides = array<i32>} : memref<16x128xf32, #tpu.memory_space<vmem>>, vector<16xf32>,
        %mul3A_677 = arith.mulf %get3A_669, %get3A_676 : vector<16xf32>
        %add3A_678 = arith.addf %add3A_646, %mul3A_677 : vector<16xf32>
        %get3A_679 = arith.constant 0 : i32
        %get3A_680 = arith.constant 0 : i32
        %get3A_681 = tpu.memref_slice %arg8[%scan3A_523, %get3A_679, %get3A_680] : memref<5x16x128xf32, #tpu.memory_space<vmem>> -> memref<1x16x128xf32, #tpu.memory_space<vmem>>
        %get3A_682 = tpu.memref_squeeze %get3A_681 : memref<1x16x128xf32, #tpu.memory_space<vmem>> -> memref<16x128xf32, #tpu.memory_space<vmem>>
        %get3A_683 = arith.index_cast %add3A_569 : i32 to index
        %get3A_684 = arith.constant 112 : index
        %get3A_685 = tpu.vector_load %get3A_682[%get3A_683, %get3A_684] {strides = array<i32>} : memref<16x128xf32, #tpu.memory_space<vmem>>, vector<16xf32>,
        %get3A_686 = arith.constant 0 : i32
        %get3A_687 = arith.constant 0 : i32
        %get3A_688 = tpu.memref_slice %arg9[%scan3A_524, %get3A_686, %get3A_687] : memref<5x16x128xf32, #tpu.memory_space<vmem>> -> memref<1x16x128xf32, #tpu.memory_space<vmem>>
        %get3A_689 = tpu.memref_squeeze %get3A_688 : memref<1x16x128xf32, #tpu.memory_space<vmem>> -> memref<16x128xf32, #tpu.memory_space<vmem>>
        %get3A_690 = arith.index_cast %add3A_569 : i32 to index
        %get3A_691 = arith.constant 112 : index
        %get3A_692 = tpu.vector_load %get3A_689[%get3A_690, %get3A_691] {strides = array<i32>} : memref<16x128xf32, #tpu.memory_space<vmem>>, vector<16xf32>,
        %mul3A_693 = arith.mulf %get3A_685, %get3A_692 : vector<16xf32>
        %add3A_694 = arith.addf %add3A_662, %mul3A_693 : vector<16xf32>
        %eq3A_695 = vector.broadcast %scan3A_565 : i32 to vector<16xi32>
        %eq3A_696 = arith.cmpi eq, %iota3A, %eq3A_695 : vector<16xi32>
        %add3A_697 = arith.addf %add3A_678, %add3A_694 : vector<16xf32>
        %reduce_sum3A = arith.constant true
        %reduce_sum3A_698 = vector.broadcast %reduce_sum3A : i1 to vector<16xi1>
        %reduce_sum3A_699 = tpu.scan <sum>, %add3A_697 masked %reduce_sum3A_698 : vector<16xf32>, vector<16xi1> -> vector<16xf32>
        %reduce_sum3A_700 = vector.extract %reduce_sum3A_699[15] : f32 from vector<16xf32>
        %broadcast_in_dim3A_701 = vector.broadcast %reduce_sum3A_700 : f32 to vector<16xf32>
        %select_n3A = arith.select %eq3A_696, %broadcast_in_dim3A_701, %scan3A_566 : vector<16xi1>, vector<16xf32>
        %scan3A_702 = arith.constant 1 : i32
        %scan3A_703 = arith.addi %scan3A_565, %scan3A_702 : i32
        %mul3A_704 = arith.constant 16 : i32
        %mul3A_705 = arith.muli %scan3A_526, %mul3A_704 : i32
        %add3A_706 = arith.addi %mul3A_705, %scan3A_703 : i32
        %get3A_707 = arith.constant 0 : i32
        %get3A_708 = arith.constant 0 : i32
        %get3A_709 = tpu.memref_slice %arg8[%scan3A_523, %get3A_707, %get3A_708] : memref<5x16x128xf32, #tpu.memory_space<vmem>> -> memref<1x16x128xf32, #tpu.memory_space<vmem>>
        %get3A_710 = tpu.memref_squeeze %get3A_709 : memref<1x16x128xf32, #tpu.memory_space<vmem>> -> memref<16x128xf32, #tpu.memory_space<vmem>>
        %get3A_711 = arith.index_cast %add3A_706 : i32 to index
        %get3A_712 = arith.constant 0 : index
        %get3A_713 = tpu.vector_load %get3A_710[%get3A_711, %get3A_712] {strides = array<i32>} : memref<16x128xf32, #tpu.memory_space<vmem>>, vector<16xf32>,
        %get3A_714 = arith.constant 0 : i32
        %get3A_715 = arith.constant 0 : i32
        %get3A_716 = tpu.memref_slice %arg9[%scan3A_524, %get3A_714, %get3A_715] : memref<5x16x128xf32, #tpu.memory_space<vmem>> -> memref<1x16x128xf32, #tpu.memory_space<vmem>>
        %get3A_717 = tpu.memref_squeeze %get3A_716 : memref<1x16x128xf32, #tpu.memory_space<vmem>> -> memref<16x128xf32, #tpu.memory_space<vmem>>
        %get3A_718 = arith.index_cast %add3A_706 : i32 to index
        %get3A_719 = arith.constant 0 : index
        %get3A_720 = tpu.vector_load %get3A_717[%get3A_718, %get3A_719] {strides = array<i32>} : memref<16x128xf32, #tpu.memory_space<vmem>>, vector<16xf32>,
        %mul3A_721 = arith.mulf %get3A_713, %get3A_720 : vector<16xf32>
        %get3A_722 = arith.constant 0 : i32
        %get3A_723 = arith.constant 0 : i32
        %get3A_724 = tpu.memref_slice %arg8[%scan3A_523, %get3A_722, %get3A_723] : memref<5x16x128xf32, #tpu.memory_space<vmem>> -> memref<1x16x128xf32, #tpu.memory_space<vmem>>
        %get3A_725 = tpu.memref_squeeze %get3A_724 : memref<1x16x128xf32, #tpu.memory_space<vmem>> -> memref<16x128xf32, #tpu.memory_space<vmem>>
        %get3A_726 = arith.index_cast %add3A_706 : i32 to index
        %get3A_727 = arith.constant 16 : index
        %get3A_728 = tpu.vector_load %get3A_725[%get3A_726, %get3A_727] {strides = array<i32>} : memref<16x128xf32, #tpu.memory_space<vmem>>, vector<16xf32>,
        %get3A_729 = arith.constant 0 : i32
        %get3A_730 = arith.constant 0 : i32
        %get3A_731 = tpu.memref_slice %arg9[%scan3A_524, %get3A_729, %get3A_730] : memref<5x16x128xf32, #tpu.memory_space<vmem>> -> memref<1x16x128xf32, #tpu.memory_space<vmem>>
        %get3A_732 = tpu.memref_squeeze %get3A_731 : memref<1x16x128xf32, #tpu.memory_space<vmem>> -> memref<16x128xf32, #tpu.memory_space<vmem>>
        %get3A_733 = arith.index_cast %add3A_706 : i32 to index
        %get3A_734 = arith.constant 16 : index
        %get3A_735 = tpu.vector_load %get3A_732[%get3A_733, %get3A_734] {strides = array<i32>} : memref<16x128xf32, #tpu.memory_space<vmem>>, vector<16xf32>,
        %mul3A_736 = arith.mulf %get3A_728, %get3A_735 : vector<16xf32>
        %get3A_737 = arith.constant 0 : i32
        %get3A_738 = arith.constant 0 : i32
        %get3A_739 = tpu.memref_slice %arg8[%scan3A_523, %get3A_737, %get3A_738] : memref<5x16x128xf32, #tpu.memory_space<vmem>> -> memref<1x16x128xf32, #tpu.memory_space<vmem>>
        %get3A_740 = tpu.memref_squeeze %get3A_739 : memref<1x16x128xf32, #tpu.memory_space<vmem>> -> memref<16x128xf32, #tpu.memory_space<vmem>>
        %get3A_741 = arith.index_cast %add3A_706 : i32 to index
        %get3A_742 = arith.constant 32 : index
        %get3A_743 = tpu.vector_load %get3A_740[%get3A_741, %get3A_742] {strides = array<i32>} : memref<16x128xf32, #tpu.memory_space<vmem>>, vector<16xf32>,
        %get3A_744 = arith.constant 0 : i32
        %get3A_745 = arith.constant 0 : i32
        %get3A_746 = tpu.memref_slice %arg9[%scan3A_524, %get3A_744, %get3A_745] : memref<5x16x128xf32, #tpu.memory_space<vmem>> -> memref<1x16x128xf32, #tpu.memory_space<vmem>>
        %get3A_747 = tpu.memref_squeeze %get3A_746 : memref<1x16x128xf32, #tpu.memory_space<vmem>> -> memref<16x128xf32, #tpu.memory_space<vmem>>
        %get3A_748 = arith.index_cast %add3A_706 : i32 to index
        %get3A_749 = arith.constant 32 : index
        %get3A_750 = tpu.vector_load %get3A_747[%get3A_748, %get3A_749] {strides = array<i32>} : memref<16x128xf32, #tpu.memory_space<vmem>>, vector<16xf32>,
        %mul3A_751 = arith.mulf %get3A_743, %get3A_750 : vector<16xf32>
        %add3A_752 = arith.addf %mul3A_721, %mul3A_751 : vector<16xf32>
        %get3A_753 = arith.constant 0 : i32
        %get3A_754 = arith.constant 0 : i32
        %get3A_755 = tpu.memref_slice %arg8[%scan3A_523, %get3A_753, %get3A_754] : memref<5x16x128xf32, #tpu.memory_space<vmem>> -> memref<1x16x128xf32, #tpu.memory_space<vmem>>
        %get3A_756 = tpu.memref_squeeze %get3A_755 : memref<1x16x128xf32, #tpu.memory_space<vmem>> -> memref<16x128xf32, #tpu.memory_space<vmem>>
        %get3A_757 = arith.index_cast %add3A_706 : i32 to index
        %get3A_758 = arith.constant 48 : index
        %get3A_759 = tpu.vector_load %get3A_756[%get3A_757, %get3A_758] {strides = array<i32>} : memref<16x128xf32, #tpu.memory_space<vmem>>, vector<16xf32>,
        %get3A_760 = arith.constant 0 : i32
        %get3A_761 = arith.constant 0 : i32
        %get3A_762 = tpu.memref_slice %arg9[%scan3A_524, %get3A_760, %get3A_761] : memref<5x16x128xf32, #tpu.memory_space<vmem>> -> memref<1x16x128xf32, #tpu.memory_space<vmem>>
        %get3A_763 = tpu.memref_squeeze %get3A_762 : memref<1x16x128xf32, #tpu.memory_space<vmem>> -> memref<16x128xf32, #tpu.memory_space<vmem>>
        %get3A_764 = arith.index_cast %add3A_706 : i32 to index
        %get3A_765 = arith.constant 48 : index
        %get3A_766 = tpu.vector_load %get3A_763[%get3A_764, %get3A_765] {strides = array<i32>} : memref<16x128xf32, #tpu.memory_space<vmem>>, vector<16xf32>,
        %mul3A_767 = arith.mulf %get3A_759, %get3A_766 : vector<16xf32>
        %add3A_768 = arith.addf %mul3A_736, %mul3A_767 : vector<16xf32>
        %get3A_769 = arith.constant 0 : i32
        %get3A_770 = arith.constant 0 : i32
        %get3A_771 = tpu.memref_slice %arg8[%scan3A_523, %get3A_769, %get3A_770] : memref<5x16x128xf32, #tpu.memory_space<vmem>> -> memref<1x16x128xf32, #tpu.memory_space<vmem>>
        %get3A_772 = tpu.memref_squeeze %get3A_771 : memref<1x16x128xf32, #tpu.memory_space<vmem>> -> memref<16x128xf32, #tpu.memory_space<vmem>>
        %get3A_773 = arith.index_cast %add3A_706 : i32 to index
        %get3A_774 = arith.constant 64 : index
        %get3A_775 = tpu.vector_load %get3A_772[%get3A_773, %get3A_774] {strides = array<i32>} : memref<16x128xf32, #tpu.memory_space<vmem>>, vector<16xf32>,
        %get3A_776 = arith.constant 0 : i32
        %get3A_777 = arith.constant 0 : i32
        %get3A_778 = tpu.memref_slice %arg9[%scan3A_524, %get3A_776, %get3A_777] : memref<5x16x128xf32, #tpu.memory_space<vmem>> -> memref<1x16x128xf32, #tpu.memory_space<vmem>>
        %get3A_779 = tpu.memref_squeeze %get3A_778 : memref<1x16x128xf32, #tpu.memory_space<vmem>> -> memref<16x128xf32, #tpu.memory_space<vmem>>
        %get3A_780 = arith.index_cast %add3A_706 : i32 to index
        %get3A_781 = arith.constant 64 : index
        %get3A_782 = tpu.vector_load %get3A_779[%get3A_780, %get3A_781] {strides = array<i32>} : memref<16x128xf32, #tpu.memory_space<vmem>>, vector<16xf32>,
        %mul3A_783 = arith.mulf %get3A_775, %get3A_782 : vector<16xf32>
        %add3A_784 = arith.addf %add3A_752, %mul3A_783 : vector<16xf32>
        %get3A_785 = arith.constant 0 : i32
        %get3A_786 = arith.constant 0 : i32
        %get3A_787 = tpu.memref_slice %arg8[%scan3A_523, %get3A_785, %get3A_786] : memref<5x16x128xf32, #tpu.memory_space<vmem>> -> memref<1x16x128xf32, #tpu.memory_space<vmem>>
        %get3A_788 = tpu.memref_squeeze %get3A_787 : memref<1x16x128xf32, #tpu.memory_space<vmem>> -> memref<16x128xf32, #tpu.memory_space<vmem>>
        %get3A_789 = arith.index_cast %add3A_706 : i32 to index
        %get3A_790 = arith.constant 80 : index
        %get3A_791 = tpu.vector_load %get3A_788[%get3A_789, %get3A_790] {strides = array<i32>} : memref<16x128xf32, #tpu.memory_space<vmem>>, vector<16xf32>,
        %get3A_792 = arith.constant 0 : i32
        %get3A_793 = arith.constant 0 : i32
        %get3A_794 = tpu.memref_slice %arg9[%scan3A_524, %get3A_792, %get3A_793] : memref<5x16x128xf32, #tpu.memory_space<vmem>> -> memref<1x16x128xf32, #tpu.memory_space<vmem>>
        %get3A_795 = tpu.memref_squeeze %get3A_794 : memref<1x16x128xf32, #tpu.memory_space<vmem>> -> memref<16x128xf32, #tpu.memory_space<vmem>>
        %get3A_796 = arith.index_cast %add3A_706 : i32 to index
        %get3A_797 = arith.constant 80 : index
        %get3A_798 = tpu.vector_load %get3A_795[%get3A_796, %get3A_797] {strides = array<i32>} : memref<16x128xf32, #tpu.memory_space<vmem>>, vector<16xf32>,
        %mul3A_799 = arith.mulf %get3A_791, %get3A_798 : vector<16xf32>
        %add3A_800 = arith.addf %add3A_768, %mul3A_799 : vector<16xf32>
        %get3A_801 = arith.constant 0 : i32
        %get3A_802 = arith.constant 0 : i32
        %get3A_803 = tpu.memref_slice %arg8[%scan3A_523, %get3A_801, %get3A_802] : memref<5x16x128xf32, #tpu.memory_space<vmem>> -> memref<1x16x128xf32, #tpu.memory_space<vmem>>
        %get3A_804 = tpu.memref_squeeze %get3A_803 : memref<1x16x128xf32, #tpu.memory_space<vmem>> -> memref<16x128xf32, #tpu.memory_space<vmem>>
        %get3A_805 = arith.index_cast %add3A_706 : i32 to index
        %get3A_806 = arith.constant 96 : index
        %get3A_807 = tpu.vector_load %get3A_804[%get3A_805, %get3A_806] {strides = array<i32>} : memref<16x128xf32, #tpu.memory_space<vmem>>, vector<16xf32>,
        %get3A_808 = arith.constant 0 : i32
        %get3A_809 = arith.constant 0 : i32
        %get3A_810 = tpu.memref_slice %arg9[%scan3A_524, %get3A_808, %get3A_809] : memref<5x16x128xf32, #tpu.memory_space<vmem>> -> memref<1x16x128xf32, #tpu.memory_space<vmem>>
        %get3A_811 = tpu.memref_squeeze %get3A_810 : memref<1x16x128xf32, #tpu.memory_space<vmem>> -> memref<16x128xf32, #tpu.memory_space<vmem>>
        %get3A_812 = arith.index_cast %add3A_706 : i32 to index
        %get3A_813 = arith.constant 96 : index
        %get3A_814 = tpu.vector_load %get3A_811[%get3A_812, %get3A_813] {strides = array<i32>} : memref<16x128xf32, #tpu.memory_space<vmem>>, vector<16xf32>,
        %mul3A_815 = arith.mulf %get3A_807, %get3A_814 : vector<16xf32>
        %add3A_816 = arith.addf %add3A_784, %mul3A_815 : vector<16xf32>
        %get3A_817 = arith.constant 0 : i32
        %get3A_818 = arith.constant 0 : i32
        %get3A_819 = tpu.memref_slice %arg8[%scan3A_523, %get3A_817, %get3A_818] : memref<5x16x128xf32, #tpu.memory_space<vmem>> -> memref<1x16x128xf32, #tpu.memory_space<vmem>>
        %get3A_820 = tpu.memref_squeeze %get3A_819 : memref<1x16x128xf32, #tpu.memory_space<vmem>> -> memref<16x128xf32, #tpu.memory_space<vmem>>
        %get3A_821 = arith.index_cast %add3A_706 : i32 to index
        %get3A_822 = arith.constant 112 : index
        %get3A_823 = tpu.vector_load %get3A_820[%get3A_821, %get3A_822] {strides = array<i32>} : memref<16x128xf32, #tpu.memory_space<vmem>>, vector<16xf32>,
        %get3A_824 = arith.constant 0 : i32
        %get3A_825 = arith.constant 0 : i32
        %get3A_826 = tpu.memref_slice %arg9[%scan3A_524, %get3A_824, %get3A_825] : memref<5x16x128xf32, #tpu.memory_space<vmem>> -> memref<1x16x128xf32, #tpu.memory_space<vmem>>
        %get3A_827 = tpu.memref_squeeze %get3A_826 : memref<1x16x128xf32, #tpu.memory_space<vmem>> -> memref<16x128xf32, #tpu.memory_space<vmem>>
        %get3A_828 = arith.index_cast %add3A_706 : i32 to index
        %get3A_829 = arith.constant 112 : index
        %get3A_830 = tpu.vector_load %get3A_827[%get3A_828, %get3A_829] {strides = array<i32>} : memref<16x128xf32, #tpu.memory_space<vmem>>, vector<16xf32>,
        %mul3A_831 = arith.mulf %get3A_823, %get3A_830 : vector<16xf32>
        %add3A_832 = arith.addf %add3A_800, %mul3A_831 : vector<16xf32>
        %eq3A_833 = vector.broadcast %scan3A_703 : i32 to vector<16xi32>
        %eq3A_834 = arith.cmpi eq, %iota3A, %eq3A_833 : vector<16xi32>
        %add3A_835 = arith.addf %add3A_816, %add3A_832 : vector<16xf32>
        %reduce_sum3A_836 = arith.constant true
        %reduce_sum3A_837 = vector.broadcast %reduce_sum3A_836 : i1 to vector<16xi1>
        %reduce_sum3A_838 = tpu.scan <sum>, %add3A_835 masked %reduce_sum3A_837 : vector<16xf32>, vector<16xi1> -> vector<16xf32>
        %reduce_sum3A_839 = vector.extract %reduce_sum3A_838[15] : f32 from vector<16xf32>
        %broadcast_in_dim3A_840 = vector.broadcast %reduce_sum3A_839 : f32 to vector<16xf32>
        %select_n3A_841 = arith.select %eq3A_834, %broadcast_in_dim3A_840, %select_n3A : vector<16xi1>, vector<16xf32>
        scf.yield %select_n3A_841 : vector<16xf32>
      }
      %scan3A_534 = arith.constant 16 : i32
      %mul3A_535 = arith.constant 16 : i32
      %mul3A_536 = arith.muli %scan3A_526, %mul3A_535 : i32
      %multiple_of3A_537 = tpu.assume_multiple %mul3A_536, 8 : i32
      %swap3A_538 = arith.constant 4 : i32
      %swap3A_539 = arith.index_cast %swap3A_538 : i32 to index
      %swap3A_540 = arith.index_cast %multiple_of3A_537 : i32 to index
      %swap3A_541 = tpu.vector_load %arg10[%swap3A_539, %swap3A_540] {strides = array<i32>} : memref<5x16xf32, #tpu.memory_space<vmem>>, vector<16xf32>,
      tpu.vector_store %arg10[%swap3A_539, %swap3A_540], %scan3A_533 {strides = array<i32>} : memref<5x16xf32, #tpu.memory_space<vmem>>, vector<16xf32>,
      %scan3A_542 = arith.constant 0 : i32
      %scan3A_543 = arith.constant 1 : i32
      %mul3A_544 = arith.constant 16 : i32
      %mul3A_545 = arith.muli %add3A_487, %mul3A_544 : i32
      %add3A_546 = arith.addi %mul3A_2, %mul3A_545 : i32
      %multiple_of3A_547 = tpu.assume_multiple %add3A_546, 8 : i32
      %dma_start3A_548 = arith.constant 4 : i32
      %dma_start3A_549 = arith.constant 0 : i32
      %dma_start3A_550 = tpu.memref_slice %arg10[%dma_start3A_548, %dma_start3A_549] : memref<5x16xf32, #tpu.memory_space<vmem>> -> memref<1x16xf32, #tpu.memory_space<vmem>>
      %dma_start3A_551 = tpu.memref_squeeze %dma_start3A_550 : memref<1x16xf32, #tpu.memory_space<vmem>> -> memref<16xf32, #tpu.memory_space<vmem>>
      %dma_start3A_552 = tpu.memref_slice %arg5[%multiple_of3A_547] : memref<320000xf32, #tpu.memory_space<hbm>> -> memref<16xf32, #tpu.memory_space<hbm>>
      %dma_start3A_553 = tpu.memref_slice %arg5[%multiple_of3A_547] : memref<320000xf32, #tpu.memory_space<hbm>> -> memref<16xf32, #tpu.memory_space<hbm>>
      %dma_start3A_554 = arith.constant 0 : i32
      %dma_start3A_555 = tpu.memref_slice %arg10[%dma_start3A_548, %dma_start3A_554] : memref<5x16xf32, #tpu.memory_space<vmem>> -> memref<1x16xf32, #tpu.memory_space<vmem>>
      %dma_start3A_556 = tpu.memref_squeeze %dma_start3A_555 : memref<1x16xf32, #tpu.memory_space<vmem>> -> memref<16xf32, #tpu.memory_space<vmem>>
      tpu.enqueue_dma source(%dma_start3A_556 : memref<16xf32, #tpu.memory_space<vmem>>) target(%dma_start3A_553 : memref<16xf32, #tpu.memory_space<hbm>>) target_semaphore(%arg21 : memref<!tpu.dma_semaphore, #tpu.memory_space<semaphore_mem>>)
      %add3A_557 = arith.constant 5 : i32
      %add3A_558 = arith.addi %add3A_487, %add3A_557 : i32
      %lt3A_559 = arith.constant 625 : i32
      %lt3A_560 = arith.cmpi slt, %add3A_558, %lt3A_559 : i32
      %convert_element_type3A_561 = arith.extui %lt3A_560 : i1 to i32
      %cond3A_562 = arith.constant 0 : i32
      %cond3A_563 = arith.cmpi ne, %convert_element_type3A_561, %cond3A_562 : i32
      scf.if %cond3A_563 {
        %add3A_565 = arith.constant 5 : i32
        %add3A_566 = arith.addi %add3A_487, %add3A_565 : i32
        %mul3A_567 = arith.constant 16 : i32
        %mul3A_568 = arith.muli %add3A_566, %mul3A_567 : i32
        %multiple_of3A_569 = tpu.assume_multiple %mul3A_568, 8 : i32
        %dma_start3A_570 = arith.constant 4 : i32
        %dma_start3A_571 = arith.constant 0 : i32
        %dma_start3A_572 = arith.constant 0 : i32
        %dma_start3A_573 = tpu.memref_slice %arg8[%dma_start3A_570, %dma_start3A_571, %dma_start3A_572] : memref<5x16x128xf32, #tpu.memory_space<vmem>> -> memref<1x16x128xf32, #tpu.memory_space<vmem>>
        %dma_start3A_574 = tpu.memref_squeeze %dma_start3A_573 : memref<1x16x128xf32, #tpu.memory_space<vmem>> -> memref<16x128xf32, #tpu.memory_space<vmem>>
        %dma_start3A_575 = tpu.memref_slice %arg6[%multiple_of3A_569] : memref<10000xi32, #tpu.memory_space<vmem>> -> memref<16xi32, #tpu.memory_space<vmem>>
        %dma_start3A_576 = arith.constant 0 : i32
        %dma_start3A_577 = arith.constant 0 : i32
        %dma_start3A_578 = tpu.memref_slice %arg11[%dma_start3A_576, %dma_start3A_577] : memref<10000x128xf32, #tpu.memory_space<vmem_shared>> -> memref<10000x128xf32, #tpu.memory_space<vmem_shared>>
        tpu.enqueue_indirect_dma source(%dma_start3A_578 : memref<10000x128xf32, #tpu.memory_space<vmem_shared>>) target(%dma_start3A_574 : memref<16x128xf32, #tpu.memory_space<vmem>>) offsets(%dma_start3A_575 : memref<16xi32, #tpu.memory_space<vmem>>) semaphore(%arg16 : memref<!tpu.dma_semaphore, #tpu.memory_space<semaphore_mem>>)
        %dma_start3A_579 = arith.constant 4 : i32
        %dma_start3A_580 = arith.constant 0 : i32
        %dma_start3A_581 = arith.constant 0 : i32
        %dma_start3A_582 = tpu.memref_slice %arg9[%dma_start3A_579, %dma_start3A_580, %dma_start3A_581] : memref<5x16x128xf32, #tpu.memory_space<vmem>> -> memref<1x16x128xf32, #tpu.memory_space<vmem>>
        %dma_start3A_583 = tpu.memref_squeeze %dma_start3A_582 : memref<1x16x128xf32, #tpu.memory_space<vmem>> -> memref<16x128xf32, #tpu.memory_space<vmem>>
        %dma_start3A_584 = tpu.memref_slice %arg7[%multiple_of3A_569] : memref<10000xi32, #tpu.memory_space<vmem>> -> memref<16xi32, #tpu.memory_space<vmem>>
        %dma_start3A_585 = arith.constant 0 : i32
        %dma_start3A_586 = arith.constant 0 : i32
        %dma_start3A_587 = tpu.memref_slice %arg11[%dma_start3A_585, %dma_start3A_586] : memref<10000x128xf32, #tpu.memory_space<vmem_shared>> -> memref<10000x128xf32, #tpu.memory_space<vmem_shared>>
        tpu.enqueue_indirect_dma source(%dma_start3A_587 : memref<10000x128xf32, #tpu.memory_space<vmem_shared>>) target(%dma_start3A_583 : memref<16x128xf32, #tpu.memory_space<vmem>>) offsets(%dma_start3A_584 : memref<16xi32, #tpu.memory_space<vmem>>) semaphore(%arg16 : memref<!tpu.dma_semaphore, #tpu.memory_space<semaphore_mem>>)
      } else {
      }
      %scan3A_564 = arith.constant 0 : i32
      scf.yield %scan3A_564 : i32
    }
    %scan3A_111 = arith.constant 125 : i32
    %dma_wait3A = arith.constant 0 : i32
    %dma_wait3A_112 = arith.constant 0 : i32
    %dma_wait3A_113 = tpu.memref_slice %arg10[%dma_wait3A, %dma_wait3A_112] : memref<5x16xf32, #tpu.memory_space<vmem>> -> memref<1x16xf32, #tpu.memory_space<vmem>>
    %dma_wait3A_114 = tpu.memref_squeeze %dma_wait3A_113 : memref<1x16xf32, #tpu.memory_space<vmem>> -> memref<16xf32, #tpu.memory_space<vmem>>
    %dma_wait3A_115 = arith.constant 0 : i32
    %dma_wait3A_116 = tpu.memref_slice %arg5[%dma_wait3A_115] : memref<320000xf32, #tpu.memory_space<hbm>> -> memref<16xf32, #tpu.memory_space<hbm>>
    %dma_wait3A_117 = arith.constant 0 : i32
    %dma_wait3A_118 = tpu.memref_slice %arg5[%dma_wait3A_117] : memref<320000xf32, #tpu.memory_space<hbm>> -> memref<16xf32, #tpu.memory_space<hbm>>
    %dma_wait3A_119 = arith.constant 0 : i32
    %dma_wait3A_120 = tpu.memref_slice %arg10[%dma_wait3A, %dma_wait3A_119] : memref<5x16xf32, #tpu.memory_space<vmem>> -> memref<1x16xf32, #tpu.memory_space<vmem>>
    %dma_wait3A_121 = tpu.memref_squeeze %dma_wait3A_120 : memref<1x16xf32, #tpu.memory_space<vmem>> -> memref<16xf32, #tpu.memory_space<vmem>>
    tpu.wait_dma2 semaphore(%arg17 : memref<!tpu.dma_semaphore, #tpu.memory_space<semaphore_mem>>) src(%dma_wait3A_121 : memref<16xf32, #tpu.memory_space<vmem>>) dst(%dma_wait3A_118 : memref<16xf32, #tpu.memory_space<hbm>>)
    %dma_wait3A_122 = arith.constant 1 : i32
    %dma_wait3A_123 = arith.constant 0 : i32
    %dma_wait3A_124 = tpu.memref_slice %arg10[%dma_wait3A_122, %dma_wait3A_123] : memref<5x16xf32, #tpu.memory_space<vmem>> -> memref<1x16xf32, #tpu.memory_space<vmem>>
    %dma_wait3A_125 = tpu.memref_squeeze %dma_wait3A_124 : memref<1x16xf32, #tpu.memory_space<vmem>> -> memref<16xf32, #tpu.memory_space<vmem>>
    %dma_wait3A_126 = arith.constant 0 : i32
    %dma_wait3A_127 = tpu.memref_slice %arg5[%dma_wait3A_126] : memref<320000xf32, #tpu.memory_space<hbm>> -> memref<16xf32, #tpu.memory_space<hbm>>
    %dma_wait3A_128 = arith.constant 0 : i32
    %dma_wait3A_129 = tpu.memref_slice %arg5[%dma_wait3A_128] : memref<320000xf32, #tpu.memory_space<hbm>> -> memref<16xf32, #tpu.memory_space<hbm>>
    %dma_wait3A_130 = arith.constant 0 : i32
    %dma_wait3A_131 = tpu.memref_slice %arg10[%dma_wait3A_122, %dma_wait3A_130] : memref<5x16xf32, #tpu.memory_space<vmem>> -> memref<1x16xf32, #tpu.memory_space<vmem>>
    %dma_wait3A_132 = tpu.memref_squeeze %dma_wait3A_131 : memref<1x16xf32, #tpu.memory_space<vmem>> -> memref<16xf32, #tpu.memory_space<vmem>>
    tpu.wait_dma2 semaphore(%arg18 : memref<!tpu.dma_semaphore, #tpu.memory_space<semaphore_mem>>) src(%dma_wait3A_132 : memref<16xf32, #tpu.memory_space<vmem>>) dst(%dma_wait3A_129 : memref<16xf32, #tpu.memory_space<hbm>>)
    %dma_wait3A_133 = arith.constant 2 : i32
    %dma_wait3A_134 = arith.constant 0 : i32
    %dma_wait3A_135 = tpu.memref_slice %arg10[%dma_wait3A_133, %dma_wait3A_134] : memref<5x16xf32, #tpu.memory_space<vmem>> -> memref<1x16xf32, #tpu.memory_space<vmem>>
    %dma_wait3A_136 = tpu.memref_squeeze %dma_wait3A_135 : memref<1x16xf32, #tpu.memory_space<vmem>> -> memref<16xf32, #tpu.memory_space<vmem>>
    %dma_wait3A_137 = arith.constant 0 : i32
    %dma_wait3A_138 = tpu.memref_slice %arg5[%dma_wait3A_137] : memref<320000xf32, #tpu.memory_space<hbm>> -> memref<16xf32, #tpu.memory_space<hbm>>
    %dma_wait3A_139 = arith.constant 0 : i32
    %dma_wait3A_140 = tpu.memref_slice %arg5[%dma_wait3A_139] : memref<320000xf32, #tpu.memory_space<hbm>> -> memref<16xf32, #tpu.memory_space<hbm>>
    %dma_wait3A_141 = arith.constant 0 : i32
    %dma_wait3A_142 = tpu.memref_slice %arg10[%dma_wait3A_133, %dma_wait3A_141] : memref<5x16xf32, #tpu.memory_space<vmem>> -> memref<1x16xf32, #tpu.memory_space<vmem>>
    %dma_wait3A_143 = tpu.memref_squeeze %dma_wait3A_142 : memref<1x16xf32, #tpu.memory_space<vmem>> -> memref<16xf32, #tpu.memory_space<vmem>>
    tpu.wait_dma2 semaphore(%arg19 : memref<!tpu.dma_semaphore, #tpu.memory_space<semaphore_mem>>) src(%dma_wait3A_143 : memref<16xf32, #tpu.memory_space<vmem>>) dst(%dma_wait3A_140 : memref<16xf32, #tpu.memory_space<hbm>>)
    %dma_wait3A_144 = arith.constant 3 : i32
    %dma_wait3A_145 = arith.constant 0 : i32
    %dma_wait3A_146 = tpu.memref_slice %arg10[%dma_wait3A_144, %dma_wait3A_145] : memref<5x16xf32, #tpu.memory_space<vmem>> -> memref<1x16xf32, #tpu.memory_space<vmem>>
    %dma_wait3A_147 = tpu.memref_squeeze %dma_wait3A_146 : memref<1x16xf32, #tpu.memory_space<vmem>> -> memref<16xf32, #tpu.memory_space<vmem>>
    %dma_wait3A_148 = arith.constant 0 : i32
    %dma_wait3A_149 = tpu.memref_slice %arg5[%dma_wait3A_148] : memref<320000xf32, #tpu.memory_space<hbm>> -> memref<16xf32, #tpu.memory_space<hbm>>
    %dma_wait3A_150 = arith.constant 0 : i32
    %dma_wait3A_151 = tpu.memref_slice %arg5[%dma_wait3A_150] : memref<320000xf32, #tpu.memory_space<hbm>> -> memref<16xf32, #tpu.memory_space<hbm>>
    %dma_wait3A_152 = arith.constant 0 : i32
    %dma_wait3A_153 = tpu.memref_slice %arg10[%dma_wait3A_144, %dma_wait3A_152] : memref<5x16xf32, #tpu.memory_space<vmem>> -> memref<1x16xf32, #tpu.memory_space<vmem>>
    %dma_wait3A_154 = tpu.memref_squeeze %dma_wait3A_153 : memref<1x16xf32, #tpu.memory_space<vmem>> -> memref<16xf32, #tpu.memory_space<vmem>>
    tpu.wait_dma2 semaphore(%arg20 : memref<!tpu.dma_semaphore, #tpu.memory_space<semaphore_mem>>) src(%dma_wait3A_154 : memref<16xf32, #tpu.memory_space<vmem>>) dst(%dma_wait3A_151 : memref<16xf32, #tpu.memory_space<hbm>>)
    %dma_wait3A_155 = arith.constant 4 : i32
    %dma_wait3A_156 = arith.constant 0 : i32
    %dma_wait3A_157 = tpu.memref_slice %arg10[%dma_wait3A_155, %dma_wait3A_156] : memref<5x16xf32, #tpu.memory_space<vmem>> -> memref<1x16xf32, #tpu.memory_space<vmem>>
    %dma_wait3A_158 = tpu.memref_squeeze %dma_wait3A_157 : memref<1x16xf32, #tpu.memory_space<vmem>> -> memref<16xf32, #tpu.memory_space<vmem>>
    %dma_wait3A_159 = arith.constant 0 : i32
    %dma_wait3A_160 = tpu.memref_slice %arg5[%dma_wait3A_159] : memref<320000xf32, #tpu.memory_space<hbm>> -> memref<16xf32, #tpu.memory_space<hbm>>
    %dma_wait3A_161 = arith.constant 0 : i32
    %dma_wait3A_162 = tpu.memref_slice %arg5[%dma_wait3A_161] : memref<320000xf32, #tpu.memory_space<hbm>> -> memref<16xf32, #tpu.memory_space<hbm>>
    %dma_wait3A_163 = arith.constant 0 : i32
    %dma_wait3A_164 = tpu.memref_slice %arg10[%dma_wait3A_155, %dma_wait3A_163] : memref<5x16xf32, #tpu.memory_space<vmem>> -> memref<1x16xf32, #tpu.memory_space<vmem>>
    %dma_wait3A_165 = tpu.memref_squeeze %dma_wait3A_164 : memref<1x16xf32, #tpu.memory_space<vmem>> -> memref<16xf32, #tpu.memory_space<vmem>>
    tpu.wait_dma2 semaphore(%arg21 : memref<!tpu.dma_semaphore, #tpu.memory_space<semaphore_mem>>) src(%dma_wait3A_165 : memref<16xf32, #tpu.memory_space<vmem>>) dst(%dma_wait3A_162 : memref<16xf32, #tpu.memory_space<hbm>>)
    return
  }
}

</mosaic_0001>

<sc_bundles>
// kernel: kernel.3.cloned.1.call-start
scs
__scs_entry_jumppad:
0x0: {  	(pc) =	sbr.rel $0x88, $3  }
0x1: {  	(tag) =	ssettag $0x0;
	lr =	simm.s32 $0x1  }
0x2: {  	[smem:$0x3F9E] =	sst lr;
	_ =	strace $0xD0000000  }
0x3: {  	_ = 	snop  }
0x4: {  	_ = 	snop  }
0x5: {  	_ = 	snop  }
0x6: {  	_ = 	snop  }
0x7: {  	_ = 	snop  }
__scs_overlays_trampoline_lowered:
0x8: {  	[smem:$0x3FAD] =	sst s0  }
0x9: {  	[smem:$0x3FAE] =	sst s1  }
0xa: {  	[smem:$0x3FAF] =	sst s2  }
0xb: {  	[smem:$0x3FB0] =	sst s3  }
0xc: {  	[smem:$0x3FB1] =	sst s4  }
0xd: {  	[smem:$0x3FB2] =	sst s5  }
0xe: {  	[smem:$0x3FB3] =	sst s6  }
0xf: {  	[smem:$0x3FB4] =	sst s7  }
0x10: {  	[smem:$0x3FB5] =	sst s8  }
0x11: {  	[smem:$0x3FB6] =	sst s9;
	s0 =	simm.s32 @!p0 $0x0  }
0x12: {  	s1 =	sld [smem:$0x3F9C];
	s0 =	simm.s32 @p0 $0x1  }
0x13: {  	[smem:$0x3FB7] =	sst s0;
	s0 =	simm.s32 @!p1 $0x0  }
0x14: {  	s2 =	sld [smem:$0x3F9B];
	s0 =	simm.s32 @p1 $0x1  }
0x15: {  	[smem:$0x3FB8] =	sst s0;
	s0 =	simm.s32 @!p2 $0x0  }
0x16: {  	s3 =	sld [smem:$0x3FDB];
	s0 =	simm.s32 @p2 $0x1  }
0x17: {  	s4 =	simm.s32 $0x1BF5;
	[smem:$0x3FBA] =	sst s0  }
0x18: {  	s0 =	sld [smem:$0x3F9D];
	_ =	swait.ge [sflag:s4], $0x0  }
0x19: {  	s7 =	sld [smem:$0x3F9E]  }
0x1a: {  	s8 =	sadd.s32 $0xFFFFE003, lr  }
0x1b: {  	s9 =	sadd.s32 $0xFFFFFEF7, lr;
	s5 =	simm.s32 $0xFFFFFFFF;
	p2 =	slt.u32 s8, $0xFFFFF086  }
0x1c: {  	p1 =	slt.u32 s9, $0xF7A;
	s5 =	simm.s32 @!p2 $0x0  }
0x1d: {  	s5 =	simm.s32 @p1 $0x1;
	p0 =	seq.s32 s7, s2  }
0x1e: {  	s7 =	smul.u32 @!p0 $0xF7A, s2;
	p2 =	seq.s32 @!p0 s5, $0x0  }
0x1f: {  	s9 =	smul.u32 $0xF7A, s1;
	s8 =	simm.s32 @!p0 $0x1BF5;
	p2 =	por !p2, p0  }
0x20: {  	[sflag:s8] =	ssyncset.s32 @!p0 $0xFFFFF086;
	s6 =	sadd.s32 @!p0 s3, s7;
	s7 =	simm.s32 @!p0 $0x108  }
0x21: {  	s3 =	sadd.s32 s3, s9;
	s6 =	sadd.s32 @!p0 $0x88, s6;
	s7 =	simm.s32 @p2 $0x1082  }
0x22: {  	[simem:s7], [sflag:s8] =	dma.local @!p0 [hbm:s6], $0xF7A  }
0x23: {  	s9 =	sor.u32 $0xD0000000, s2;
	s6 =	simm.s32 $0x108;
	_ =	swait.ge @!p0 [sflag:s8], $0x0  }
0x24: {  	s3 =	sadd.s32 $0x88, s3;
	s6 =	simm.s32 @!p1 $0x1082;
	[sflag:s4] =	ssyncset.s32 $0xFFFFF086  }
0x25: {  	[simem:s6], [sflag:s4] =	dma.local [hbm:s3], $0xF7A  }
0x26: {  	[smem:$0x3F9E] =	sst s1;
	(tag) =	ssettag s2;
	_ =	strace s9  }
0x27: {  	s1 =	sld [smem:$0x3FAE]  }
0x28: {  	s2 =	sld [smem:$0x3FAF]  }
0x29: {  	s4 =	sld [smem:$0x3FB1]  }
0x2a: {  	p0 =	seq.s32 s5, $0x0;
	s5 =	sld [smem:$0x3FB2]  }
0x2b: {  	s6 =	sld [smem:$0x3FB3]  }
0x2c: {  	s7 =	sld [smem:$0x3FB4]  }
0x2d: {  	s3 =	simm.s32 $0x108;
	s8 =	sld [smem:$0x3FB5]  }
0x2e: {  	s3 =	simm.s32 @!p0 $0x1082;
	s9 =	sld [smem:$0x3FB6]  }
0x2f: {  	lr =	sadd.s32 s0, s3;
	s0 =	sld [smem:$0x3FAD]  }
0x30: {  	s3 =	sld [smem:$0x3FB0]  }
0x31: {  	[smem:$0x3FB9] =	sst s10  }
0x32: {  	s10 =	sld [smem:$0x3FB7];
	_ =	sdelay $0x3  }
0x33: {  	p0 =	seq.s32 s10, $0x1;
	s10 =	sld [smem:$0x3FB9];
	_ =	sdelay $0x3  }
0x34: {  	[smem:$0x3FB9] =	sst s10  }
0x35: {  	s10 =	sld [smem:$0x3FB8];
	_ =	sdelay $0x3  }
0x36: {  	p1 =	seq.s32 s10, $0x1;
	s10 =	sld [smem:$0x3FB9];
	_ =	sdelay $0x3  }
0x37: {  	[smem:$0x3FB9] =	sst s10  }
0x38: {  	s10 =	sld [smem:$0x3FBA]  }
0x39: {  	_ = 	snop;
	(pc) =	sbr.ind lr, $3  }
0x3a: {  	_ = 	snop  }
0x3b: {  	_ = 	snop  }
0x3c: {  	p2 =	seq.s32 s10, $0x1;
	s10 =	sld [smem:$0x3FB9]  }
0x3d: {  	_ =	shalt  }
0x3e: {  	_ =	shalt  }
0x3f: {  	_ =	shalt  }
0x40: {  	_ =	shalt  }
0x41: {  	_ =	shalt  }
0x42: {  	_ =	shalt  }
0x43: {  	_ =	shalt  }
0x44: {  	_ =	shalt  }
0x45: {  	_ =	shalt  }
0x46: {  	_ =	shalt  }
0x47: {  	_ =	shalt  }
0x48: {  	_ =	shalt  }
0x49: {  	_ =	shalt  }
0x4a: {  	_ =	shalt  }
0x4b: {  	_ =	shalt  }
0x4c: {  	_ =	shalt  }
0x4d: {  	_ =	shalt  }
0x4e: {  	_ =	shalt  }
0x4f: {  	_ =	shalt  }
0x50: {  	_ =	shalt  }
0x51: {  	_ =	shalt  }
0x52: {  	_ =	shalt  }
0x53: {  	_ =	shalt  }
0x54: {  	_ =	shalt  }
0x55: {  	_ =	shalt  }
0x56: {  	_ =	shalt  }
0x57: {  	_ =	shalt  }
0x58: {  	_ =	shalt  }
0x59: {  	_ =	shalt  }
0x5a: {  	_ =	shalt  }
0x5b: {  	_ =	shalt  }
0x5c: {  	_ =	shalt  }
0x5d: {  	_ =	shalt  }
0x5e: {  	_ =	shalt  }
0x5f: {  	_ =	shalt  }
0x60: {  	_ =	shalt  }
0x61: {  	_ =	shalt  }
0x62: {  	_ =	shalt  }
0x63: {  	_ =	shalt  }
0x64: {  	_ =	shalt  }
0x65: {  	_ =	shalt  }
0x66: {  	_ =	shalt  }
0x67: {  	_ =	shalt  }
0x68: {  	_ =	shalt  }
0x69: {  	_ =	shalt  }
0x6a: {  	_ =	shalt  }
0x6b: {  	_ =	shalt  }
0x6c: {  	_ =	shalt  }
0x6d: {  	_ =	shalt  }
0x6e: {  	_ =	shalt  }
0x6f: {  	_ =	shalt  }
0x70: {  	_ =	shalt  }
0x71: {  	_ =	shalt  }
0x72: {  	_ =	shalt  }
0x73: {  	_ =	shalt  }
0x74: {  	_ =	shalt  }
0x75: {  	_ =	shalt  }
0x76: {  	_ =	shalt  }
0x77: {  	_ =	shalt  }
0x78: {  	_ =	shalt  }
0x79: {  	_ =	shalt  }
0x7a: {  	_ =	shalt  }
0x7b: {  	_ =	shalt  }
0x7c: {  	_ =	shalt  }
0x7d: {  	_ =	shalt  }
0x7e: {  	_ =	shalt  }
0x7f: {  	_ =	shalt  }
0x80: {  	_ =	shalt  }
0x81: {  	_ =	shalt  }
0x82: {  	_ =	shalt  }
0x83: {  	_ =	shalt  }
0x84: {  	_ =	shalt  }
0x85: {  	_ =	shalt  }
0x86: {  	_ =	shalt  }
0x87: {  	_ =	shalt  }
.Lfunc_end0:
.L_simem_size_0:
called_computation_lowered:
.L_overlay_start_0:
0x88: {  	s2 =	sld [smem:$0x3FD9]  }
0x89: {  	s3 =	sld [smem:$0x3FFE];
	_ =	sdelay $0x1  }
0x8a: {  	s1 =	srdreg.scid  }
0x8b: {  	s0 =	sand.u32 $0x1, s1  }
0x8c: {  	s17 =	sshll.u32 s0, $0xA;
	s2 =	sadd.s32 s3, s2  }
0x8d: {  	s2 =	sadd.s32 s2, s17  }
0x8e: {  	[smem:$0x3FC5] =	sst s2  }
0x8f: {  	_ = 	snop  }
0x90: {  	s2 =	sld [smem:$0x3FC9]  }
0x91: {  	s18 =	sld [smem:$0x3FC8]  }
0x92: {  	s4 =	sld [smem:$0x3FC7];
	(tm) =	ssettm $0x1  }
0x93: {  	s5 =	sld [smem:$0x3FFB];
	_ =	sdelay $0x3  }
0x94: {  	_ =	strace s5  }
0x95: {  	s5 =	sld [smem:$0x3FFC];
	_ =	sdelay $0x3  }
0x96: {  	_ =	strace s5  }
0x97: {  	s5 =	sld [smem:$0x3FFD];
	_ =	sdelay $0x3  }
0x98: {  	_ =	strace s5  }
0x99: {  	_ =	strace $0x8FFFFFFF  }
0x9a: {  	s19 =	sld [smem:$0x3FDB];
	_ =	sdelay $0x1  }
0x9b: {  	s6 =	simm.s32 $_scs_section_size  }
0x9c: {  	s7 =	simm.s32 $_size__tile_overlayer_lowered;
	s8 =	simm.s32 $_tile_overlayer_lowered  }
0x9d: {  	s22 =	simm.s32 $0x1BFF;
	s21 =	sshll.u32 s8, $0x1;
	s5 =	sadd.s32 s6, s19  }
0x9e: {  	s9 =	simm.s32 $0x0;
	s20 =	sshll.u32 s7, $0x1;
	s7 =	sadd.s32 s21, s5  }
0x9f: {  	[timem:s9], [sflag:s22] =	dma.local [hbm:s7], s20  }
0xa0: {  	_ =	swait.ge [sflag:s22], s20  }
0xa1: {  	s6 =	ssub.s32 $0x0, s20;
	[sflag:s22] =	ssyncset.done $0x0  }
0xa2: {  	[sflag:s22] =	ssyncadd.s32 s6;
	_ =	sdelay $0x1  }
0xa3: {  	s23 =	simm.s32 $0x1B8B  }
0xa4: {  	_ =	swait.ge [sflag:s23], $0x1  }
0xa5: {  	[sflag:s23] =	ssyncset.done $0x0  }
0xa6: {  	s25 =	simm.s32 $0x1B8E;
	s24 =	sld [smem:$0x3FFE];
	[sflag:s23] =	ssyncadd.s32 $0xFFFFFFFF  }
0xa7: {  	s26 =	simm.s32 $execute0_lowered;
	[smem:$0x3FD2] =	sst s25  }
0xa8: {  	s7 =	sshll.u32 s26, $0x1;
	_ =	strace $0x80000046;
	[dreg:$0x1] =	wrdreg $0xFFFFFFFF  }
0xa9: {  	s28 =	simm.s32 $_size_execute0_lowered;
	s5 =	sadd.s32 s5, s7;
	[dreg:$0x0] =	wrdreg $0x0  }
0xaa: {  	s7 =	sshll.u32 s28, $0x1;
	[dreg:$0x2] =	wrdreg s5  }
0xab: {  	[dreg:$0x3] =	wrdreg s7  }
0xac: {  	[dreg:$0x4] =	wrdreg $0xC0  }
0xad: {  	_ =	task [dreg:s9], $0x5FFFF  }
0xae: {  	[dreg:$0x1] =	wrdreg $0xFFFFFFFF  }
0xaf: {  	[dreg:$0x0] =	wrdreg $0x60  }
0xb0: {  	[dreg:$0x2] =	wrdreg s2  }
0xb1: {  	[dreg:$0x3] =	wrdreg s18  }
0xb2: {  	[dreg:$0x4] =	wrdreg s4  }
0xb3: {  	[dreg:$0x5] =	wrdreg s24  }
0xb4: {  	[dreg:$0x6] =	wrdreg $0xA3000  }
0xb5: {  	[dreg:$0x7] =	wrdreg $0x9  }
0xb6: {  	_ =	task.clear_ibuf [dreg:s9], $0x8FFFF;
	_ =	strace $0x90000046  }
0xb7: {  	s29 =	simm.s32 $0x9;
	_ =	strace $0x80000048  }
0xb8: {  	_ =	swait.ge [sflag:s29], $0x1  }
0xb9: {  	[sflag:s29] =	ssyncadd.s32 $0xFFFFFFFF  }
0xba: {  	_ =	strace $0x90000048  }
0xbb: {  	_ =	sfence  }
0xbc: {  	s30 =	sld [smem:$0x0];
	_ =	sdelay $0x2  }
0xbd: {  	s31 =	sshll.u32 s1, $0xD;
	s1 =	sshrl.u32 s1, $0x2  }
0xbe: {  	s3 =	sand.u32 $0x4000, s31;
	s1 =	sadd.s32 s1, s30  }
0xbf: {  	s0 =	sor.u32 s3, s0;
	s1 =	sshll.u32 s1, $0x11  }
0xc0: {  	s0 =	sor.u32 s1, s0  }
0xc1: {  	s0 =	sadd.s32 $0x8F2B, s0  }
0xc2: {  	[sflag:s0] =	ssyncadd.remote.s32 $0x1  }
0xc3: {  	_ =	sfence.sel $0xFFFF  }
0xc4: {  	[dreg:$0x0] =	wrdreg $0xFFFFFFFF;
	(pc) =	sbr.abs _section_cstart, $3  }
0xc5: {  	[dreg:$0x1] =	wrdreg $0xFFFFFFFF  }
0xc6: {  	_ =	task.clear_ibuf [dreg:s9], $0x2FFFF;
	_ =	strace $0x9FFFFFFF  }
0xc7: {  	(tm) =	ssettm $0x7FFFFFFF  }
tec
execute0_lowered:
.L_overlay_start_1:
0x0: {  	(tag) =	ssettag $0x1  }
0x1: {  	s0 =	rddreg [dreg:$0x0]  }
0x2: {  	s1 =	rddreg [dreg:$0x1]  }
0x3: {  	s6 =	rddreg [dreg:$0x2]  }
0x4: {  	s4 =	rddreg [dreg:$0x3]  }
0x5: {  	s2 =	rddreg [dreg:$0x4];
	s3 =	simm.s32 $0x0;
	s5 =	srdreg.scid  }
0x6: {  	s16 =	stileid.u32;
	s17 =	simm.s32 $0xB;
	s28 =	simm.s32 $0x9F00  }
0x7: {  	s29 =	simm.s32 $0x2;
	s30 =	simm.s32 $0x9F80;
	s31 =	simm.s32 $0x3  }
0x8: {  	[smem:$0x7FF] =	sst s3;
	s5 =	sand.u32 $0x1, s5;
	s8 =	smul.u32 $0x4E000, s16  }
0x9: {  	s7 =	sshll.u32 s16, $0x1;
	s4 =	sadd.s32 $0x400, s4;
	s10 =	smul.u32 $0x2700, s16  }
0xa: {  	s21 =	sshll.u32 s16, $0x6;
	s15 =	sadd.s32 $0x138000, s2;
	p0 =	sne.s32 s16, $0xF  }
0xb: {  	_ =	strace $0x80000047;
	s7 =	sor.u32 s5, s7;
	s9 =	ssub.s32 $0x2, s5  }
0xc: {  	s5 =	smul.u32 $0x2710, s7;
	s20 =	sshrl.u32 s9, $0x1;
	s8 =	sshrl.u32 s8, $0x2  }
0xd: {  	s10 =	sadd.s32 s0, s10;
	s7 =	sor.u32 $0x1C0B, s21;
	s0 =	sadd.s32 $0x27000, s0  }
0xe: {  	s21 =	simm.s32 $0xA080;
	s9 =	ssub.s32 s9, s20;
	[dreg:$0x6] =	wrdreg s10  }
0xf: {  	s8 =	sadd.s32 s8, s2;
	[dreg:$0x7] =	wrdreg s0;
	s0 =	sshrl.u32 @!p0 s15, $0x3  }
0x10: {  	s20 =	simm.s32 $0x10;
	s15 =	simm.s32 $0x0;
	s22 =	sshrl.u32 s5, $0x3  }
0x11: {  	s11 =	sadd.s32 $0x10, s5;
	s12 =	sadd.s32 $0x20, s5;
	s13 =	sadd.s32 $0x30, s5  }
0x12: {  	s14 =	sadd.s32 $0x40, s5;
	s25 =	smax.u32 s9, $0x1;
	s26 =	sshrl.u32 s8, $0x3  }
.Ltmp0:
0x13: {  	[dreg:$0xc] =	wrdreg s0;
	s0 =	simm.s32 $0xA000;
	(pc) =	sbr.rel .LBB2_1-.Ltmp0, $4  }
0x14: {  	s23 =	sadd.s32 s1, s22;
	s24 =	sadd.s32 s6, s22;
	[dreg:$0xa] =	wrdreg s25  }
0x15: {  	[dreg:$0xb] =	wrdreg s26;
	s25 =	simm.s32 $0x9700;
	s26 =	simm.s32 $0x1  }
0x16: {  	s1 =	simm.s32 $0x4;
	s22 =	simm.s32 $0x5;
	[dreg:$0x8] =	wrdreg s23  }
0x17: {  	v0 =	vlaneseq.u32;
	[dreg:$0x9] =	wrdreg s24;
	s23 =	simm.s32 $0x6F00;
	s24 =	simm.s32 $0xA100  }
.LBB2_14:
0x18: {  	s6 =	simm.s32 $0x6  }
0x19: {  	_ =	swait.ge [sflag:s6], $0x10  }
0x1a: {  	[sflag:s6] =	ssyncset.done $0x0  }
0x1b: {  	s10 =	simm.s32 $0x7;
	[sflag:s6] =	ssyncadd.s32 $0xFFFFFFF0  }
0x1c: {  	_ =	swait.ge [sflag:s10], $0x10  }
0x1d: {  	[sflag:s10] =	ssyncset.done $0x0  }
0x1e: {  	s16 =	simm.s32 $0x8;
	[sflag:s10] =	ssyncadd.s32 $0xFFFFFFF0  }
0x1f: {  	_ =	swait.ge [sflag:s16], $0x10  }
0x20: {  	[sflag:s16] =	ssyncset.done $0x0  }
0x21: {  	s18 =	simm.s32 $0x9;
	[sflag:s16] =	ssyncadd.s32 $0xFFFFFFF0  }
0x22: {  	_ =	swait.ge [sflag:s18], $0x10  }
0x23: {  	[sflag:s18] =	ssyncset.done $0x0  }
0x24: {  	s8 =	simm.s32 $0xA;
	[sflag:s18] =	ssyncadd.s32 $0xFFFFFFF0  }
0x25: {  	_ =	swait.ge [sflag:s8], $0x10  }
0x26: {  	s15 =	sadd.s32 $0x1, s15;
	s19 =	rddreg [dreg:$0xa]  }
0x27: {  	p1 =	sne.s32 s15, s19  }
.Ltmp1:
0x28: {  	_ = 	snop;
	(pc) =	sbr.rel @!p1 .LBB2_15-.Ltmp1, $3  }
0x29: {  	_ =	sdelay $0x1  }
0x2a: {  	[sflag:s8] =	ssyncset.done $0x0  }
0x2b: {  	[sflag:s8] =	ssyncadd.s32 $0xFFFFFFF0  }
.LBB2_1:
0x2c: {  	s6 =	rddreg [dreg:$0x6]  }
0x2d: {  	s8 =	rddreg [dreg:$0xb]  }
0x2e: {  	[spmem:s8], [sflag:s7] =	dma.local [hbm:s6], $0x2700  }
0x2f: {  	_ =	swait.ge [sflag:s17], $0x2700  }
0x30: {  	[sflag:s17] =	ssyncset.done $0x0;
	s6 =	rddreg [dreg:$0x7]  }
0x31: {  	s8 =	rddreg [dreg:$0xc];
	[sflag:s17] =	ssyncadd.s32 $0xFFFFD900  }
0x32: {  	[spmem:s8], [sflag:s7] =	dma.local @!p0 [hbm:s6], $0x100  }
0x33: {  	s6 =	simm.s32 @!p0 $0xB  }
0x34: {  	_ =	swait.ge @!p0 [sflag:s6], $0x100  }
0x35: {  	[sflag:s6] =	ssyncset.done @!p0 $0x0  }
0x36: {  	s8 =	rddreg [dreg:$0x8];
	[sflag:s6] =	ssyncadd.s32 @!p0 $0xFFFFFF00  }
0x37: {  	[tilespmem:s3], [sflag:$0xB] =	stream.linear.gather [hbm4b:s8+s3], $0x2710, $0x38;
	[tilespmem:$0x1DB80] =	vst v63  }
0x38: {  	_ =	swait.ge [sflag:s17], $0x2710  }
0x39: {  	[sflag:s17] =	ssyncset.done $0x0  }
0x3a: {  	s10 =	simm.s32 $0x2780;
	s9 =	rddreg [dreg:$0x9];
	[sflag:s17] =	ssyncadd.s32 $0xFFFFD8F0  }
0x3b: {  	[tilespmem:s10], [sflag:$0xB] =	stream.linear.gather [hbm4b:s9+s3], $0x2710, $0x38;
	[tilespmem:$0x1DB80] =	vst v63  }
0x3c: {  	_ =	swait.ge [sflag:s17], $0x2710  }
0x3d: {  	[sflag:s17] =	ssyncset.done $0x0  }
0x3e: {  	[sflag:s17] =	ssyncadd.s32 $0xFFFFD8F0  }
0x3f: {  	s16 =	simm.s32 $0x4F00;
	[bflag:$0x0] =	sbarrier.arrive $0xFFFF  }
0x40: {  	[tilespmem:s16], [sflag:$0x1] =	stream.indirect.gather [spmem:s2], $0x80, s3, s20, $0xb8;
	[tilespmem:$0x1DB80] =	vst v63  }
0x41: {  	s18 =	simm.s32 $0x7700  }
0x42: {  	[tilespmem:s18], [sflag:$0x1] =	stream.indirect.gather [spmem:s2], $0x80, s10, s20, $0xb8;
	[tilespmem:$0x1DB80] =	vst v63  }
0x43: {  	s19 =	simm.s32 $0x5700  }
0x44: {  	[tilespmem:s19], [sflag:$0x2] =	stream.indirect.gather [spmem:s2], $0x80, s20, s20, $0xb8;
	[tilespmem:$0x1DB80] =	vst v63  }
0x45: {  	s8 =	simm.s32 $0x2790;
	s9 =	simm.s32 $0x7F00  }
0x46: {  	[tilespmem:s9], [sflag:$0x2] =	stream.indirect.gather [spmem:s2], $0x80, s8, s20, $0xb8;
	[tilespmem:$0x1DB80] =	vst v63  }
0x47: {  	s16 =	simm.s32 $0x5F00;
	s10 =	simm.s32 $0x20  }
0x48: {  	[tilespmem:s16], [sflag:$0x3] =	stream.indirect.gather [spmem:s2], $0x80, s10, s20, $0xb8;
	[tilespmem:$0x1DB80] =	vst v63  }
0x49: {  	s18 =	simm.s32 $0x27A0;
	s19 =	simm.s32 $0x8700  }
0x4a: {  	[tilespmem:s19], [sflag:$0x3] =	stream.indirect.gather [spmem:s2], $0x80, s18, s20, $0xb8;
	[tilespmem:$0x1DB80] =	vst v63  }
0x4b: {  	s8 =	simm.s32 $0x30;
	s9 =	simm.s32 $0x6700  }
0x4c: {  	[tilespmem:s9], [sflag:$0x4] =	stream.indirect.gather [spmem:s2], $0x80, s8, s20, $0xb8;
	[tilespmem:$0x1DB80] =	vst v63  }
0x4d: {  	s10 =	simm.s32 $0x27B0;
	s16 =	simm.s32 $0x8F00  }
0x4e: {  	[tilespmem:s16], [sflag:$0x4] =	stream.indirect.gather [spmem:s2], $0x80, s10, s20, $0xb8;
	[tilespmem:$0x1DB80] =	vst v63  }
0x4f: {  	s18 =	simm.s32 $0x40  }
0x50: {  	[tilespmem:s23], [sflag:$0x5] =	stream.indirect.gather [spmem:s2], $0x80, s18, s20, $0xb8;
	[tilespmem:$0x1DB80] =	vst v63  }
0x51: {  	s19 =	simm.s32 $0x27C0;
	s16 =	simm.s32 $0x0  }
0x52: {  	[tilespmem:s25], [sflag:$0x5] =	stream.indirect.gather [spmem:s2], $0x80, s19, s20, $0xb8;
	[tilespmem:$0x1DB80] =	vst v63  }
.LBB2_2:
0x53: {  	_ =	swait.ge [sflag:s26], $0x800  }
0x54: {  	[sflag:s26] =	ssyncset.done $0x0  }
0x55: {  	[sflag:s26] =	ssyncadd.s32 $0xFFFFF800  }
0x56: {  	_ =	swait.ge [sflag:s26], $0x800  }
0x57: {  	p1 =	seq.s32 s16, $0x0;
	[sflag:s26] =	ssyncset.done $0x0  }
0x58: {  	s6 =	simm.s32 @!p1 $0x6;
	[sflag:s26] =	ssyncadd.s32 $0xFFFFF800  }
0x59: {  	_ =	swait.ge @!p1 [sflag:s6], $0x10  }
0x5a: {  	[sflag:s6] =	ssyncset.done @!p1 $0x0  }
0x5b: {  	s19 =	simm.s32 $0x4F80;
	[sflag:s6] =	ssyncadd.s32 @!p1 $0xFFFFFFF0  }
0x5c: {  	s18 =	simm.s32 $0x7780;
	v2 =	vld [tilespmem:s19+$0x60]  }
0x5d: {  	v8 =	vld [tilespmem:s18+$0x60]  }
0x5e: {  	v13 =	vld [tilespmem:s19+$0x70]  }
0x5f: {  	v27 =	vld [tilespmem:s18+$0x70]  }
0x60: {  	v1 =	vld [tilespmem:s19+$0xFFFFFFE0]  }
0x61: {  	v3 =	vld [tilespmem:s18+$0xFFFFFFE0]  }
0x62: {  	v22 =	vld [tilespmem:s19+$0x40]  }
0x63: {  	v28 =	vld [tilespmem:s18+$0x40]  }
0x64: {  	v6 =	vld [tilespmem:s19+$0x50]  }
0x65: {  	v7 =	vld [tilespmem:s18+$0x50]  }
0x66: {  	v4 =	vld [tilespmem:s19+$0xFFFFFFC0]  }
0x67: {  	v5 =	vld [tilespmem:s18+$0xFFFFFFC0]  }
0x68: {  	v9 =	vld [tilespmem:s19+$0x0]  }
0x69: {  	v10 =	vld [tilespmem:s18+$0x0]  }
0x6a: {  	v11 =	vld [tilespmem:s19+$0x10]  }
0x6b: {  	v14 =	vld [tilespmem:s18+$0x10]  }
0x6c: {  	v12 =	vld [tilespmem:s19+$0x20]  }
0x6d: {  	v15 =	vld [tilespmem:s18+$0x20]  }
0x6e: {  	v16 =	vld [tilespmem:s19+$0x30]  }
0x6f: {  	v17 =	vld [tilespmem:s18+$0x30]  }
0x70: {  	v18 =	vld [tilespmem:s19+$0xFFFFFF80]  }
0x71: {  	v19 =	vld [tilespmem:s18+$0xFFFFFF80]  }
0x72: {  	v20 =	vld [tilespmem:s19+$0xFFFFFF90]  }
0x73: {  	v23 =	vld [tilespmem:s18+$0xFFFFFF90]  }
0x74: {  	v21 =	vld [tilespmem:s19+$0xFFFFFFA0]  }
0x75: {  	v24 =	vld [tilespmem:s18+$0xFFFFFFA0]  }
0x76: {  	v25 =	vld [tilespmem:s19+$0xFFFFFFB0];
	v8 =	vmul.f32 v8, v2  }
0x77: {  	s8 =	simm.s32 $0x2;
	s6 =	simm.s32 $0x0;
	v26 =	vld [tilespmem:s18+$0xFFFFFFB0];
	v2 =	vimm.f32 $0.0e+00;
	v22 =	vmul.f32 v28, v22;
	v13 =	vmul.f32 v27, v13  }
.LBB2_3:
0x78: {  	p2 =	slt.u32 s8, $0xE;
	v27 =	vld [tilespmem:s19+$0xFFFFFFD0];
	v9 =	vmul.f32 v10, v9;
	v10 =	vmul.f32 v14, v11  }
0x79: {  	v12 =	vmul.f32 v15, v12;
	v14 =	vmul.f32 v17, v16;
	v11 =	vld [tilespmem:s18+$0xFFFFFFD0]  }
0x7a: {  	v15 =	vmul.f32 v19, v18;
	v6 =	vmul.f32 v7, v6;
	v16 =	vld [tilespmem:s19+$0xFFFFFFF0]  }
0x7b: {  	v7 =	vmul.f32 v23, v20;
	v9 =	vadd.f32 v12, v9;
	v10 =	vadd.f32 v14, v10;
	s19 =	sadd.s32 $0x100, s19;
	v17 =	vld [tilespmem:s18+$0xFFFFFFF0]  }
0x7c: {  	v12 =	vmul.f32 v24, v21;
	s18 =	sadd.s32 $0x100, s18;
	v28 =	vld [tilespmem:s19+$0x60];
	v14 =	vmul.f32 v26, v25  }
0x7d: {  	v4 =	vmul.f32 v5, v4;
	v5 =	vadd.f32 v22, v9;
	v6 =	vadd.f32 v6, v10;
	v26 =	vld [tilespmem:s18+$0x60]  }
0x7e: {  	v9 =	vadd.f32 v12, v15;
	v29 =	vld [tilespmem:s19+$0x70];
	v7 =	vadd.f32 v14, v7;
	v10 =	vmul.f32 v11, v27  }
0x7f: {  	v11 =	vmul.f32 v3, v1;
	v5 =	vadd.f32 v8, v5;
	v6 =	vadd.f32 v13, v6;
	v27 =	vld [tilespmem:s18+$0x70]  }
0x80: {  	v4 =	vadd.f32 v4, v9;
	v1 =	vld [tilespmem:s19+$0xFFFFFFE0];
	v7 =	vadd.f32 v10, v7;
	v8 =	vmul.f32 v17, v16  }
0x81: {  	v5 =	vadd.f32 v6, v5;
	v3 =	vld [tilespmem:s18+$0xFFFFFFE0]  }
0x82: {  	v4 =	vadd.f32 v11, v4;
	v13 =	vld [tilespmem:s19+$0x40];
	v7 =	vadd.f32 v8, v7  }
0x83: {  	v22 =	vld [tilespmem:s18+$0x40];
	(xrf2) =	vadd.scan.msk.f32 $0xffff, v5  }
0x84: {  	v6 =	vld [tilespmem:s19+$0x50];
	v5 =	vadd.f32 v7, v4  }
0x85: {  	v7 =	vld [tilespmem:s18+$0x50]  }
0x86: {  	v4 =	vld [tilespmem:s19+$0xFFFFFFC0];
	(xrf2) =	vadd.scan.msk.f32 $0xffff, v5  }
0x87: {  	v5 =	vld [tilespmem:s18+$0xFFFFFFC0]  }
0x88: {  	v9 =	vld [tilespmem:s19+$0x0]  }
0x89: {  	v10 =	vld [tilespmem:s18+$0x0]  }
0x8a: {  	v11 =	vld [tilespmem:s19+$0x10]  }
0x8b: {  	v14 =	vld [tilespmem:s18+$0x10]  }
0x8c: {  	v12 =	vld [tilespmem:s19+$0x20]  }
0x8d: {  	v15 =	vld [tilespmem:s18+$0x20];
	v8, _, _ =	vpop (xrf2)  }
0x8e: {  	v16 =	vld [tilespmem:s19+$0x30]  }
0x8f: {  	v17 =	vld [tilespmem:s18+$0x30]  }
0x90: {  	v18 =	vld [tilespmem:s19+$0xFFFFFF80];
	v20, _, _ =	vpop (xrf2)  }
0x91: {  	s9 =	sadd.s32 $0x1, s6;
	v21 =	vmov s6;
	s6 =	smov.u32 s8;
	v19 =	vld [tilespmem:s18+$0xFFFFFF80];
	v24 =	vbroadcast v20, $0xF  }
0x92: {  	vm0 =	veq.s32 v21, v0;
	v21 =	vmov s9;
	v8 =	vbroadcast v8, $0xF;
	v20 =	vld [tilespmem:s19+$0xFFFFFF90]  }
.Ltmp2:
0x93: {  	v23 =	vld [tilespmem:s18+$0xFFFFFF90];
	v2 =	vsel vm0, v24, v2;
	vm0 =	veq.s32 v21, v0;
	(pc) =	sbr.rel @p2 .LBB2_3-.Ltmp2, $4  }
0x94: {  	v21 =	vld [tilespmem:s19+$0xFFFFFFA0];
	v2 =	vsel vm0, v8, v2  }
0x95: {  	v24 =	vld [tilespmem:s18+$0xFFFFFFA0]  }
0x96: {  	v8 =	vmul.f32 v26, v28;
	v25 =	vld [tilespmem:s19+$0xFFFFFFB0]  }
0x97: {  	s8 =	sadd.s32 $0x2, s8;
	v22 =	vmul.f32 v22, v13;
	v13 =	vmul.f32 v27, v29;
	v26 =	vld [tilespmem:s18+$0xFFFFFFB0]  }
0x98: {  	v27 =	vld [tilespmem:s19+$0xFFFFFFD0];
	v9 =	vmul.f32 v10, v9  }
0x99: {  	v10 =	vmul.f32 v14, v11;
	v11 =	vld [tilespmem:s18+$0xFFFFFFD0];
	v12 =	vmul.f32 v15, v12  }
0x9a: {  	v14 =	vmul.f32 v17, v16;
	v15 =	vmul.f32 v19, v18;
	v16 =	vld [tilespmem:s19+$0xFFFFFFF0]  }
0x9b: {  	v6 =	vmul.f32 v7, v6;
	v7 =	vmul.f32 v23, v20;
	v17 =	vld [tilespmem:s18+$0xFFFFFFF0]  }
0x9c: {  	v18 =	vmul.f32 v24, v21;
	v19 =	vmul.f32 v26, v25  }
0x9d: {  	v4 =	vmul.f32 v5, v4;
	v9 =	vadd.f32 v12, v9;
	v10 =	vadd.f32 v14, v10  }
0x9e: {  	v5 =	vadd.f32 v18, v15;
	v11 =	vmul.f32 v11, v27;
	v7 =	vadd.f32 v19, v7  }
0x9f: {  	v1 =	vmul.f32 v3, v1;
	v9 =	vadd.f32 v22, v9;
	v6 =	vadd.f32 v6, v10  }
0xa0: {  	v3 =	vadd.f32 v4, v5;
	v5 =	vmul.f32 v17, v16;
	v4 =	vadd.f32 v11, v7  }
0xa1: {  	v6 =	vadd.f32 v13, v6;
	v7 =	vadd.f32 v8, v9  }
0xa2: {  	v1 =	vadd.f32 v1, v3;
	v3 =	vadd.f32 v5, v4  }
0xa3: {  	v4 =	vadd.f32 v6, v7  }
0xa4: {  	v1 =	vadd.f32 v3, v1  }
0xa5: {  	(xrf2) =	vadd.scan.msk.f32 $0xffff, v4  }
0xa6: {  	(xrf2) =	vadd.scan.msk.f32 $0xffff, v1;
	_ =	sdelay $0x8  }
0xa7: {  	v1, _, _ =	vpop (xrf2)  }
0xa8: {  	v3, _, _ =	vpop (xrf2)  }
0xa9: {  	s10 =	sadd.s32 $0x1, s6;
	s18 =	smul.u32 $0x50, s16;
	v4 =	vmov s6;
	v3 =	vbroadcast v3, $0xF  }
0xaa: {  	vm0 =	veq.s32 v4, v0;
	v4 =	vmov s10;
	v1 =	vbroadcast v1, $0xF  }
0xab: {  	s19 =	sadd.s32 s5, s18;
	vm15 =	veq.s32 v4, v0;
	v2 =	vsel vm0, v3, v2  }
0xac: {  	s6 =	sshrl.u32 s19, $0x3;
	v1 =	vsel vm15, v1, v2  }
0xad: {  	p2 =	seq.s32 s16, $0x7C;
	s6 =	sadd.s32 s4, s6;
	[tilespmem:$0x9F00] =	vst v1  }
0xae: {  	[hbm4b:s6+s3] =	stream.linear.scatter [tilespmem:s28], [sflag:$0x6], $0x10, $0x38;
	[tilespmem:$0x1DB80] =	vst v63  }
0xaf: {  	s8 =	simm.s32 @!p2 $0x10;
	s9 =	simm.s32 @!p2 $0x4F00;
	s6 =	sadd.s32 @!p2 $0x50, s18  }
0xb0: {  	[tilespmem:s9], [sflag:$0x1] =	stream.indirect.gather @!p2 [spmem:s2], $0x80, s6, s8, $0xb8;
	[tilespmem:$0x1DB80] =	vst v63  }
0xb1: {  	s6 =	sadd.s32 @!p2 $0x27D0, s18;
	s9 =	simm.s32 @!p2 $0x7700  }
0xb2: {  	[tilespmem:s9], [sflag:$0x1] =	stream.indirect.gather @!p2 [spmem:s2], $0x80, s6, s8, $0xb8;
	[tilespmem:$0x1DB80] =	vst v63  }
0xb3: {  	_ =	swait.ge [sflag:s29], $0x800  }
0xb4: {  	[sflag:s29] =	ssyncset.done $0x0  }
0xb5: {  	[sflag:s29] =	ssyncadd.s32 $0xFFFFF800  }
0xb6: {  	_ =	swait.ge [sflag:s29], $0x800  }
0xb7: {  	[sflag:s29] =	ssyncset.done $0x0  }
0xb8: {  	s6 =	simm.s32 @!p1 $0x7;
	[sflag:s29] =	ssyncadd.s32 $0xFFFFF800  }
0xb9: {  	_ =	swait.ge @!p1 [sflag:s6], $0x10  }
0xba: {  	[sflag:s6] =	ssyncset.done @!p1 $0x0  }
0xbb: {  	[sflag:s6] =	ssyncadd.s32 @!p1 $0xFFFFFFF0;
	s6 =	simm.s32 $0x57F0  }
0xbc: {  	s19 =	simm.s32 $0x7FF0;
	v2 =	vld [tilespmem:s6+$0xFFFFFFF0]  }
0xbd: {  	v8 =	vld [tilespmem:s19+$0xFFFFFFF0]  }
0xbe: {  	v13 =	vld [tilespmem:s6+$0x0]  }
0xbf: {  	v27 =	vld [tilespmem:s19+$0x0]  }
0xc0: {  	v1 =	vld [tilespmem:s6+$0xFFFFFF70]  }
0xc1: {  	v3 =	vld [tilespmem:s19+$0xFFFFFF70]  }
0xc2: {  	v22 =	vld [tilespmem:s6+$0xFFFFFFD0]  }
0xc3: {  	v28 =	vld [tilespmem:s19+$0xFFFFFFD0]  }
0xc4: {  	v6 =	vld [tilespmem:s6+$0xFFFFFFE0]  }
0xc5: {  	v7 =	vld [tilespmem:s19+$0xFFFFFFE0]  }
0xc6: {  	v4 =	vld [tilespmem:s6+$0xFFFFFF50]  }
0xc7: {  	v5 =	vld [tilespmem:s19+$0xFFFFFF50]  }
0xc8: {  	v9 =	vld [tilespmem:s6+$0xFFFFFF90]  }
0xc9: {  	v10 =	vld [tilespmem:s19+$0xFFFFFF90]  }
0xca: {  	v11 =	vld [tilespmem:s6+$0xFFFFFFA0]  }
0xcb: {  	v14 =	vld [tilespmem:s19+$0xFFFFFFA0]  }
0xcc: {  	v12 =	vld [tilespmem:s6+$0xFFFFFFB0]  }
0xcd: {  	v15 =	vld [tilespmem:s19+$0xFFFFFFB0]  }
0xce: {  	v16 =	vld [tilespmem:s6+$0xFFFFFFC0]  }
0xcf: {  	v17 =	vld [tilespmem:s19+$0xFFFFFFC0]  }
0xd0: {  	v18 =	vld [tilespmem:s6+$0xFFFFFF10]  }
0xd1: {  	v19 =	vld [tilespmem:s19+$0xFFFFFF10]  }
0xd2: {  	v20 =	vld [tilespmem:s6+$0xFFFFFF20]  }
0xd3: {  	v23 =	vld [tilespmem:s19+$0xFFFFFF20]  }
0xd4: {  	v21 =	vld [tilespmem:s6+$0xFFFFFF30]  }
0xd5: {  	v24 =	vld [tilespmem:s19+$0xFFFFFF30]  }
0xd6: {  	v25 =	vld [tilespmem:s6+$0xFFFFFF40];
	v8 =	vmul.f32 v8, v2  }
0xd7: {  	s8 =	simm.s32 $0x0;
	s9 =	simm.s32 $0x2;
	v26 =	vld [tilespmem:s19+$0xFFFFFF40];
	v2 =	vimm.f32 $0.0e+00;
	v22 =	vmul.f32 v28, v22;
	v13 =	vmul.f32 v27, v13  }
.LBB2_5:
0xd8: {  	p3 =	slt.u32 s9, $0xE;
	v27 =	vld [tilespmem:s6+$0xFFFFFF60];
	v9 =	vmul.f32 v10, v9;
	v10 =	vmul.f32 v14, v11  }
0xd9: {  	v12 =	vmul.f32 v15, v12;
	v14 =	vmul.f32 v17, v16;
	v11 =	vld [tilespmem:s19+$0xFFFFFF60]  }
0xda: {  	v15 =	vmul.f32 v19, v18;
	v6 =	vmul.f32 v7, v6;
	v16 =	vld [tilespmem:s6+$0xFFFFFF80]  }
0xdb: {  	v7 =	vmul.f32 v23, v20;
	v9 =	vadd.f32 v12, v9;
	v10 =	vadd.f32 v14, v10;
	s6 =	sadd.s32 $0x100, s6;
	v17 =	vld [tilespmem:s19+$0xFFFFFF80]  }
0xdc: {  	v12 =	vmul.f32 v24, v21;
	s19 =	sadd.s32 $0x100, s19;
	v28 =	vld [tilespmem:s6+$0xFFFFFFF0];
	v14 =	vmul.f32 v26, v25  }
0xdd: {  	v4 =	vmul.f32 v5, v4;
	v5 =	vadd.f32 v22, v9;
	v6 =	vadd.f32 v6, v10;
	v26 =	vld [tilespmem:s19+$0xFFFFFFF0]  }
0xde: {  	v9 =	vadd.f32 v12, v15;
	v29 =	vld [tilespmem:s6+$0x0];
	v7 =	vadd.f32 v14, v7;
	v10 =	vmul.f32 v11, v27  }
0xdf: {  	v11 =	vmul.f32 v3, v1;
	v5 =	vadd.f32 v8, v5;
	v6 =	vadd.f32 v13, v6;
	v27 =	vld [tilespmem:s19+$0x0]  }
0xe0: {  	v4 =	vadd.f32 v4, v9;
	v1 =	vld [tilespmem:s6+$0xFFFFFF70];
	v7 =	vadd.f32 v10, v7;
	v8 =	vmul.f32 v17, v16  }
0xe1: {  	v5 =	vadd.f32 v6, v5;
	v3 =	vld [tilespmem:s19+$0xFFFFFF70]  }
0xe2: {  	v4 =	vadd.f32 v11, v4;
	v13 =	vld [tilespmem:s6+$0xFFFFFFD0];
	v7 =	vadd.f32 v8, v7  }
0xe3: {  	v22 =	vld [tilespmem:s19+$0xFFFFFFD0];
	(xrf2) =	vadd.scan.msk.f32 $0xffff, v5  }
0xe4: {  	v6 =	vld [tilespmem:s6+$0xFFFFFFE0];
	v5 =	vadd.f32 v7, v4  }
0xe5: {  	v7 =	vld [tilespmem:s19+$0xFFFFFFE0]  }
0xe6: {  	v4 =	vld [tilespmem:s6+$0xFFFFFF50];
	(xrf2) =	vadd.scan.msk.f32 $0xffff, v5  }
0xe7: {  	v5 =	vld [tilespmem:s19+$0xFFFFFF50]  }
0xe8: {  	v9 =	vld [tilespmem:s6+$0xFFFFFF90]  }
0xe9: {  	v10 =	vld [tilespmem:s19+$0xFFFFFF90]  }
0xea: {  	v11 =	vld [tilespmem:s6+$0xFFFFFFA0]  }
0xeb: {  	v14 =	vld [tilespmem:s19+$0xFFFFFFA0]  }
0xec: {  	v12 =	vld [tilespmem:s6+$0xFFFFFFB0]  }
0xed: {  	v15 =	vld [tilespmem:s19+$0xFFFFFFB0];
	v8, _, _ =	vpop (xrf2)  }
0xee: {  	v16 =	vld [tilespmem:s6+$0xFFFFFFC0]  }
0xef: {  	v17 =	vld [tilespmem:s19+$0xFFFFFFC0]  }
0xf0: {  	v18 =	vld [tilespmem:s6+$0xFFFFFF10];
	v20, _, _ =	vpop (xrf2)  }
0xf1: {  	s10 =	sadd.s32 $0x1, s8;
	v21 =	vmov s8;
	s8 =	smov.u32 s9;
	v19 =	vld [tilespmem:s19+$0xFFFFFF10];
	v24 =	vbroadcast v20, $0xF  }
0xf2: {  	vm0 =	veq.s32 v21, v0;
	v21 =	vmov s10;
	v8 =	vbroadcast v8, $0xF;
	v20 =	vld [tilespmem:s6+$0xFFFFFF20]  }
.Ltmp3:
0xf3: {  	v23 =	vld [tilespmem:s19+$0xFFFFFF20];
	v2 =	vsel vm0, v24, v2;
	vm0 =	veq.s32 v21, v0;
	(pc) =	sbr.rel @p3 .LBB2_5-.Ltmp3, $4  }
0xf4: {  	v21 =	vld [tilespmem:s6+$0xFFFFFF30];
	v2 =	vsel vm0, v8, v2  }
0xf5: {  	v24 =	vld [tilespmem:s19+$0xFFFFFF30]  }
0xf6: {  	v8 =	vmul.f32 v26, v28;
	v25 =	vld [tilespmem:s6+$0xFFFFFF40]  }
0xf7: {  	s9 =	sadd.s32 $0x2, s9;
	v22 =	vmul.f32 v22, v13;
	v13 =	vmul.f32 v27, v29;
	v26 =	vld [tilespmem:s19+$0xFFFFFF40]  }
0xf8: {  	v27 =	vld [tilespmem:s6+$0xFFFFFF60];
	v9 =	vmul.f32 v10, v9  }
0xf9: {  	v10 =	vmul.f32 v14, v11;
	v11 =	vld [tilespmem:s19+$0xFFFFFF60];
	v12 =	vmul.f32 v15, v12  }
0xfa: {  	v14 =	vmul.f32 v17, v16;
	v15 =	vmul.f32 v19, v18;
	v16 =	vld [tilespmem:s6+$0xFFFFFF80]  }
0xfb: {  	v6 =	vmul.f32 v7, v6;
	v7 =	vmul.f32 v23, v20;
	v17 =	vld [tilespmem:s19+$0xFFFFFF80]  }
0xfc: {  	v18 =	vmul.f32 v24, v21;
	v19 =	vmul.f32 v26, v25  }
0xfd: {  	v4 =	vmul.f32 v5, v4;
	v9 =	vadd.f32 v12, v9;
	v10 =	vadd.f32 v14, v10  }
0xfe: {  	v5 =	vadd.f32 v18, v15;
	v11 =	vmul.f32 v11, v27;
	v7 =	vadd.f32 v19, v7  }
0xff: {  	v1 =	vmul.f32 v3, v1;
	v9 =	vadd.f32 v22, v9;
	v6 =	vadd.f32 v6, v10  }
0x100: {  	v3 =	vadd.f32 v4, v5;
	v5 =	vmul.f32 v17, v16;
	v4 =	vadd.f32 v11, v7  }
0x101: {  	v6 =	vadd.f32 v13, v6;
	v7 =	vadd.f32 v8, v9  }
0x102: {  	v1 =	vadd.f32 v1, v3;
	v3 =	vadd.f32 v5, v4  }
0x103: {  	v4 =	vadd.f32 v6, v7  }
0x104: {  	v1 =	vadd.f32 v3, v1  }
0x105: {  	(xrf2) =	vadd.scan.msk.f32 $0xffff, v4  }
0x106: {  	(xrf2) =	vadd.scan.msk.f32 $0xffff, v1;
	_ =	sdelay $0x8  }
0x107: {  	v1, _, _ =	vpop (xrf2)  }
0x108: {  	v3, _, _ =	vpop (xrf2)  }
0x109: {  	s10 =	sadd.s32 $0x1, s8;
	v4 =	vmov s8;
	v3 =	vbroadcast v3, $0xF  }
0x10a: {  	vm0 =	veq.s32 v4, v0;
	v4 =	vmov s10;
	v1 =	vbroadcast v1, $0xF  }
0x10b: {  	s19 =	sadd.s32 s18, s11;
	vm15 =	veq.s32 v4, v0;
	v2 =	vsel vm0, v3, v2  }
0x10c: {  	s6 =	sshrl.u32 s19, $0x3;
	v1 =	vsel vm15, v1, v2  }
0x10d: {  	s6 =	sadd.s32 s4, s6;
	[tilespmem:$0x9F80] =	vst v1  }
0x10e: {  	[hbm4b:s6+s3] =	stream.linear.scatter [tilespmem:s30], [sflag:$0x7], $0x10, $0x38;
	[tilespmem:$0x1DB80] =	vst v63  }
0x10f: {  	s9 =	simm.s32 @!p2 $0x5700;
	s8 =	simm.s32 @!p2 $0x10;
	s6 =	sadd.s32 @!p2 $0x60, s18  }
0x110: {  	[tilespmem:s9], [sflag:$0x2] =	stream.indirect.gather @!p2 [spmem:s2], $0x80, s6, s8, $0xb8;
	[tilespmem:$0x1DB80] =	vst v63  }
0x111: {  	s6 =	sadd.s32 @!p2 $0x27E0, s18;
	s9 =	simm.s32 @!p2 $0x7F00  }
0x112: {  	[tilespmem:s9], [sflag:$0x2] =	stream.indirect.gather @!p2 [spmem:s2], $0x80, s6, s8, $0xb8;
	[tilespmem:$0x1DB80] =	vst v63  }
0x113: {  	_ =	swait.ge [sflag:s31], $0x800  }
0x114: {  	[sflag:s31] =	ssyncset.done $0x0  }
0x115: {  	[sflag:s31] =	ssyncadd.s32 $0xFFFFF800  }
0x116: {  	_ =	swait.ge [sflag:s31], $0x800  }
0x117: {  	[sflag:s31] =	ssyncset.done $0x0  }
0x118: {  	s6 =	simm.s32 @!p1 $0x8;
	[sflag:s31] =	ssyncadd.s32 $0xFFFFF800  }
0x119: {  	_ =	swait.ge @!p1 [sflag:s6], $0x10  }
0x11a: {  	[sflag:s6] =	ssyncset.done @!p1 $0x0  }
0x11b: {  	[sflag:s6] =	ssyncadd.s32 @!p1 $0xFFFFFFF0;
	s6 =	simm.s32 $0x5FF0  }
0x11c: {  	s19 =	simm.s32 $0x87F0;
	v2 =	vld [tilespmem:s6+$0xFFFFFFF0]  }
0x11d: {  	v8 =	vld [tilespmem:s19+$0xFFFFFFF0]  }
0x11e: {  	v13 =	vld [tilespmem:s6+$0x0]  }
0x11f: {  	v27 =	vld [tilespmem:s19+$0x0]  }
0x120: {  	v1 =	vld [tilespmem:s6+$0xFFFFFF70]  }
0x121: {  	v3 =	vld [tilespmem:s19+$0xFFFFFF70]  }
0x122: {  	v22 =	vld [tilespmem:s6+$0xFFFFFFD0]  }
0x123: {  	v28 =	vld [tilespmem:s19+$0xFFFFFFD0]  }
0x124: {  	v6 =	vld [tilespmem:s6+$0xFFFFFFE0]  }
0x125: {  	v7 =	vld [tilespmem:s19+$0xFFFFFFE0]  }
0x126: {  	v4 =	vld [tilespmem:s6+$0xFFFFFF50]  }
0x127: {  	v5 =	vld [tilespmem:s19+$0xFFFFFF50]  }
0x128: {  	v9 =	vld [tilespmem:s6+$0xFFFFFF90]  }
0x129: {  	v10 =	vld [tilespmem:s19+$0xFFFFFF90]  }
0x12a: {  	v11 =	vld [tilespmem:s6+$0xFFFFFFA0]  }
0x12b: {  	v14 =	vld [tilespmem:s19+$0xFFFFFFA0]  }
0x12c: {  	v12 =	vld [tilespmem:s6+$0xFFFFFFB0]  }
0x12d: {  	v15 =	vld [tilespmem:s19+$0xFFFFFFB0]  }
0x12e: {  	v16 =	vld [tilespmem:s6+$0xFFFFFFC0]  }
0x12f: {  	v17 =	vld [tilespmem:s19+$0xFFFFFFC0]  }
0x130: {  	v18 =	vld [tilespmem:s6+$0xFFFFFF10]  }
0x131: {  	v19 =	vld [tilespmem:s19+$0xFFFFFF10]  }
0x132: {  	v20 =	vld [tilespmem:s6+$0xFFFFFF20]  }
0x133: {  	v23 =	vld [tilespmem:s19+$0xFFFFFF20]  }
0x134: {  	v21 =	vld [tilespmem:s6+$0xFFFFFF30]  }
0x135: {  	v24 =	vld [tilespmem:s19+$0xFFFFFF30]  }
0x136: {  	v25 =	vld [tilespmem:s6+$0xFFFFFF40];
	v8 =	vmul.f32 v8, v2  }
0x137: {  	s8 =	simm.s32 $0x0;
	s9 =	simm.s32 $0x2;
	v26 =	vld [tilespmem:s19+$0xFFFFFF40];
	v2 =	vimm.f32 $0.0e+00;
	v22 =	vmul.f32 v28, v22;
	v13 =	vmul.f32 v27, v13  }
.LBB2_7:
0x138: {  	p3 =	slt.u32 s9, $0xE;
	v27 =	vld [tilespmem:s6+$0xFFFFFF60];
	v9 =	vmul.f32 v10, v9;
	v10 =	vmul.f32 v14, v11  }
0x139: {  	v12 =	vmul.f32 v15, v12;
	v14 =	vmul.f32 v17, v16;
	v11 =	vld [tilespmem:s19+$0xFFFFFF60]  }
0x13a: {  	v15 =	vmul.f32 v19, v18;
	v6 =	vmul.f32 v7, v6;
	v16 =	vld [tilespmem:s6+$0xFFFFFF80]  }
0x13b: {  	v7 =	vmul.f32 v23, v20;
	v9 =	vadd.f32 v12, v9;
	v10 =	vadd.f32 v14, v10;
	s6 =	sadd.s32 $0x100, s6;
	v17 =	vld [tilespmem:s19+$0xFFFFFF80]  }
0x13c: {  	v12 =	vmul.f32 v24, v21;
	s19 =	sadd.s32 $0x100, s19;
	v28 =	vld [tilespmem:s6+$0xFFFFFFF0];
	v14 =	vmul.f32 v26, v25  }
0x13d: {  	v4 =	vmul.f32 v5, v4;
	v5 =	vadd.f32 v22, v9;
	v6 =	vadd.f32 v6, v10;
	v26 =	vld [tilespmem:s19+$0xFFFFFFF0]  }
0x13e: {  	v9 =	vadd.f32 v12, v15;
	v29 =	vld [tilespmem:s6+$0x0];
	v7 =	vadd.f32 v14, v7;
	v10 =	vmul.f32 v11, v27  }
0x13f: {  	v11 =	vmul.f32 v3, v1;
	v5 =	vadd.f32 v8, v5;
	v6 =	vadd.f32 v13, v6;
	v27 =	vld [tilespmem:s19+$0x0]  }
0x140: {  	v4 =	vadd.f32 v4, v9;
	v1 =	vld [tilespmem:s6+$0xFFFFFF70];
	v7 =	vadd.f32 v10, v7;
	v8 =	vmul.f32 v17, v16  }
0x141: {  	v5 =	vadd.f32 v6, v5;
	v3 =	vld [tilespmem:s19+$0xFFFFFF70]  }
0x142: {  	v4 =	vadd.f32 v11, v4;
	v13 =	vld [tilespmem:s6+$0xFFFFFFD0];
	v7 =	vadd.f32 v8, v7  }
0x143: {  	v22 =	vld [tilespmem:s19+$0xFFFFFFD0];
	(xrf2) =	vadd.scan.msk.f32 $0xffff, v5  }
0x144: {  	v6 =	vld [tilespmem:s6+$0xFFFFFFE0];
	v5 =	vadd.f32 v7, v4  }
0x145: {  	v7 =	vld [tilespmem:s19+$0xFFFFFFE0]  }
0x146: {  	v4 =	vld [tilespmem:s6+$0xFFFFFF50];
	(xrf2) =	vadd.scan.msk.f32 $0xffff, v5  }
0x147: {  	v5 =	vld [tilespmem:s19+$0xFFFFFF50]  }
0x148: {  	v9 =	vld [tilespmem:s6+$0xFFFFFF90]  }
0x149: {  	v10 =	vld [tilespmem:s19+$0xFFFFFF90]  }
0x14a: {  	v11 =	vld [tilespmem:s6+$0xFFFFFFA0]  }
0x14b: {  	v14 =	vld [tilespmem:s19+$0xFFFFFFA0]  }
0x14c: {  	v12 =	vld [tilespmem:s6+$0xFFFFFFB0]  }
0x14d: {  	v15 =	vld [tilespmem:s19+$0xFFFFFFB0];
	v8, _, _ =	vpop (xrf2)  }
0x14e: {  	v16 =	vld [tilespmem:s6+$0xFFFFFFC0]  }
0x14f: {  	v17 =	vld [tilespmem:s19+$0xFFFFFFC0]  }
0x150: {  	v18 =	vld [tilespmem:s6+$0xFFFFFF10];
	v20, _, _ =	vpop (xrf2)  }
0x151: {  	s10 =	sadd.s32 $0x1, s8;
	v21 =	vmov s8;
	s8 =	smov.u32 s9;
	v19 =	vld [tilespmem:s19+$0xFFFFFF10];
	v24 =	vbroadcast v20, $0xF  }
0x152: {  	vm0 =	veq.s32 v21, v0;
	v21 =	vmov s10;
	v8 =	vbroadcast v8, $0xF;
	v20 =	vld [tilespmem:s6+$0xFFFFFF20]  }
.Ltmp4:
0x153: {  	v23 =	vld [tilespmem:s19+$0xFFFFFF20];
	v2 =	vsel vm0, v24, v2;
	vm0 =	veq.s32 v21, v0;
	(pc) =	sbr.rel @p3 .LBB2_7-.Ltmp4, $4  }
0x154: {  	v21 =	vld [tilespmem:s6+$0xFFFFFF30];
	v2 =	vsel vm0, v8, v2  }
0x155: {  	v24 =	vld [tilespmem:s19+$0xFFFFFF30]  }
0x156: {  	v8 =	vmul.f32 v26, v28;
	v25 =	vld [tilespmem:s6+$0xFFFFFF40]  }
0x157: {  	s9 =	sadd.s32 $0x2, s9;
	v22 =	vmul.f32 v22, v13;
	v13 =	vmul.f32 v27, v29;
	v26 =	vld [tilespmem:s19+$0xFFFFFF40]  }
0x158: {  	v27 =	vld [tilespmem:s6+$0xFFFFFF60];
	v9 =	vmul.f32 v10, v9  }
0x159: {  	v10 =	vmul.f32 v14, v11;
	v11 =	vld [tilespmem:s19+$0xFFFFFF60];
	v12 =	vmul.f32 v15, v12  }
0x15a: {  	v14 =	vmul.f32 v17, v16;
	v15 =	vmul.f32 v19, v18;
	v16 =	vld [tilespmem:s6+$0xFFFFFF80]  }
0x15b: {  	v6 =	vmul.f32 v7, v6;
	v7 =	vmul.f32 v23, v20;
	v17 =	vld [tilespmem:s19+$0xFFFFFF80]  }
0x15c: {  	v18 =	vmul.f32 v24, v21;
	v19 =	vmul.f32 v26, v25  }
0x15d: {  	v4 =	vmul.f32 v5, v4;
	v9 =	vadd.f32 v12, v9;
	v10 =	vadd.f32 v14, v10  }
0x15e: {  	v5 =	vadd.f32 v18, v15;
	v11 =	vmul.f32 v11, v27;
	v7 =	vadd.f32 v19, v7  }
0x15f: {  	v1 =	vmul.f32 v3, v1;
	v9 =	vadd.f32 v22, v9;
	v6 =	vadd.f32 v6, v10  }
0x160: {  	v3 =	vadd.f32 v4, v5;
	v5 =	vmul.f32 v17, v16;
	v4 =	vadd.f32 v11, v7  }
0x161: {  	v6 =	vadd.f32 v13, v6;
	v7 =	vadd.f32 v8, v9  }
0x162: {  	v1 =	vadd.f32 v1, v3;
	v3 =	vadd.f32 v5, v4  }
0x163: {  	v4 =	vadd.f32 v6, v7  }
0x164: {  	v1 =	vadd.f32 v3, v1  }
0x165: {  	(xrf2) =	vadd.scan.msk.f32 $0xffff, v4  }
0x166: {  	(xrf2) =	vadd.scan.msk.f32 $0xffff, v1;
	_ =	sdelay $0x8  }
0x167: {  	v1, _, _ =	vpop (xrf2)  }
0x168: {  	v3, _, _ =	vpop (xrf2)  }
0x169: {  	s10 =	sadd.s32 $0x1, s8;
	v4 =	vmov s8;
	v3 =	vbroadcast v3, $0xF  }
0x16a: {  	vm0 =	veq.s32 v4, v0;
	v4 =	vmov s10;
	v1 =	vbroadcast v1, $0xF  }
0x16b: {  	s19 =	sadd.s32 s18, s12;
	vm15 =	veq.s32 v4, v0;
	v2 =	vsel vm0, v3, v2  }
0x16c: {  	s6 =	sshrl.u32 s19, $0x3;
	v1 =	vsel vm15, v1, v2  }
0x16d: {  	s6 =	sadd.s32 s4, s6;
	[tilespmem:$0xA000] =	vst v1  }
0x16e: {  	[hbm4b:s6+s3] =	stream.linear.scatter [tilespmem:s0], [sflag:$0x8], $0x10, $0x38;
	[tilespmem:$0x1DB80] =	vst v63  }
0x16f: {  	s9 =	simm.s32 @!p2 $0x5F00;
	s8 =	simm.s32 @!p2 $0x10;
	s6 =	sadd.s32 @!p2 $0x70, s18  }
0x170: {  	[tilespmem:s9], [sflag:$0x3] =	stream.indirect.gather @!p2 [spmem:s2], $0x80, s6, s8, $0xb8;
	[tilespmem:$0x1DB80] =	vst v63  }
0x171: {  	s6 =	sadd.s32 @!p2 $0x27F0, s18;
	s9 =	simm.s32 @!p2 $0x8700  }
0x172: {  	[tilespmem:s9], [sflag:$0x3] =	stream.indirect.gather @!p2 [spmem:s2], $0x80, s6, s8, $0xb8;
	[tilespmem:$0x1DB80] =	vst v63  }
0x173: {  	_ =	swait.ge [sflag:s1], $0x800  }
0x174: {  	[sflag:s1] =	ssyncset.done $0x0  }
0x175: {  	[sflag:s1] =	ssyncadd.s32 $0xFFFFF800  }
0x176: {  	_ =	swait.ge [sflag:s1], $0x800  }
0x177: {  	[sflag:s1] =	ssyncset.done $0x0  }
0x178: {  	s6 =	simm.s32 @!p1 $0x9;
	[sflag:s1] =	ssyncadd.s32 $0xFFFFF800  }
0x179: {  	_ =	swait.ge @!p1 [sflag:s6], $0x10  }
0x17a: {  	[sflag:s6] =	ssyncset.done @!p1 $0x0  }
0x17b: {  	[sflag:s6] =	ssyncadd.s32 @!p1 $0xFFFFFFF0;
	s6 =	simm.s32 $0x67F0  }
0x17c: {  	s19 =	simm.s32 $0x8FF0;
	v2 =	vld [tilespmem:s6+$0xFFFFFFF0]  }
0x17d: {  	v8 =	vld [tilespmem:s19+$0xFFFFFFF0]  }
0x17e: {  	v13 =	vld [tilespmem:s6+$0x0]  }
0x17f: {  	v27 =	vld [tilespmem:s19+$0x0]  }
0x180: {  	v1 =	vld [tilespmem:s6+$0xFFFFFF70]  }
0x181: {  	v3 =	vld [tilespmem:s19+$0xFFFFFF70]  }
0x182: {  	v22 =	vld [tilespmem:s6+$0xFFFFFFD0]  }
0x183: {  	v28 =	vld [tilespmem:s19+$0xFFFFFFD0]  }
0x184: {  	v6 =	vld [tilespmem:s6+$0xFFFFFFE0]  }
0x185: {  	v7 =	vld [tilespmem:s19+$0xFFFFFFE0]  }
0x186: {  	v4 =	vld [tilespmem:s6+$0xFFFFFF50]  }
0x187: {  	v5 =	vld [tilespmem:s19+$0xFFFFFF50]  }
0x188: {  	v9 =	vld [tilespmem:s6+$0xFFFFFF90]  }
0x189: {  	v10 =	vld [tilespmem:s19+$0xFFFFFF90]  }
0x18a: {  	v11 =	vld [tilespmem:s6+$0xFFFFFFA0]  }
0x18b: {  	v14 =	vld [tilespmem:s19+$0xFFFFFFA0]  }
0x18c: {  	v12 =	vld [tilespmem:s6+$0xFFFFFFB0]  }
0x18d: {  	v15 =	vld [tilespmem:s19+$0xFFFFFFB0]  }
0x18e: {  	v16 =	vld [tilespmem:s6+$0xFFFFFFC0]  }
0x18f: {  	v17 =	vld [tilespmem:s19+$0xFFFFFFC0]  }
0x190: {  	v18 =	vld [tilespmem:s6+$0xFFFFFF10]  }
0x191: {  	v19 =	vld [tilespmem:s19+$0xFFFFFF10]  }
0x192: {  	v20 =	vld [tilespmem:s6+$0xFFFFFF20]  }
0x193: {  	v23 =	vld [tilespmem:s19+$0xFFFFFF20]  }
0x194: {  	v21 =	vld [tilespmem:s6+$0xFFFFFF30]  }
0x195: {  	v24 =	vld [tilespmem:s19+$0xFFFFFF30]  }
0x196: {  	v25 =	vld [tilespmem:s6+$0xFFFFFF40];
	v8 =	vmul.f32 v8, v2  }
0x197: {  	s8 =	simm.s32 $0x0;
	s9 =	simm.s32 $0x2;
	v26 =	vld [tilespmem:s19+$0xFFFFFF40];
	v2 =	vimm.f32 $0.0e+00;
	v22 =	vmul.f32 v28, v22;
	v13 =	vmul.f32 v27, v13  }
.LBB2_9:
0x198: {  	p3 =	slt.u32 s9, $0xE;
	v27 =	vld [tilespmem:s6+$0xFFFFFF60];
	v9 =	vmul.f32 v10, v9;
	v10 =	vmul.f32 v14, v11  }
0x199: {  	v12 =	vmul.f32 v15, v12;
	v14 =	vmul.f32 v17, v16;
	v11 =	vld [tilespmem:s19+$0xFFFFFF60]  }
0x19a: {  	v15 =	vmul.f32 v19, v18;
	v6 =	vmul.f32 v7, v6;
	v16 =	vld [tilespmem:s6+$0xFFFFFF80]  }
0x19b: {  	v7 =	vmul.f32 v23, v20;
	v9 =	vadd.f32 v12, v9;
	v10 =	vadd.f32 v14, v10;
	s6 =	sadd.s32 $0x100, s6;
	v17 =	vld [tilespmem:s19+$0xFFFFFF80]  }
0x19c: {  	v12 =	vmul.f32 v24, v21;
	s19 =	sadd.s32 $0x100, s19;
	v28 =	vld [tilespmem:s6+$0xFFFFFFF0];
	v14 =	vmul.f32 v26, v25  }
0x19d: {  	v4 =	vmul.f32 v5, v4;
	v5 =	vadd.f32 v22, v9;
	v6 =	vadd.f32 v6, v10;
	v26 =	vld [tilespmem:s19+$0xFFFFFFF0]  }
0x19e: {  	v9 =	vadd.f32 v12, v15;
	v29 =	vld [tilespmem:s6+$0x0];
	v7 =	vadd.f32 v14, v7;
	v10 =	vmul.f32 v11, v27  }
0x19f: {  	v11 =	vmul.f32 v3, v1;
	v5 =	vadd.f32 v8, v5;
	v6 =	vadd.f32 v13, v6;
	v27 =	vld [tilespmem:s19+$0x0]  }
0x1a0: {  	v4 =	vadd.f32 v4, v9;
	v1 =	vld [tilespmem:s6+$0xFFFFFF70];
	v7 =	vadd.f32 v10, v7;
	v8 =	vmul.f32 v17, v16  }
0x1a1: {  	v5 =	vadd.f32 v6, v5;
	v3 =	vld [tilespmem:s19+$0xFFFFFF70]  }
0x1a2: {  	v4 =	vadd.f32 v11, v4;
	v13 =	vld [tilespmem:s6+$0xFFFFFFD0];
	v7 =	vadd.f32 v8, v7  }
0x1a3: {  	v22 =	vld [tilespmem:s19+$0xFFFFFFD0];
	(xrf2) =	vadd.scan.msk.f32 $0xffff, v5  }
0x1a4: {  	v6 =	vld [tilespmem:s6+$0xFFFFFFE0];
	v5 =	vadd.f32 v7, v4  }
0x1a5: {  	v7 =	vld [tilespmem:s19+$0xFFFFFFE0]  }
0x1a6: {  	v4 =	vld [tilespmem:s6+$0xFFFFFF50];
	(xrf2) =	vadd.scan.msk.f32 $0xffff, v5  }
0x1a7: {  	v5 =	vld [tilespmem:s19+$0xFFFFFF50]  }
0x1a8: {  	v9 =	vld [tilespmem:s6+$0xFFFFFF90]  }
0x1a9: {  	v10 =	vld [tilespmem:s19+$0xFFFFFF90]  }
0x1aa: {  	v11 =	vld [tilespmem:s6+$0xFFFFFFA0]  }
0x1ab: {  	v14 =	vld [tilespmem:s19+$0xFFFFFFA0]  }
0x1ac: {  	v12 =	vld [tilespmem:s6+$0xFFFFFFB0]  }
0x1ad: {  	v15 =	vld [tilespmem:s19+$0xFFFFFFB0];
	v8, _, _ =	vpop (xrf2)  }
0x1ae: {  	v16 =	vld [tilespmem:s6+$0xFFFFFFC0]  }
0x1af: {  	v17 =	vld [tilespmem:s19+$0xFFFFFFC0]  }
0x1b0: {  	v18 =	vld [tilespmem:s6+$0xFFFFFF10];
	v20, _, _ =	vpop (xrf2)  }
0x1b1: {  	s10 =	sadd.s32 $0x1, s8;
	v21 =	vmov s8;
	s8 =	smov.u32 s9;
	v19 =	vld [tilespmem:s19+$0xFFFFFF10];
	v24 =	vbroadcast v20, $0xF  }
0x1b2: {  	vm0 =	veq.s32 v21, v0;
	v21 =	vmov s10;
	v8 =	vbroadcast v8, $0xF;
	v20 =	vld [tilespmem:s6+$0xFFFFFF20]  }
.Ltmp5:
0x1b3: {  	v23 =	vld [tilespmem:s19+$0xFFFFFF20];
	v2 =	vsel vm0, v24, v2;
	vm0 =	veq.s32 v21, v0;
	(pc) =	sbr.rel @p3 .LBB2_9-.Ltmp5, $4  }
0x1b4: {  	v21 =	vld [tilespmem:s6+$0xFFFFFF30];
	v2 =	vsel vm0, v8, v2  }
0x1b5: {  	v24 =	vld [tilespmem:s19+$0xFFFFFF30]  }
0x1b6: {  	v8 =	vmul.f32 v26, v28;
	v25 =	vld [tilespmem:s6+$0xFFFFFF40]  }
0x1b7: {  	s9 =	sadd.s32 $0x2, s9;
	v22 =	vmul.f32 v22, v13;
	v13 =	vmul.f32 v27, v29;
	v26 =	vld [tilespmem:s19+$0xFFFFFF40]  }
0x1b8: {  	v27 =	vld [tilespmem:s6+$0xFFFFFF60];
	v9 =	vmul.f32 v10, v9  }
0x1b9: {  	v10 =	vmul.f32 v14, v11;
	v11 =	vld [tilespmem:s19+$0xFFFFFF60];
	v12 =	vmul.f32 v15, v12  }
0x1ba: {  	v14 =	vmul.f32 v17, v16;
	v15 =	vmul.f32 v19, v18;
	v16 =	vld [tilespmem:s6+$0xFFFFFF80]  }
0x1bb: {  	v6 =	vmul.f32 v7, v6;
	v7 =	vmul.f32 v23, v20;
	v17 =	vld [tilespmem:s19+$0xFFFFFF80]  }
0x1bc: {  	v18 =	vmul.f32 v24, v21;
	v19 =	vmul.f32 v26, v25  }
0x1bd: {  	v4 =	vmul.f32 v5, v4;
	v9 =	vadd.f32 v12, v9;
	v10 =	vadd.f32 v14, v10  }
0x1be: {  	v5 =	vadd.f32 v18, v15;
	v11 =	vmul.f32 v11, v27;
	v7 =	vadd.f32 v19, v7  }
0x1bf: {  	v1 =	vmul.f32 v3, v1;
	v9 =	vadd.f32 v22, v9;
	v6 =	vadd.f32 v6, v10  }
0x1c0: {  	v3 =	vadd.f32 v4, v5;
	v5 =	vmul.f32 v17, v16;
	v4 =	vadd.f32 v11, v7  }
0x1c1: {  	v6 =	vadd.f32 v13, v6;
	v7 =	vadd.f32 v8, v9  }
0x1c2: {  	v1 =	vadd.f32 v1, v3;
	v3 =	vadd.f32 v5, v4  }
0x1c3: {  	v4 =	vadd.f32 v6, v7  }
0x1c4: {  	v1 =	vadd.f32 v3, v1  }
0x1c5: {  	(xrf2) =	vadd.scan.msk.f32 $0xffff, v4  }
0x1c6: {  	(xrf2) =	vadd.scan.msk.f32 $0xffff, v1;
	_ =	sdelay $0x8  }
0x1c7: {  	v1, _, _ =	vpop (xrf2)  }
0x1c8: {  	v3, _, _ =	vpop (xrf2)  }
0x1c9: {  	s10 =	sadd.s32 $0x1, s8;
	v4 =	vmov s8;
	v3 =	vbroadcast v3, $0xF  }
0x1ca: {  	vm0 =	veq.s32 v4, v0;
	v4 =	vmov s10;
	v1 =	vbroadcast v1, $0xF  }
0x1cb: {  	s19 =	sadd.s32 s18, s13;
	vm15 =	veq.s32 v4, v0;
	v2 =	vsel vm0, v3, v2  }
0x1cc: {  	s6 =	sshrl.u32 s19, $0x3;
	v1 =	vsel vm15, v1, v2  }
0x1cd: {  	s6 =	sadd.s32 s4, s6;
	[tilespmem:$0xA080] =	vst v1  }
0x1ce: {  	[hbm4b:s6+s3] =	stream.linear.scatter [tilespmem:s21], [sflag:$0x9], $0x10, $0x38;
	[tilespmem:$0x1DB80] =	vst v63  }
0x1cf: {  	s9 =	simm.s32 @!p2 $0x6700;
	s8 =	simm.s32 @!p2 $0x10;
	s6 =	sadd.s32 @!p2 $0x80, s18  }
0x1d0: {  	[tilespmem:s9], [sflag:$0x4] =	stream.indirect.gather @!p2 [spmem:s2], $0x80, s6, s8, $0xb8;
	[tilespmem:$0x1DB80] =	vst v63  }
0x1d1: {  	s6 =	sadd.s32 @!p2 $0x2800, s18;
	s9 =	simm.s32 @!p2 $0x8F00  }
0x1d2: {  	[tilespmem:s9], [sflag:$0x4] =	stream.indirect.gather @!p2 [spmem:s2], $0x80, s6, s8, $0xb8;
	[tilespmem:$0x1DB80] =	vst v63  }
0x1d3: {  	_ =	swait.ge [sflag:s22], $0x800  }
0x1d4: {  	[sflag:s22] =	ssyncset.done $0x0  }
0x1d5: {  	[sflag:s22] =	ssyncadd.s32 $0xFFFFF800  }
0x1d6: {  	_ =	swait.ge [sflag:s22], $0x800  }
0x1d7: {  	[sflag:s22] =	ssyncset.done $0x0  }
0x1d8: {  	s6 =	simm.s32 @!p1 $0xA;
	[sflag:s22] =	ssyncadd.s32 $0xFFFFF800  }
0x1d9: {  	_ =	swait.ge @!p1 [sflag:s6], $0x10  }
0x1da: {  	[sflag:s6] =	ssyncset.done @!p1 $0x0  }
0x1db: {  	[sflag:s6] =	ssyncadd.s32 @!p1 $0xFFFFFFF0;
	s6 =	simm.s32 $0x6FF0  }
0x1dc: {  	s19 =	simm.s32 $0x97F0;
	v2 =	vld [tilespmem:s6+$0xFFFFFFF0]  }
0x1dd: {  	v8 =	vld [tilespmem:s19+$0xFFFFFFF0]  }
0x1de: {  	v13 =	vld [tilespmem:s6+$0x0]  }
0x1df: {  	v27 =	vld [tilespmem:s19+$0x0]  }
0x1e0: {  	v1 =	vld [tilespmem:s6+$0xFFFFFF70]  }
0x1e1: {  	v3 =	vld [tilespmem:s19+$0xFFFFFF70]  }
0x1e2: {  	v22 =	vld [tilespmem:s6+$0xFFFFFFD0]  }
0x1e3: {  	v28 =	vld [tilespmem:s19+$0xFFFFFFD0]  }
0x1e4: {  	v6 =	vld [tilespmem:s6+$0xFFFFFFE0]  }
0x1e5: {  	v7 =	vld [tilespmem:s19+$0xFFFFFFE0]  }
0x1e6: {  	v4 =	vld [tilespmem:s6+$0xFFFFFF50]  }
0x1e7: {  	v5 =	vld [tilespmem:s19+$0xFFFFFF50]  }
0x1e8: {  	v9 =	vld [tilespmem:s6+$0xFFFFFF90]  }
0x1e9: {  	v10 =	vld [tilespmem:s19+$0xFFFFFF90]  }
0x1ea: {  	v11 =	vld [tilespmem:s6+$0xFFFFFFA0]  }
0x1eb: {  	v14 =	vld [tilespmem:s19+$0xFFFFFFA0]  }
0x1ec: {  	v12 =	vld [tilespmem:s6+$0xFFFFFFB0]  }
0x1ed: {  	v15 =	vld [tilespmem:s19+$0xFFFFFFB0]  }
0x1ee: {  	v16 =	vld [tilespmem:s6+$0xFFFFFFC0]  }
0x1ef: {  	v17 =	vld [tilespmem:s19+$0xFFFFFFC0]  }
0x1f0: {  	v18 =	vld [tilespmem:s6+$0xFFFFFF10]  }
0x1f1: {  	v19 =	vld [tilespmem:s19+$0xFFFFFF10]  }
0x1f2: {  	v20 =	vld [tilespmem:s6+$0xFFFFFF20]  }
0x1f3: {  	v23 =	vld [tilespmem:s19+$0xFFFFFF20]  }
0x1f4: {  	v21 =	vld [tilespmem:s6+$0xFFFFFF30]  }
0x1f5: {  	v24 =	vld [tilespmem:s19+$0xFFFFFF30]  }
0x1f6: {  	v25 =	vld [tilespmem:s6+$0xFFFFFF40];
	v8 =	vmul.f32 v8, v2  }
0x1f7: {  	s8 =	simm.s32 $0x0;
	s9 =	simm.s32 $0x2;
	v26 =	vld [tilespmem:s19+$0xFFFFFF40];
	v2 =	vimm.f32 $0.0e+00;
	v22 =	vmul.f32 v28, v22;
	v13 =	vmul.f32 v27, v13  }
.LBB2_11:
0x1f8: {  	p1 =	slt.u32 s9, $0xE;
	v27 =	vld [tilespmem:s6+$0xFFFFFF60];
	v9 =	vmul.f32 v10, v9;
	v10 =	vmul.f32 v14, v11  }
0x1f9: {  	v12 =	vmul.f32 v15, v12;
	v14 =	vmul.f32 v17, v16;
	v11 =	vld [tilespmem:s19+$0xFFFFFF60]  }
0x1fa: {  	v15 =	vmul.f32 v19, v18;
	v6 =	vmul.f32 v7, v6;
	v16 =	vld [tilespmem:s6+$0xFFFFFF80]  }
0x1fb: {  	v7 =	vmul.f32 v23, v20;
	v9 =	vadd.f32 v12, v9;
	v10 =	vadd.f32 v14, v10;
	s6 =	sadd.s32 $0x100, s6;
	v17 =	vld [tilespmem:s19+$0xFFFFFF80]  }
0x1fc: {  	v12 =	vmul.f32 v24, v21;
	s19 =	sadd.s32 $0x100, s19;
	v28 =	vld [tilespmem:s6+$0xFFFFFFF0];
	v14 =	vmul.f32 v26, v25  }
0x1fd: {  	v4 =	vmul.f32 v5, v4;
	v5 =	vadd.f32 v22, v9;
	v6 =	vadd.f32 v6, v10;
	v26 =	vld [tilespmem:s19+$0xFFFFFFF0]  }
0x1fe: {  	v9 =	vadd.f32 v12, v15;
	v29 =	vld [tilespmem:s6+$0x0];
	v7 =	vadd.f32 v14, v7;
	v10 =	vmul.f32 v11, v27  }
0x1ff: {  	v11 =	vmul.f32 v3, v1;
	v5 =	vadd.f32 v8, v5;
	v6 =	vadd.f32 v13, v6;
	v27 =	vld [tilespmem:s19+$0x0]  }
0x200: {  	v4 =	vadd.f32 v4, v9;
	v1 =	vld [tilespmem:s6+$0xFFFFFF70];
	v7 =	vadd.f32 v10, v7;
	v8 =	vmul.f32 v17, v16  }
0x201: {  	v5 =	vadd.f32 v6, v5;
	v3 =	vld [tilespmem:s19+$0xFFFFFF70]  }
0x202: {  	v4 =	vadd.f32 v11, v4;
	v13 =	vld [tilespmem:s6+$0xFFFFFFD0];
	v7 =	vadd.f32 v8, v7  }
0x203: {  	v22 =	vld [tilespmem:s19+$0xFFFFFFD0];
	(xrf2) =	vadd.scan.msk.f32 $0xffff, v5  }
0x204: {  	v6 =	vld [tilespmem:s6+$0xFFFFFFE0];
	v5 =	vadd.f32 v7, v4  }
0x205: {  	v7 =	vld [tilespmem:s19+$0xFFFFFFE0]  }
0x206: {  	v4 =	vld [tilespmem:s6+$0xFFFFFF50];
	(xrf2) =	vadd.scan.msk.f32 $0xffff, v5  }
0x207: {  	v5 =	vld [tilespmem:s19+$0xFFFFFF50]  }
0x208: {  	v9 =	vld [tilespmem:s6+$0xFFFFFF90]  }
0x209: {  	v10 =	vld [tilespmem:s19+$0xFFFFFF90]  }
0x20a: {  	v11 =	vld [tilespmem:s6+$0xFFFFFFA0]  }
0x20b: {  	v14 =	vld [tilespmem:s19+$0xFFFFFFA0]  }
0x20c: {  	v12 =	vld [tilespmem:s6+$0xFFFFFFB0]  }
0x20d: {  	v15 =	vld [tilespmem:s19+$0xFFFFFFB0];
	v8, _, _ =	vpop (xrf2)  }
0x20e: {  	v16 =	vld [tilespmem:s6+$0xFFFFFFC0]  }
0x20f: {  	v17 =	vld [tilespmem:s19+$0xFFFFFFC0]  }
0x210: {  	v18 =	vld [tilespmem:s6+$0xFFFFFF10];
	v20, _, _ =	vpop (xrf2)  }
0x211: {  	s10 =	sadd.s32 $0x1, s8;
	v21 =	vmov s8;
	s8 =	smov.u32 s9;
	v19 =	vld [tilespmem:s19+$0xFFFFFF10];
	v24 =	vbroadcast v20, $0xF  }
0x212: {  	vm0 =	veq.s32 v21, v0;
	v21 =	vmov s10;
	v8 =	vbroadcast v8, $0xF;
	v20 =	vld [tilespmem:s6+$0xFFFFFF20]  }
.Ltmp6:
0x213: {  	v23 =	vld [tilespmem:s19+$0xFFFFFF20];
	v2 =	vsel vm0, v24, v2;
	vm0 =	veq.s32 v21, v0;
	(pc) =	sbr.rel @p1 .LBB2_11-.Ltmp6, $4  }
0x214: {  	v21 =	vld [tilespmem:s6+$0xFFFFFF30];
	v2 =	vsel vm0, v8, v2  }
0x215: {  	v24 =	vld [tilespmem:s19+$0xFFFFFF30]  }
0x216: {  	v8 =	vmul.f32 v26, v28;
	v25 =	vld [tilespmem:s6+$0xFFFFFF40]  }
0x217: {  	s9 =	sadd.s32 $0x2, s9;
	v22 =	vmul.f32 v22, v13;
	v13 =	vmul.f32 v27, v29;
	v26 =	vld [tilespmem:s19+$0xFFFFFF40]  }
0x218: {  	v27 =	vld [tilespmem:s6+$0xFFFFFF60];
	v9 =	vmul.f32 v10, v9  }
0x219: {  	v48 =	vmul.f32 v14, v11;
	v49 =	vld [tilespmem:s19+$0xFFFFFF60];
	v12 =	vmul.f32 v15, v12  }
0x21a: {  	v50 =	vmul.f32 v17, v16;
	v51 =	vmul.f32 v19, v18;
	v52 =	vld [tilespmem:s6+$0xFFFFFF80]  }
0x21b: {  	v6 =	vmul.f32 v7, v6;
	v53 =	vmul.f32 v23, v20;
	v54 =	vld [tilespmem:s19+$0xFFFFFF80]  }
0x21c: {  	v55 =	vmul.f32 v24, v21;
	v56 =	vmul.f32 v26, v25  }
0x21d: {  	v4 =	vmul.f32 v5, v4;
	v9 =	vadd.f32 v12, v9;
	v10 =	vadd.f32 v50, v48  }
0x21e: {  	v57 =	vadd.f32 v55, v51;
	v11 =	vmul.f32 v49, v27;
	v7 =	vadd.f32 v56, v53  }
0x21f: {  	v1 =	vmul.f32 v3, v1;
	v9 =	vadd.f32 v22, v9;
	v6 =	vadd.f32 v6, v10  }
0x220: {  	v59 =	vmul.f32 v54, v52;
	v3 =	vadd.f32 v4, v57;
	v58 =	vadd.f32 v11, v7  }
0x221: {  	v60 =	vadd.f32 v8, v9;
	v6 =	vadd.f32 v13, v6  }
0x222: {  	v1 =	vadd.f32 v1, v3;
	v3 =	vadd.f32 v59, v58  }
0x223: {  	v61 =	vadd.f32 v6, v60  }
0x224: {  	v1 =	vadd.f32 v3, v1  }
0x225: {  	(xrf2) =	vadd.scan.msk.f32 $0xffff, v61  }
0x226: {  	(xrf2) =	vadd.scan.msk.f32 $0xffff, v1;
	_ =	sdelay $0x8  }
0x227: {  	v1, _, _ =	vpop (xrf2)  }
0x228: {  	v3, _, _ =	vpop (xrf2)  }
0x229: {  	v62 =	vmov s8;
	s10 =	sadd.s32 $0x1, s8;
	v3 =	vbroadcast v3, $0xF  }
.Ltmp7:
0x22a: {  	vm0 =	veq.s32 v62, v0;
	v63 =	vmov s10;
	v1 =	vbroadcast v1, $0xF;
	(pc) =	sbr.rel @p2 .LBB2_14-.Ltmp7, $4  }
0x22b: {  	s19 =	sadd.s32 s18, s14;
	vm15 =	veq.s32 v63, v0;
	v2 =	vsel vm0, v3, v2  }
0x22c: {  	s6 =	sshrl.u32 s19, $0x3;
	v1 =	vsel vm15, v1, v2  }
0x22d: {  	s6 =	sadd.s32 s4, s6;
	[tilespmem:$0xA100] =	vst v1  }
0x22e: {  	[hbm4b:s6+s3] =	stream.linear.scatter [tilespmem:s24], [sflag:$0xA], $0x10, $0x38;
	[tilespmem:$0x1DB80] =	vst v63  }
.Ltmp8:
0x22f: {  	(pc) =	sbr.rel .LBB2_2-.Ltmp8, $4  }
0x230: {  	s6 =	sadd.s32 $0x90, s18  }
0x231: {  	[tilespmem:s23], [sflag:$0x5] =	stream.indirect.gather [spmem:s2], $0x80, s6, s20, $0xb8;
	[tilespmem:$0x1DB80] =	vst v63  }
0x232: {  	s19 =	sadd.s32 $0x2810, s18;
	s16 =	sadd.s32 $0x1, s16  }
0x233: {  	[tilespmem:s25], [sflag:$0x5] =	stream.indirect.gather [spmem:s2], $0x80, s19, s20, $0xb8;
	[tilespmem:$0x1DB80] =	vst v63  }
.LBB2_15:
0x234: {  	_ =	sfence.sel $0x180000  }
0x235: {  	[bflag:$0x0] =	sbarrier.arrive $0xFFFF  }
0x236: {  	_ =	strace $0x90000047  }
0x237: {  	s0 =	stileid.u32;
	[bflag:$0x2] =	sbarrier.arrive $0xFFFF  }
0x238: {  	p0 =	sne.s32 s0, $0x0;
	s0 =	rddreg [dreg:$0x5]  }
0x239: {  	s0 =	sadd.s32 @!p0 $0x100000, s0  }
0x23a: {  	[sflag:s0] =	ssyncadd.tile.s32 @!p0 $0x1;
	_ =	shalt  }
.Lfunc_end2:
_tile_overlayer_lowered:
.L_overlay_start_2:
0x23b: {  	(tag) =	ssettag $0x2  }
0x23c: {  	s0 =	rddreg [dreg:$0x0];
	s2 =	stileid.u32  }
0x23d: {  	s1 =	rddreg [dreg:$0x1];
	p0 =	sne.s32 s2, $0x0  }
0x23e: {  	s3 =	rddreg [dreg:$0x2];
	[bflag:$0x3] =	sbarrier.arrive $0xFFFF;
	s2 =	simm.s32 @!p0 $0x1C0B  }
0x23f: {  	[timem:s3], [sflag:s2] =	dma.local @!p0 [hbm:s0], s1  }
0x240: {  	s0 =	simm.s32 @!p0 $0xB  }
0x241: {  	_ =	swait.ge @!p0 [sflag:s0], s1  }
0x242: {  	s1 =	ssub.s32 @!p0 $0x0, s1;
	[sflag:s0] =	ssyncset.done @!p0 $0x0  }
0x243: {  	[sflag:s0] =	ssyncadd.s32 @!p0 s1  }
0x244: {  	[bflag:$0x3] =	sbarrier.arrive $0xFFFF  }
0x245: {  	_ =	shalt  }

</sc_bundles>
